<compile_context>
chip_gen: v7x
topology: tpu7x:2x2x1
jax: 0.10.2.dev20260603
libtpu: 0.0.44.dev20260713+nightly
codegen_flags: <defaults>
</compile_context>

<pallas_src>
import functools

import jax
import jax.numpy as jnp
from jax import lax
from jax.experimental import pallas as pl
from jax.experimental.pallas import tpu as pltpu
from jax.experimental.pallas import tpu_sc as plsc

_CORES = 2
_SUBS = 16
_WRK = _CORES * _SUBS
_CH = 128
_BLK = 1024


def _round_up(a, m):
    return (a + m - 1) // m * m



def _sc_degree(dstr, zeros, ones):
    npad, d = zeros.shape
    nj = dstr.shape[1]
    rows = npad // _SUBS
    mesh = plsc.VectorSubcoreMesh(core_axis_name="c", subcore_axis_name="s")

    @functools.partial(
        pl.kernel,
        out_type=jax.ShapeDtypeStruct((_CORES, npad, d), jnp.float32),
        mesh=mesh,
        scratch_types=[
            pltpu.VMEM((nj, _CH), jnp.int32),
            pltpu.VMEM((_CH, d), jnp.float32),
            pltpu.VMEM_SHARED((npad, d), jnp.float32),
            pltpu.SemaphoreType.DMA,
        ],
    )
    def k(dst_hbm, zer_hbm, one_hbm, out_hbm, didx, ones_v, acc, sem):
        c = lax.axis_index("c")
        s = lax.axis_index("s")
        w = c * _SUBS + s
        base = s * rows
        pltpu.sync_copy(zer_hbm.at[pl.ds(base, rows)], acc.at[pl.ds(base, rows)])
        pltpu.sync_copy(dst_hbm.at[w], didx)
        pltpu.sync_copy(one_hbm, ones_v)
        plsc.subcore_barrier()

        def fire(j, carry):
            pltpu.sync_copy(ones_v, acc.at[didx.at[j]], add=True)
            return carry

        lax.fori_loop(0, nj, fire, 0)
        plsc.subcore_barrier()
        pltpu.sync_copy(acc.at[pl.ds(base, rows)],
                        out_hbm.at[c, pl.ds(base, rows)])

    return k(dstr, zeros, ones)


def _sc_scatter(y, srcr, dstr, zeros):
    npad, d = y.shape
    nj = srcr.shape[1]
    rows = npad // _SUBS
    mesh = plsc.VectorSubcoreMesh(core_axis_name="c", subcore_axis_name="s")

    @functools.partial(
        pl.kernel,
        out_type=jax.ShapeDtypeStruct((_CORES, npad, d), jnp.float32),
        mesh=mesh,
        scratch_types=[
            pltpu.VMEM((nj, _CH), jnp.int32),
            pltpu.VMEM((nj, _CH), jnp.int32),
            pltpu.VMEM((_CH, d), jnp.float32),
            pltpu.VMEM_SHARED((npad, d), jnp.float32),
            pltpu.SemaphoreType.DMA,
        ],
    )
    def k(y_hbm, src_hbm, dst_hbm, zer_hbm, out_hbm, sidx, didx, rows_v, acc,
          sem):
        c = lax.axis_index("c")
        s = lax.axis_index("s")
        w = c * _SUBS + s
        base = s * rows
        pltpu.sync_copy(zer_hbm.at[pl.ds(base, rows)], acc.at[pl.ds(base, rows)])
        pltpu.sync_copy(src_hbm.at[w], sidx)
        pltpu.sync_copy(dst_hbm.at[w], didx)
        plsc.subcore_barrier()

        def body(j, carry):
            pltpu.async_copy(y_hbm.at[sidx.at[j]], rows_v, sem).wait()
            pltpu.sync_copy(rows_v, acc.at[didx.at[j]], add=True)
            return carry

        lax.fori_loop(0, nj, body, 0)
        plsc.subcore_barrier()
        pltpu.sync_copy(acc.at[pl.ds(base, rows)],
                        out_hbm.at[c, pl.ds(base, rows)])

    return k(y, srcr, dstr, zeros)



def _tc_first(xp, d0, d1, w0, n):
    npad, d = xp.shape
    grid = npad // _BLK

    def body(xr, d0r, d1r, wr, yr, dvr):
        i = pl.program_id(0)
        deg = d0r[:, 0:1] + d1r[:, 0:1] + 1.0
        iv = lax.rsqrt(deg)
        rows = i * _BLK + lax.broadcasted_iota(jnp.int32, (_BLK, d), 0)
        ivf = jnp.where(rows < n, jnp.broadcast_to(iv, (_BLK, d)), 0.0)
        xw = jnp.dot(xr[...], wr[...], preferred_element_type=jnp.float32)
        yr[...] = ivf * xw
        dvr[...] = ivf

    return pl.pallas_call(
        body,
        grid=(grid,),
        in_specs=[
            pl.BlockSpec((_BLK, d), lambda i: (i, 0)),
            pl.BlockSpec((_BLK, d), lambda i: (i, 0)),
            pl.BlockSpec((_BLK, d), lambda i: (i, 0)),
            pl.BlockSpec((d, d), lambda i: (0, 0)),
        ],
        out_specs=[
            pl.BlockSpec((_BLK, d), lambda i: (i, 0)),
            pl.BlockSpec((_BLK, d), lambda i: (i, 0)),
        ],
        out_shape=[
            jax.ShapeDtypeStruct((npad, d), jnp.float32),
            jax.ShapeDtypeStruct((npad, d), jnp.float32),
        ],
    )(xp, d0, d1, w0)


def _tc_mid(z0, z1, yprev, dinvf, wl, ss, tt):
    npad, d = yprev.shape
    grid = npad // _BLK

    def body(z0r, z1r, ypr, dvr, wr, ssr, ttr, yr):
        pre = dvr[...] * (z0r[...] + z1r[...] + ypr[...])
        h = pre * ssr[...] + ttr[...]
        h = jnp.maximum(h, 0.0)
        yr[...] = dvr[...] * jnp.dot(h, wr[...],
                                     preferred_element_type=jnp.float32)

    return pl.pallas_call(
        body,
        grid=(grid,),
        in_specs=[
            pl.BlockSpec((_BLK, d), lambda i: (i, 0)),
            pl.BlockSpec((_BLK, d), lambda i: (i, 0)),
            pl.BlockSpec((_BLK, d), lambda i: (i, 0)),
            pl.BlockSpec((_BLK, d), lambda i: (i, 0)),
            pl.BlockSpec((d, d), lambda i: (0, 0)),
            pl.BlockSpec((1, d), lambda i: (0, 0)),
            pl.BlockSpec((1, d), lambda i: (0, 0)),
        ],
        out_specs=pl.BlockSpec((_BLK, d), lambda i: (i, 0)),
        out_shape=jax.ShapeDtypeStruct((npad, d), jnp.float32),
    )(z0, z1, yprev, dinvf, wl, ss, tt)


def _tc_last(z0, z1, yprev, dinvf, ss, tt):
    npad, d = yprev.shape
    grid = npad // _BLK

    def body(z0r, z1r, ypr, dvr, ssr, ttr, hr):
        pre = dvr[...] * (z0r[...] + z1r[...] + ypr[...])
        hr[...] = pre * ssr[...] + ttr[...]

    return pl.pallas_call(
        body,
        grid=(grid,),
        in_specs=[
            pl.BlockSpec((_BLK, d), lambda i: (i, 0)),
            pl.BlockSpec((_BLK, d), lambda i: (i, 0)),
            pl.BlockSpec((_BLK, d), lambda i: (i, 0)),
            pl.BlockSpec((_BLK, d), lambda i: (i, 0)),
            pl.BlockSpec((1, d), lambda i: (0, 0)),
            pl.BlockSpec((1, d), lambda i: (0, 0)),
        ],
        out_specs=pl.BlockSpec((_BLK, d), lambda i: (i, 0)),
        out_shape=jax.ShapeDtypeStruct((npad, d), jnp.float32),
    )(z0, z1, yprev, dinvf, ss, tt)


def _tc_pool(node_rep, batchp, atomn, mlpwp, mlpbp, g, n):
    npad, d = node_rep.shape

    def body(nrr, bat, atr, wr, br, outr, ner):
        for j in range(g):
            less = jnp.sum(jnp.where(bat[...] < j, 1, 0).astype(jnp.int32))
            idx = atr[j] + less
            ner[pl.ds(j, 1), :] = nrr[pl.ds(idx, 1), :]
        ne = ner[...]
        o = jnp.dot(ne, wr[...], preferred_element_type=jnp.float32) + br[...]
        outr[...] = jnp.where(o > 0, o, 0.1 * o)

    return pl.pallas_call(
        body,
        in_specs=[
            pl.BlockSpec(memory_space=pltpu.VMEM),
            pl.BlockSpec(memory_space=pltpu.VMEM),
            pl.BlockSpec(memory_space=pltpu.SMEM),
            pl.BlockSpec(memory_space=pltpu.VMEM),
            pl.BlockSpec(memory_space=pltpu.VMEM),
        ],
        out_specs=[
            pl.BlockSpec(memory_space=pltpu.VMEM),
            pl.BlockSpec(memory_space=pltpu.VMEM),
        ],
        out_shape=[
            jax.ShapeDtypeStruct((g, d), jnp.float32),
            jax.ShapeDtypeStruct((g, d), jnp.float32),
        ],
    )(node_rep, batchp, atomn, mlpwp, mlpbp)



def kernel(x, edge_index, edge_attr, batch, atom_num, W, b, bn_gamma,
           bn_beta, bn_mean, bn_var, mlp_W, mlp_b):
    n, d = x.shape
    e = edge_index.shape[1]
    g = atom_num.shape[0]
    nl = W.shape[0]
    t = mlp_W.shape[1]

    npad = _round_up(n + 1, _BLK * 2)
    nj = -(-e // (_WRK * _CH))
    ep = _WRK * nj * _CH

    src = edge_index[0].astype(jnp.int32)
    dst = edge_index[1].astype(jnp.int32)
    padv = jnp.full((ep - e,), n, jnp.int32)
    srcr = jnp.concatenate([src, padv]).reshape(_WRK, nj, _CH)
    dstr = jnp.concatenate([dst, padv]).reshape(_WRK, nj, _CH)

    xp = jnp.pad(x, ((0, npad - n), (0, 0)))
    ones = jnp.ones((_CH, d), jnp.float32)
    zeros = jnp.zeros((npad, d), jnp.float32)

    ss = bn_gamma * lax.rsqrt(bn_var + 1e-5)
    tt = (b - bn_mean) * ss + bn_beta

    degp = _sc_degree(dstr, zeros, ones)
    y, dinvf = _tc_first(xp, degp[0], degp[1], W[0], n)
    node_rep = None
    for l in range(1, nl + 1):
        zp = _sc_scatter(y, srcr, dstr, zeros)
        if l < nl:
            y = _tc_mid(zp[0], zp[1], y, dinvf, W[l],
                        ss[l - 1][None], tt[l - 1][None])
        else:
            node_rep = _tc_last(zp[0], zp[1], y, dinvf,
                                ss[l - 1][None], tt[l - 1][None])

    batchp = jnp.concatenate(
        [batch.astype(jnp.int32),
         jnp.full((npad - n,), g, jnp.int32)]).reshape(-1, 128)
    mlpwp = jnp.pad(mlp_W, ((0, 0), (0, d - t)))
    mlpbp = jnp.pad(mlp_b, (0, d - t))[None]
    outp, node_emb = _tc_pool(node_rep, batchp, atom_num.astype(jnp.int32),
                              mlpwp, mlpbp, g, n)
    return outp[:, :t], node_emb

# --- scband reference (transcript-rebuilt; emitter-appended) ---
"""Pipeline reference for scband-gnn-10703058502289 (READ-ONLY COPY).

The authoritative reference and input builder live on the scoring server;
editing this copy changes nothing except your own understanding.
"""

import jax, jax.numpy as jnp
import numpy as np

N = 10000
E = 320000
D = 128
G = 64
L = 4
T = 10


def setup_inputs(seed: int = 0):
    key = jax.random.key(seed)
    ks = jax.random.split(key, 8)
    x = jax.random.normal(ks[0], (N, D), dtype=jnp.float32)
    edge_index = jax.random.randint(ks[1], (2, E), 0, N)
    edge_attr = jax.random.normal(ks[2], (E, 4), dtype=jnp.float32)
    batch = jnp.sort(jax.random.randint(ks[3], (N,), 0, G))
    atom_num = jnp.zeros((G,), dtype=jnp.int32)
    W = jax.random.normal(ks[4], (L, D, D), dtype=jnp.float32) * (1.0 / np.sqrt(D))
    b = jnp.zeros((L, D), dtype=jnp.float32)
    bn_gamma = jnp.ones((L, D), dtype=jnp.float32)
    bn_beta = jnp.zeros((L, D), dtype=jnp.float32)
    bn_mean = jnp.zeros((L, D), dtype=jnp.float32)
    bn_var = jnp.ones((L, D), dtype=jnp.float32)
    mlp_W = jax.random.normal(ks[5], (D, T), dtype=jnp.float32) * (1.0 / np.sqrt(D))
    mlp_b = jnp.zeros((T,), dtype=jnp.float32)
    return {"x": x, "edge_index": edge_index, "edge_attr": edge_attr, "batch": batch,
            "atom_num": atom_num, "W": W, "b": b, "bn_gamma": bn_gamma, "bn_beta": bn_beta,
            "bn_mean": bn_mean, "bn_var": bn_var, "mlp_W": mlp_W, "mlp_b": mlp_b}


def reference(x, edge_index, edge_attr, batch, atom_num, W, b, bn_gamma, bn_beta, bn_mean, bn_var, mlp_W, mlp_b):
    n = x.shape[0]
    g = atom_num.shape[0]
    # GCN normalization with self-loops (PyG GCNConv semantics)
    loop = jnp.arange(n)
    src = jnp.concatenate([edge_index[0], loop])
    dst = jnp.concatenate([edge_index[1], loop])
    deg = jax.ops.segment_sum(jnp.ones_like(src, dtype=x.dtype), dst, num_segments=n)
    dinv = jnp.where(deg > 0, 1.0 / jnp.sqrt(deg), 0.0)
    norm = (dinv[src] * dinv[dst])[:, None]
    h = x
    for l in range(L):
        xw = h @ W[l]
        agg = jax.ops.segment_sum(norm * xw[src], dst, num_segments=n) + b[l]
        # BatchNorm1d in eval mode
        hbn = (agg - bn_mean[l]) / jnp.sqrt(bn_var[l] + 1e-5) * bn_gamma[l] + bn_beta[l]
        # dropout is a no-op in eval mode (drop_ratio effectively disabled)
        h = hbn if l == L - 1 else jax.nn.relu(hbn)
    node_rep = h
    graph_sizes = jnp.bincount(batch, length=g)
    cum = jnp.concatenate([jnp.zeros((1,), dtype=graph_sizes.dtype), jnp.cumsum(graph_sizes)[:-1]])
    modified = atom_num + cum
    node_emb = node_rep[modified]
    graph_emb = jax.ops.segment_sum(node_rep, batch, num_segments=g)
    h_new = 0.0 * graph_emb + node_emb
    out = h_new @ mlp_W + mlp_b
    out = jnp.where(out > 0, out, 0.1 * out)  # LeakyReLU(0.1)
    return (out, node_emb)

if __name__ == "__main__":
    import jax
    _d = setup_inputs()
    print(jax.jit(kernel)(*tuple(_d.values())))

</pallas_src>

<mosaic_0001>
#map = affine_map<(d0, d1) -> (0, 0)>
#map1 = affine_map<(d0, d1) -> (0, 0, 0)>
module attributes {stable_mosaic.version = 14 : i64} {
  func.func @k(%arg0: i32, %arg1: i32, %arg2: memref<10240x128xf32, #tpu.memory_space<hbm>>, %arg3: memref<32x79x128xi32, #tpu.memory_space<hbm>>, %arg4: memref<32x79x128xi32, #tpu.memory_space<hbm>>, %arg5: memref<10240x128xf32, #tpu.memory_space<hbm>>, %arg6: memref<2x10240x128xf32, #tpu.memory_space<hbm>>, %arg7: memref<79x128xi32, #tpu.memory_space<vmem>>, %arg8: memref<79x128xi32, #tpu.memory_space<vmem>>, %arg9: memref<128x128xf32, #tpu.memory_space<vmem>>, %arg10: memref<10240x128xf32, #tpu.memory_space<vmem_shared>>, %arg11: memref<!tpu.dma_semaphore, #tpu.memory_space<semaphore_mem>>) attributes {dimension_semantics = [#tpu.dimension_semantics<core_parallel>, #tpu.dimension_semantics<subcore_parallel>], iteration_bounds = array<i64: 2, 16>, scalar_prefetch = 0 : i64, scratch_operands = 5 : i64, tpu.core_type = #tpu.core_type<sc_vector_subcore>, window_params = [{transform_indices = #map}, {transform_indices = #map1}, {transform_indices = #map1}, {transform_indices = #map}, {transform_indices = #map1}]} {
    %mul3A = arith.constant 16 : i32
    %mul3A_0 = arith.muli %arg0, %mul3A : i32
    %add3A = arith.addi %mul3A_0, %arg1 : i32
    %mul3A_1 = arith.constant 640 : i32
    %mul3A_2 = arith.muli %arg1, %mul3A_1 : i32
    "tpu.region"() ({
      %run_scoped3A = tpu.sem_alloc : memref<!tpu.dma_semaphore, #tpu.memory_space<semaphore_mem>>
      %dma_start3A = arith.constant 0 : i32
      %dma_start3A_9 = tpu.memref_slice %arg10[%mul3A_2, %dma_start3A] : memref<10240x128xf32, #tpu.memory_space<vmem_shared>> -> memref<640x128xf32, #tpu.memory_space<vmem_shared>>
      %dma_start3A_10 = arith.constant 0 : i32
      %dma_start3A_11 = tpu.memref_slice %arg5[%mul3A_2, %dma_start3A_10] : memref<10240x128xf32, #tpu.memory_space<hbm>> -> memref<640x128xf32, #tpu.memory_space<hbm>>
      tpu.enqueue_dma source(%dma_start3A_11 : memref<640x128xf32, #tpu.memory_space<hbm>>) target(%dma_start3A_9 : memref<640x128xf32, #tpu.memory_space<vmem_shared>>) target_semaphore(%run_scoped3A : memref<!tpu.dma_semaphore, #tpu.memory_space<semaphore_mem>>)
      %dma_wait3A = arith.constant 0 : i32
      %dma_wait3A_12 = tpu.memref_slice %arg10[%mul3A_2, %dma_wait3A] : memref<10240x128xf32, #tpu.memory_space<vmem_shared>> -> memref<640x128xf32, #tpu.memory_space<vmem_shared>>
      %dma_wait3A_13 = arith.constant 0 : i32
      %dma_wait3A_14 = tpu.memref_slice %arg5[%mul3A_2, %dma_wait3A_13] : memref<10240x128xf32, #tpu.memory_space<hbm>> -> memref<640x128xf32, #tpu.memory_space<hbm>>
      tpu.wait_dma2 semaphore(%run_scoped3A : memref<!tpu.dma_semaphore, #tpu.memory_space<semaphore_mem>>) src(%dma_wait3A_14 : memref<640x128xf32, #tpu.memory_space<hbm>>) dst(%dma_wait3A_12 : memref<640x128xf32, #tpu.memory_space<vmem_shared>>)
      tpu.yield
    }) : () -> ()
    "tpu.region"() ({
      %run_scoped3A = tpu.sem_alloc : memref<!tpu.dma_semaphore, #tpu.memory_space<semaphore_mem>>
      %dma_start3A = arith.constant 0 : i32
      %dma_start3A_9 = arith.constant 0 : i32
      %dma_start3A_10 = tpu.memref_slice %arg3[%add3A, %dma_start3A, %dma_start3A_9] : memref<32x79x128xi32, #tpu.memory_space<hbm>> -> memref<1x79x128xi32, #tpu.memory_space<hbm>>
      %dma_start3A_11 = tpu.memref_squeeze %dma_start3A_10 : memref<1x79x128xi32, #tpu.memory_space<hbm>> -> memref<79x128xi32, #tpu.memory_space<hbm>>
      %dma_start3A_12 = arith.constant 0 : i32
      %dma_start3A_13 = arith.constant 0 : i32
      %dma_start3A_14 = tpu.memref_slice %arg3[%add3A, %dma_start3A_12, %dma_start3A_13] : memref<32x79x128xi32, #tpu.memory_space<hbm>> -> memref<1x79x128xi32, #tpu.memory_space<hbm>>
      %dma_start3A_15 = tpu.memref_squeeze %dma_start3A_14 : memref<1x79x128xi32, #tpu.memory_space<hbm>> -> memref<79x128xi32, #tpu.memory_space<hbm>>
      tpu.enqueue_dma source(%dma_start3A_15 : memref<79x128xi32, #tpu.memory_space<hbm>>) target(%arg7 : memref<79x128xi32, #tpu.memory_space<vmem>>) target_semaphore(%run_scoped3A : memref<!tpu.dma_semaphore, #tpu.memory_space<semaphore_mem>>)
      %dma_wait3A = arith.constant 0 : i32
      %dma_wait3A_16 = arith.constant 0 : i32
      %dma_wait3A_17 = tpu.memref_slice %arg3[%add3A, %dma_wait3A, %dma_wait3A_16] : memref<32x79x128xi32, #tpu.memory_space<hbm>> -> memref<1x79x128xi32, #tpu.memory_space<hbm>>
      %dma_wait3A_18 = tpu.memref_squeeze %dma_wait3A_17 : memref<1x79x128xi32, #tpu.memory_space<hbm>> -> memref<79x128xi32, #tpu.memory_space<hbm>>
      %dma_wait3A_19 = arith.constant 0 : i32
      %dma_wait3A_20 = arith.constant 0 : i32
      %dma_wait3A_21 = tpu.memref_slice %arg3[%add3A, %dma_wait3A_19, %dma_wait3A_20] : memref<32x79x128xi32, #tpu.memory_space<hbm>> -> memref<1x79x128xi32, #tpu.memory_space<hbm>>
      %dma_wait3A_22 = tpu.memref_squeeze %dma_wait3A_21 : memref<1x79x128xi32, #tpu.memory_space<hbm>> -> memref<79x128xi32, #tpu.memory_space<hbm>>
      tpu.wait_dma2 semaphore(%run_scoped3A : memref<!tpu.dma_semaphore, #tpu.memory_space<semaphore_mem>>) src(%dma_wait3A_22 : memref<79x128xi32, #tpu.memory_space<hbm>>) dst(%arg7 : memref<79x128xi32, #tpu.memory_space<vmem>>)
      tpu.yield
    }) : () -> ()
    "tpu.region"() ({
      %run_scoped3A = tpu.sem_alloc : memref<!tpu.dma_semaphore, #tpu.memory_space<semaphore_mem>>
      %dma_start3A = arith.constant 0 : i32
      %dma_start3A_9 = arith.constant 0 : i32
      %dma_start3A_10 = tpu.memref_slice %arg4[%add3A, %dma_start3A, %dma_start3A_9] : memref<32x79x128xi32, #tpu.memory_space<hbm>> -> memref<1x79x128xi32, #tpu.memory_space<hbm>>
      %dma_start3A_11 = tpu.memref_squeeze %dma_start3A_10 : memref<1x79x128xi32, #tpu.memory_space<hbm>> -> memref<79x128xi32, #tpu.memory_space<hbm>>
      %dma_start3A_12 = arith.constant 0 : i32
      %dma_start3A_13 = arith.constant 0 : i32
      %dma_start3A_14 = tpu.memref_slice %arg4[%add3A, %dma_start3A_12, %dma_start3A_13] : memref<32x79x128xi32, #tpu.memory_space<hbm>> -> memref<1x79x128xi32, #tpu.memory_space<hbm>>
      %dma_start3A_15 = tpu.memref_squeeze %dma_start3A_14 : memref<1x79x128xi32, #tpu.memory_space<hbm>> -> memref<79x128xi32, #tpu.memory_space<hbm>>
      tpu.enqueue_dma source(%dma_start3A_15 : memref<79x128xi32, #tpu.memory_space<hbm>>) target(%arg8 : memref<79x128xi32, #tpu.memory_space<vmem>>) target_semaphore(%run_scoped3A : memref<!tpu.dma_semaphore, #tpu.memory_space<semaphore_mem>>)
      %dma_wait3A = arith.constant 0 : i32
      %dma_wait3A_16 = arith.constant 0 : i32
      %dma_wait3A_17 = tpu.memref_slice %arg4[%add3A, %dma_wait3A, %dma_wait3A_16] : memref<32x79x128xi32, #tpu.memory_space<hbm>> -> memref<1x79x128xi32, #tpu.memory_space<hbm>>
      %dma_wait3A_18 = tpu.memref_squeeze %dma_wait3A_17 : memref<1x79x128xi32, #tpu.memory_space<hbm>> -> memref<79x128xi32, #tpu.memory_space<hbm>>
      %dma_wait3A_19 = arith.constant 0 : i32
      %dma_wait3A_20 = arith.constant 0 : i32
      %dma_wait3A_21 = tpu.memref_slice %arg4[%add3A, %dma_wait3A_19, %dma_wait3A_20] : memref<32x79x128xi32, #tpu.memory_space<hbm>> -> memref<1x79x128xi32, #tpu.memory_space<hbm>>
      %dma_wait3A_22 = tpu.memref_squeeze %dma_wait3A_21 : memref<1x79x128xi32, #tpu.memory_space<hbm>> -> memref<79x128xi32, #tpu.memory_space<hbm>>
      tpu.wait_dma2 semaphore(%run_scoped3A : memref<!tpu.dma_semaphore, #tpu.memory_space<semaphore_mem>>) src(%dma_wait3A_22 : memref<79x128xi32, #tpu.memory_space<hbm>>) dst(%arg8 : memref<79x128xi32, #tpu.memory_space<vmem>>)
      tpu.yield
    }) : () -> ()
    %barrier3A = arith.constant 0 : index
    tpu.barrier barrier_id(%barrier3A)
    %scan3A = arith.constant 0 : i32
    %scan3A_3 = arith.constant 0 : i32
    %scan3A_4 = arith.constant 79 : i32
    %scan3A_5 = arith.addi %scan3A_3, %scan3A_4 : i32
    %scan3A_6 = arith.constant 1 : i32
    scf.for %scan3A_9 = %scan3A_3 to %scan3A_5 step %scan3A_6  : i32 {
      %dma_start3A = arith.constant 0 : i32
      %dma_start3A_10 = tpu.memref_slice %arg7[%scan3A_9, %dma_start3A] : memref<79x128xi32, #tpu.memory_space<vmem>> -> memref<1x128xi32, #tpu.memory_space<vmem>>
      %dma_start3A_11 = tpu.memref_squeeze %dma_start3A_10 : memref<1x128xi32, #tpu.memory_space<vmem>> -> memref<128xi32, #tpu.memory_space<vmem>>
      %dma_start3A_12 = arith.constant 0 : i32
      %dma_start3A_13 = arith.constant 0 : i32
      %dma_start3A_14 = tpu.memref_slice %arg2[%dma_start3A_12, %dma_start3A_13] : memref<10240x128xf32, #tpu.memory_space<hbm>> -> memref<10240x128xf32, #tpu.memory_space<hbm>>
      tpu.enqueue_indirect_dma source(%dma_start3A_14 : memref<10240x128xf32, #tpu.memory_space<hbm>>) target(%arg9 : memref<128x128xf32, #tpu.memory_space<vmem>>) offsets(%dma_start3A_11 : memref<128xi32, #tpu.memory_space<vmem>>) semaphore(%arg11 : memref<!tpu.dma_semaphore, #tpu.memory_space<semaphore_mem>>)
      %dma_wait3A = arith.constant 0 : i32
      %dma_wait3A_15 = tpu.memref_slice %arg7[%scan3A_9, %dma_wait3A] : memref<79x128xi32, #tpu.memory_space<vmem>> -> memref<1x128xi32, #tpu.memory_space<vmem>>
      %dma_wait3A_16 = tpu.memref_squeeze %dma_wait3A_15 : memref<1x128xi32, #tpu.memory_space<vmem>> -> memref<128xi32, #tpu.memory_space<vmem>>
      %dma_wait3A_17 = arith.constant 0 : i32
      %dma_wait3A_18 = arith.constant 0 : i32
      %dma_wait3A_19 = tpu.memref_slice %arg2[%dma_wait3A_17, %dma_wait3A_18] : memref<10240x128xf32, #tpu.memory_space<hbm>> -> memref<10240x128xf32, #tpu.memory_space<hbm>>
      tpu.wait_indirect_dma semaphore(%arg11 : memref<!tpu.dma_semaphore, #tpu.memory_space<semaphore_mem>>) src(%dma_wait3A_19 : memref<10240x128xf32, #tpu.memory_space<hbm>>) dst(%arg9 : memref<128x128xf32, #tpu.memory_space<vmem>>)
      "tpu.region"() ({
        %run_scoped3A = tpu.sem_alloc : memref<!tpu.dma_semaphore, #tpu.memory_space<semaphore_mem>>
        %dma_start3A_20 = arith.constant 0 : i32
        %dma_start3A_21 = tpu.memref_slice %arg8[%scan3A_9, %dma_start3A_20] : memref<79x128xi32, #tpu.memory_space<vmem>> -> memref<1x128xi32, #tpu.memory_space<vmem>>
        %dma_start3A_22 = tpu.memref_squeeze %dma_start3A_21 : memref<1x128xi32, #tpu.memory_space<vmem>> -> memref<128xi32, #tpu.memory_space<vmem>>
        %dma_start3A_23 = arith.constant 0 : i32
        %dma_start3A_24 = arith.constant 0 : i32
        %dma_start3A_25 = tpu.memref_slice %arg10[%dma_start3A_23, %dma_start3A_24] : memref<10240x128xf32, #tpu.memory_space<vmem_shared>> -> memref<10240x128xf32, #tpu.memory_space<vmem_shared>>
        tpu.enqueue_indirect_dma source(%arg9 : memref<128x128xf32, #tpu.memory_space<vmem>>) target(%dma_start3A_25 : memref<10240x128xf32, #tpu.memory_space<vmem_shared>>) offsets(%dma_start3A_22 : memref<128xi32, #tpu.memory_space<vmem>>) semaphore(%run_scoped3A : memref<!tpu.dma_semaphore, #tpu.memory_space<semaphore_mem>>) {add = true}
        %dma_wait3A_26 = arith.constant 0 : i32
        %dma_wait3A_27 = tpu.memref_slice %arg8[%scan3A_9, %dma_wait3A_26] : memref<79x128xi32, #tpu.memory_space<vmem>> -> memref<1x128xi32, #tpu.memory_space<vmem>>
        %dma_wait3A_28 = tpu.memref_squeeze %dma_wait3A_27 : memref<1x128xi32, #tpu.memory_space<vmem>> -> memref<128xi32, #tpu.memory_space<vmem>>
        %dma_wait3A_29 = arith.constant 0 : i32
        %dma_wait3A_30 = arith.constant 0 : i32
        %dma_wait3A_31 = tpu.memref_slice %arg10[%dma_wait3A_29, %dma_wait3A_30] : memref<10240x128xf32, #tpu.memory_space<vmem_shared>> -> memref<10240x128xf32, #tpu.memory_space<vmem_shared>>
        tpu.wait_indirect_dma semaphore(%run_scoped3A : memref<!tpu.dma_semaphore, #tpu.memory_space<semaphore_mem>>) src(%arg9 : memref<128x128xf32, #tpu.memory_space<vmem>>) dst(%dma_wait3A_31 : memref<10240x128xf32, #tpu.memory_space<vmem_shared>>)
        tpu.yield
      }) : () -> ()
    }
    %scan3A_7 = arith.constant 79 : i32
    %barrier3A_8 = arith.constant 0 : index
    tpu.barrier barrier_id(%barrier3A_8)
    "tpu.region"() ({
      %run_scoped3A = tpu.sem_alloc : memref<!tpu.dma_semaphore, #tpu.memory_space<semaphore_mem>>
      %dma_start3A = arith.constant 0 : i32
      %dma_start3A_9 = tpu.memref_slice %arg6[%arg0, %mul3A_2, %dma_start3A] : memref<2x10240x128xf32, #tpu.memory_space<hbm>> -> memref<1x640x128xf32, #tpu.memory_space<hbm>>
      %dma_start3A_10 = tpu.memref_squeeze %dma_start3A_9 : memref<1x640x128xf32, #tpu.memory_space<hbm>> -> memref<640x128xf32, #tpu.memory_space<hbm>>
      %dma_start3A_11 = arith.constant 0 : i32
      %dma_start3A_12 = tpu.memref_slice %arg10[%mul3A_2, %dma_start3A_11] : memref<10240x128xf32, #tpu.memory_space<vmem_shared>> -> memref<640x128xf32, #tpu.memory_space<vmem_shared>>
      tpu.enqueue_dma source(%dma_start3A_12 : memref<640x128xf32, #tpu.memory_space<vmem_shared>>) target(%dma_start3A_10 : memref<640x128xf32, #tpu.memory_space<hbm>>) target_semaphore(%run_scoped3A : memref<!tpu.dma_semaphore, #tpu.memory_space<semaphore_mem>>)
      %dma_wait3A = arith.constant 0 : i32
      %dma_wait3A_13 = tpu.memref_slice %arg6[%arg0, %mul3A_2, %dma_wait3A] : memref<2x10240x128xf32, #tpu.memory_space<hbm>> -> memref<1x640x128xf32, #tpu.memory_space<hbm>>
      %dma_wait3A_14 = tpu.memref_squeeze %dma_wait3A_13 : memref<1x640x128xf32, #tpu.memory_space<hbm>> -> memref<640x128xf32, #tpu.memory_space<hbm>>
      %dma_wait3A_15 = arith.constant 0 : i32
      %dma_wait3A_16 = tpu.memref_slice %arg10[%mul3A_2, %dma_wait3A_15] : memref<10240x128xf32, #tpu.memory_space<vmem_shared>> -> memref<640x128xf32, #tpu.memory_space<vmem_shared>>
      tpu.wait_dma2 semaphore(%run_scoped3A : memref<!tpu.dma_semaphore, #tpu.memory_space<semaphore_mem>>) src(%dma_wait3A_16 : memref<640x128xf32, #tpu.memory_space<vmem_shared>>) dst(%dma_wait3A_14 : memref<640x128xf32, #tpu.memory_space<hbm>>)
      tpu.yield
    }) : () -> ()
    return
  }
}

#map = affine_map<(d0, d1) -> (0, 0, 0)>
#map1 = affine_map<(d0, d1) -> (0, 0)>
module attributes {stable_mosaic.version = 14 : i64} {
  func.func @k(%arg0: i32, %arg1: i32, %arg2: memref<32x79x128xi32, #tpu.memory_space<hbm>>, %arg3: memref<10240x128xf32, #tpu.memory_space<hbm>>, %arg4: memref<128x128xf32, #tpu.memory_space<hbm>>, %arg5: memref<2x10240x128xf32, #tpu.memory_space<hbm>>, %arg6: memref<79x128xi32, #tpu.memory_space<vmem>>, %arg7: memref<128x128xf32, #tpu.memory_space<vmem>>, %arg8: memref<10240x128xf32, #tpu.memory_space<vmem_shared>>, %arg9: memref<!tpu.dma_semaphore, #tpu.memory_space<semaphore_mem>>) attributes {dimension_semantics = [#tpu.dimension_semantics<core_parallel>, #tpu.dimension_semantics<subcore_parallel>], iteration_bounds = array<i64: 2, 16>, scalar_prefetch = 0 : i64, scratch_operands = 4 : i64, tpu.core_type = #tpu.core_type<sc_vector_subcore>, window_params = [{transform_indices = #map}, {transform_indices = #map1}, {transform_indices = #map1}, {transform_indices = #map}]} {
    %mul3A = arith.constant 16 : i32
    %mul3A_0 = arith.muli %arg0, %mul3A : i32
    %add3A = arith.addi %mul3A_0, %arg1 : i32
    %mul3A_1 = arith.constant 640 : i32
    %mul3A_2 = arith.muli %arg1, %mul3A_1 : i32
    "tpu.region"() ({
      %run_scoped3A = tpu.sem_alloc : memref<!tpu.dma_semaphore, #tpu.memory_space<semaphore_mem>>
      %dma_start3A = arith.constant 0 : i32
      %dma_start3A_9 = tpu.memref_slice %arg8[%mul3A_2, %dma_start3A] : memref<10240x128xf32, #tpu.memory_space<vmem_shared>> -> memref<640x128xf32, #tpu.memory_space<vmem_shared>>
      %dma_start3A_10 = arith.constant 0 : i32
      %dma_start3A_11 = tpu.memref_slice %arg3[%mul3A_2, %dma_start3A_10] : memref<10240x128xf32, #tpu.memory_space<hbm>> -> memref<640x128xf32, #tpu.memory_space<hbm>>
      tpu.enqueue_dma source(%dma_start3A_11 : memref<640x128xf32, #tpu.memory_space<hbm>>) target(%dma_start3A_9 : memref<640x128xf32, #tpu.memory_space<vmem_shared>>) target_semaphore(%run_scoped3A : memref<!tpu.dma_semaphore, #tpu.memory_space<semaphore_mem>>)
      %dma_wait3A = arith.constant 0 : i32
      %dma_wait3A_12 = tpu.memref_slice %arg8[%mul3A_2, %dma_wait3A] : memref<10240x128xf32, #tpu.memory_space<vmem_shared>> -> memref<640x128xf32, #tpu.memory_space<vmem_shared>>
      %dma_wait3A_13 = arith.constant 0 : i32
      %dma_wait3A_14 = tpu.memref_slice %arg3[%mul3A_2, %dma_wait3A_13] : memref<10240x128xf32, #tpu.memory_space<hbm>> -> memref<640x128xf32, #tpu.memory_space<hbm>>
      tpu.wait_dma2 semaphore(%run_scoped3A : memref<!tpu.dma_semaphore, #tpu.memory_space<semaphore_mem>>) src(%dma_wait3A_14 : memref<640x128xf32, #tpu.memory_space<hbm>>) dst(%dma_wait3A_12 : memref<640x128xf32, #tpu.memory_space<vmem_shared>>)
      tpu.yield
    }) : () -> ()
    "tpu.region"() ({
      %run_scoped3A = tpu.sem_alloc : memref<!tpu.dma_semaphore, #tpu.memory_space<semaphore_mem>>
      %dma_start3A = arith.constant 0 : i32
      %dma_start3A_9 = arith.constant 0 : i32
      %dma_start3A_10 = tpu.memref_slice %arg2[%add3A, %dma_start3A, %dma_start3A_9] : memref<32x79x128xi32, #tpu.memory_space<hbm>> -> memref<1x79x128xi32, #tpu.memory_space<hbm>>
      %dma_start3A_11 = tpu.memref_squeeze %dma_start3A_10 : memref<1x79x128xi32, #tpu.memory_space<hbm>> -> memref<79x128xi32, #tpu.memory_space<hbm>>
      %dma_start3A_12 = arith.constant 0 : i32
      %dma_start3A_13 = arith.constant 0 : i32
      %dma_start3A_14 = tpu.memref_slice %arg2[%add3A, %dma_start3A_12, %dma_start3A_13] : memref<32x79x128xi32, #tpu.memory_space<hbm>> -> memref<1x79x128xi32, #tpu.memory_space<hbm>>
      %dma_start3A_15 = tpu.memref_squeeze %dma_start3A_14 : memref<1x79x128xi32, #tpu.memory_space<hbm>> -> memref<79x128xi32, #tpu.memory_space<hbm>>
      tpu.enqueue_dma source(%dma_start3A_15 : memref<79x128xi32, #tpu.memory_space<hbm>>) target(%arg6 : memref<79x128xi32, #tpu.memory_space<vmem>>) target_semaphore(%run_scoped3A : memref<!tpu.dma_semaphore, #tpu.memory_space<semaphore_mem>>)
      %dma_wait3A = arith.constant 0 : i32
      %dma_wait3A_16 = arith.constant 0 : i32
      %dma_wait3A_17 = tpu.memref_slice %arg2[%add3A, %dma_wait3A, %dma_wait3A_16] : memref<32x79x128xi32, #tpu.memory_space<hbm>> -> memref<1x79x128xi32, #tpu.memory_space<hbm>>
      %dma_wait3A_18 = tpu.memref_squeeze %dma_wait3A_17 : memref<1x79x128xi32, #tpu.memory_space<hbm>> -> memref<79x128xi32, #tpu.memory_space<hbm>>
      %dma_wait3A_19 = arith.constant 0 : i32
      %dma_wait3A_20 = arith.constant 0 : i32
      %dma_wait3A_21 = tpu.memref_slice %arg2[%add3A, %dma_wait3A_19, %dma_wait3A_20] : memref<32x79x128xi32, #tpu.memory_space<hbm>> -> memref<1x79x128xi32, #tpu.memory_space<hbm>>
      %dma_wait3A_22 = tpu.memref_squeeze %dma_wait3A_21 : memref<1x79x128xi32, #tpu.memory_space<hbm>> -> memref<79x128xi32, #tpu.memory_space<hbm>>
      tpu.wait_dma2 semaphore(%run_scoped3A : memref<!tpu.dma_semaphore, #tpu.memory_space<semaphore_mem>>) src(%dma_wait3A_22 : memref<79x128xi32, #tpu.memory_space<hbm>>) dst(%arg6 : memref<79x128xi32, #tpu.memory_space<vmem>>)
      tpu.yield
    }) : () -> ()
    "tpu.region"() ({
      %run_scoped3A = tpu.sem_alloc : memref<!tpu.dma_semaphore, #tpu.memory_space<semaphore_mem>>
      tpu.enqueue_dma source(%arg4 : memref<128x128xf32, #tpu.memory_space<hbm>>) target(%arg7 : memref<128x128xf32, #tpu.memory_space<vmem>>) target_semaphore(%run_scoped3A : memref<!tpu.dma_semaphore, #tpu.memory_space<semaphore_mem>>)
      tpu.wait_dma2 semaphore(%run_scoped3A : memref<!tpu.dma_semaphore, #tpu.memory_space<semaphore_mem>>) src(%arg4 : memref<128x128xf32, #tpu.memory_space<hbm>>) dst(%arg7 : memref<128x128xf32, #tpu.memory_space<vmem>>)
      tpu.yield
    }) : () -> ()
    %barrier3A = arith.constant 0 : index
    tpu.barrier barrier_id(%barrier3A)
    %scan3A = arith.constant 0 : i32
    %scan3A_3 = arith.constant 0 : i32
    %scan3A_4 = arith.constant 79 : i32
    %scan3A_5 = arith.addi %scan3A_3, %scan3A_4 : i32
    %scan3A_6 = arith.constant 1 : i32
    scf.for %scan3A_9 = %scan3A_3 to %scan3A_5 step %scan3A_6  : i32 {
      "tpu.region"() ({
        %run_scoped3A = tpu.sem_alloc : memref<!tpu.dma_semaphore, #tpu.memory_space<semaphore_mem>>
        %dma_start3A = arith.constant 0 : i32
        %dma_start3A_10 = tpu.memref_slice %arg6[%scan3A_9, %dma_start3A] : memref<79x128xi32, #tpu.memory_space<vmem>> -> memref<1x128xi32, #tpu.memory_space<vmem>>
        %dma_start3A_11 = tpu.memref_squeeze %dma_start3A_10 : memref<1x128xi32, #tpu.memory_space<vmem>> -> memref<128xi32, #tpu.memory_space<vmem>>
        %dma_start3A_12 = arith.constant 0 : i32
        %dma_start3A_13 = arith.constant 0 : i32
        %dma_start3A_14 = tpu.memref_slice %arg8[%dma_start3A_12, %dma_start3A_13] : memref<10240x128xf32, #tpu.memory_space<vmem_shared>> -> memref<10240x128xf32, #tpu.memory_space<vmem_shared>>
        tpu.enqueue_indirect_dma source(%arg7 : memref<128x128xf32, #tpu.memory_space<vmem>>) target(%dma_start3A_14 : memref<10240x128xf32, #tpu.memory_space<vmem_shared>>) offsets(%dma_start3A_11 : memref<128xi32, #tpu.memory_space<vmem>>) semaphore(%run_scoped3A : memref<!tpu.dma_semaphore, #tpu.memory_space<semaphore_mem>>) {add = true}
        %dma_wait3A = arith.constant 0 : i32
        %dma_wait3A_15 = tpu.memref_slice %arg6[%scan3A_9, %dma_wait3A] : memref<79x128xi32, #tpu.memory_space<vmem>> -> memref<1x128xi32, #tpu.memory_space<vmem>>
        %dma_wait3A_16 = tpu.memref_squeeze %dma_wait3A_15 : memref<1x128xi32, #tpu.memory_space<vmem>> -> memref<128xi32, #tpu.memory_space<vmem>>
        %dma_wait3A_17 = arith.constant 0 : i32
        %dma_wait3A_18 = arith.constant 0 : i32
        %dma_wait3A_19 = tpu.memref_slice %arg8[%dma_wait3A_17, %dma_wait3A_18] : memref<10240x128xf32, #tpu.memory_space<vmem_shared>> -> memref<10240x128xf32, #tpu.memory_space<vmem_shared>>
        tpu.wait_indirect_dma semaphore(%run_scoped3A : memref<!tpu.dma_semaphore, #tpu.memory_space<semaphore_mem>>) src(%arg7 : memref<128x128xf32, #tpu.memory_space<vmem>>) dst(%dma_wait3A_19 : memref<10240x128xf32, #tpu.memory_space<vmem_shared>>)
        tpu.yield
      }) : () -> ()
    }
    %scan3A_7 = arith.constant 79 : i32
    %barrier3A_8 = arith.constant 0 : index
    tpu.barrier barrier_id(%barrier3A_8)
    "tpu.region"() ({
      %run_scoped3A = tpu.sem_alloc : memref<!tpu.dma_semaphore, #tpu.memory_space<semaphore_mem>>
      %dma_start3A = arith.constant 0 : i32
      %dma_start3A_9 = tpu.memref_slice %arg5[%arg0, %mul3A_2, %dma_start3A] : memref<2x10240x128xf32, #tpu.memory_space<hbm>> -> memref<1x640x128xf32, #tpu.memory_space<hbm>>
      %dma_start3A_10 = tpu.memref_squeeze %dma_start3A_9 : memref<1x640x128xf32, #tpu.memory_space<hbm>> -> memref<640x128xf32, #tpu.memory_space<hbm>>
      %dma_start3A_11 = arith.constant 0 : i32
      %dma_start3A_12 = tpu.memref_slice %arg8[%mul3A_2, %dma_start3A_11] : memref<10240x128xf32, #tpu.memory_space<vmem_shared>> -> memref<640x128xf32, #tpu.memory_space<vmem_shared>>
      tpu.enqueue_dma source(%dma_start3A_12 : memref<640x128xf32, #tpu.memory_space<vmem_shared>>) target(%dma_start3A_10 : memref<640x128xf32, #tpu.memory_space<hbm>>) target_semaphore(%run_scoped3A : memref<!tpu.dma_semaphore, #tpu.memory_space<semaphore_mem>>)
      %dma_wait3A = arith.constant 0 : i32
      %dma_wait3A_13 = tpu.memref_slice %arg5[%arg0, %mul3A_2, %dma_wait3A] : memref<2x10240x128xf32, #tpu.memory_space<hbm>> -> memref<1x640x128xf32, #tpu.memory_space<hbm>>
      %dma_wait3A_14 = tpu.memref_squeeze %dma_wait3A_13 : memref<1x640x128xf32, #tpu.memory_space<hbm>> -> memref<640x128xf32, #tpu.memory_space<hbm>>
      %dma_wait3A_15 = arith.constant 0 : i32
      %dma_wait3A_16 = tpu.memref_slice %arg8[%mul3A_2, %dma_wait3A_15] : memref<10240x128xf32, #tpu.memory_space<vmem_shared>> -> memref<640x128xf32, #tpu.memory_space<vmem_shared>>
      tpu.wait_dma2 semaphore(%run_scoped3A : memref<!tpu.dma_semaphore, #tpu.memory_space<semaphore_mem>>) src(%dma_wait3A_16 : memref<640x128xf32, #tpu.memory_space<vmem_shared>>) dst(%dma_wait3A_14 : memref<640x128xf32, #tpu.memory_space<hbm>>)
      tpu.yield
    }) : () -> ()
    return
  }
}

#map = affine_map<(d0, d1) -> (0, 0)>
#map1 = affine_map<(d0, d1) -> (0, 0, 0)>
module attributes {stable_mosaic.version = 14 : i64} {
  func.func @k(%arg0: i32, %arg1: i32, %arg2: memref<10240x128xf32, #tpu.memory_space<hbm>>, %arg3: memref<32x79x128xi32, #tpu.memory_space<hbm>>, %arg4: memref<32x79x128xi32, #tpu.memory_space<hbm>>, %arg5: memref<10240x128xf32, #tpu.memory_space<hbm>>, %arg6: memref<2x10240x128xf32, #tpu.memory_space<hbm>>, %arg7: memref<79x128xi32, #tpu.memory_space<vmem>>, %arg8: memref<79x128xi32, #tpu.memory_space<vmem>>, %arg9: memref<128x128xf32, #tpu.memory_space<vmem>>, %arg10: memref<10240x128xf32, #tpu.memory_space<vmem_shared>>, %arg11: memref<!tpu.dma_semaphore, #tpu.memory_space<semaphore_mem>>) attributes {dimension_semantics = [#tpu.dimension_semantics<core_parallel>, #tpu.dimension_semantics<subcore_parallel>], iteration_bounds = array<i64: 2, 16>, scalar_prefetch = 0 : i64, scratch_operands = 5 : i64, tpu.core_type = #tpu.core_type<sc_vector_subcore>, window_params = [{transform_indices = #map}, {transform_indices = #map1}, {transform_indices = #map1}, {transform_indices = #map}, {transform_indices = #map1}]} {
    %mul3A = arith.constant 16 : i32
    %mul3A_0 = arith.muli %arg0, %mul3A : i32
    %add3A = arith.addi %mul3A_0, %arg1 : i32
    %mul3A_1 = arith.constant 640 : i32
    %mul3A_2 = arith.muli %arg1, %mul3A_1 : i32
    "tpu.region"() ({
      %run_scoped3A = tpu.sem_alloc : memref<!tpu.dma_semaphore, #tpu.memory_space<semaphore_mem>>
      %dma_start3A = arith.constant 0 : i32
      %dma_start3A_9 = tpu.memref_slice %arg10[%mul3A_2, %dma_start3A] : memref<10240x128xf32, #tpu.memory_space<vmem_shared>> -> memref<640x128xf32, #tpu.memory_space<vmem_shared>>
      %dma_start3A_10 = arith.constant 0 : i32
      %dma_start3A_11 = tpu.memref_slice %arg5[%mul3A_2, %dma_start3A_10] : memref<10240x128xf32, #tpu.memory_space<hbm>> -> memref<640x128xf32, #tpu.memory_space<hbm>>
      tpu.enqueue_dma source(%dma_start3A_11 : memref<640x128xf32, #tpu.memory_space<hbm>>) target(%dma_start3A_9 : memref<640x128xf32, #tpu.memory_space<vmem_shared>>) target_semaphore(%run_scoped3A : memref<!tpu.dma_semaphore, #tpu.memory_space<semaphore_mem>>)
      %dma_wait3A = arith.constant 0 : i32
      %dma_wait3A_12 = tpu.memref_slice %arg10[%mul3A_2, %dma_wait3A] : memref<10240x128xf32, #tpu.memory_space<vmem_shared>> -> memref<640x128xf32, #tpu.memory_space<vmem_shared>>
      %dma_wait3A_13 = arith.constant 0 : i32
      %dma_wait3A_14 = tpu.memref_slice %arg5[%mul3A_2, %dma_wait3A_13] : memref<10240x128xf32, #tpu.memory_space<hbm>> -> memref<640x128xf32, #tpu.memory_space<hbm>>
      tpu.wait_dma2 semaphore(%run_scoped3A : memref<!tpu.dma_semaphore, #tpu.memory_space<semaphore_mem>>) src(%dma_wait3A_14 : memref<640x128xf32, #tpu.memory_space<hbm>>) dst(%dma_wait3A_12 : memref<640x128xf32, #tpu.memory_space<vmem_shared>>)
      tpu.yield
    }) : () -> ()
    "tpu.region"() ({
      %run_scoped3A = tpu.sem_alloc : memref<!tpu.dma_semaphore, #tpu.memory_space<semaphore_mem>>
      %dma_start3A = arith.constant 0 : i32
      %dma_start3A_9 = arith.constant 0 : i32
      %dma_start3A_10 = tpu.memref_slice %arg3[%add3A, %dma_start3A, %dma_start3A_9] : memref<32x79x128xi32, #tpu.memory_space<hbm>> -> memref<1x79x128xi32, #tpu.memory_space<hbm>>
      %dma_start3A_11 = tpu.memref_squeeze %dma_start3A_10 : memref<1x79x128xi32, #tpu.memory_space<hbm>> -> memref<79x128xi32, #tpu.memory_space<hbm>>
      %dma_start3A_12 = arith.constant 0 : i32
      %dma_start3A_13 = arith.constant 0 : i32
      %dma_start3A_14 = tpu.memref_slice %arg3[%add3A, %dma_start3A_12, %dma_start3A_13] : memref<32x79x128xi32, #tpu.memory_space<hbm>> -> memref<1x79x128xi32, #tpu.memory_space<hbm>>
      %dma_start3A_15 = tpu.memref_squeeze %dma_start3A_14 : memref<1x79x128xi32, #tpu.memory_space<hbm>> -> memref<79x128xi32, #tpu.memory_space<hbm>>
      tpu.enqueue_dma source(%dma_start3A_15 : memref<79x128xi32, #tpu.memory_space<hbm>>) target(%arg7 : memref<79x128xi32, #tpu.memory_space<vmem>>) target_semaphore(%run_scoped3A : memref<!tpu.dma_semaphore, #tpu.memory_space<semaphore_mem>>)
      %dma_wait3A = arith.constant 0 : i32
      %dma_wait3A_16 = arith.constant 0 : i32
      %dma_wait3A_17 = tpu.memref_slice %arg3[%add3A, %dma_wait3A, %dma_wait3A_16] : memref<32x79x128xi32, #tpu.memory_space<hbm>> -> memref<1x79x128xi32, #tpu.memory_space<hbm>>
      %dma_wait3A_18 = tpu.memref_squeeze %dma_wait3A_17 : memref<1x79x128xi32, #tpu.memory_space<hbm>> -> memref<79x128xi32, #tpu.memory_space<hbm>>
      %dma_wait3A_19 = arith.constant 0 : i32
      %dma_wait3A_20 = arith.constant 0 : i32
      %dma_wait3A_21 = tpu.memref_slice %arg3[%add3A, %dma_wait3A_19, %dma_wait3A_20] : memref<32x79x128xi32, #tpu.memory_space<hbm>> -> memref<1x79x128xi32, #tpu.memory_space<hbm>>
      %dma_wait3A_22 = tpu.memref_squeeze %dma_wait3A_21 : memref<1x79x128xi32, #tpu.memory_space<hbm>> -> memref<79x128xi32, #tpu.memory_space<hbm>>
      tpu.wait_dma2 semaphore(%run_scoped3A : memref<!tpu.dma_semaphore, #tpu.memory_space<semaphore_mem>>) src(%dma_wait3A_22 : memref<79x128xi32, #tpu.memory_space<hbm>>) dst(%arg7 : memref<79x128xi32, #tpu.memory_space<vmem>>)
      tpu.yield
    }) : () -> ()
    "tpu.region"() ({
      %run_scoped3A = tpu.sem_alloc : memref<!tpu.dma_semaphore, #tpu.memory_space<semaphore_mem>>
      %dma_start3A = arith.constant 0 : i32
      %dma_start3A_9 = arith.constant 0 : i32
      %dma_start3A_10 = tpu.memref_slice %arg4[%add3A, %dma_start3A, %dma_start3A_9] : memref<32x79x128xi32, #tpu.memory_space<hbm>> -> memref<1x79x128xi32, #tpu.memory_space<hbm>>
      %dma_start3A_11 = tpu.memref_squeeze %dma_start3A_10 : memref<1x79x128xi32, #tpu.memory_space<hbm>> -> memref<79x128xi32, #tpu.memory_space<hbm>>
      %dma_start3A_12 = arith.constant 0 : i32
      %dma_start3A_13 = arith.constant 0 : i32
      %dma_start3A_14 = tpu.memref_slice %arg4[%add3A, %dma_start3A_12, %dma_start3A_13] : memref<32x79x128xi32, #tpu.memory_space<hbm>> -> memref<1x79x128xi32, #tpu.memory_space<hbm>>
      %dma_start3A_15 = tpu.memref_squeeze %dma_start3A_14 : memref<1x79x128xi32, #tpu.memory_space<hbm>> -> memref<79x128xi32, #tpu.memory_space<hbm>>
      tpu.enqueue_dma source(%dma_start3A_15 : memref<79x128xi32, #tpu.memory_space<hbm>>) target(%arg8 : memref<79x128xi32, #tpu.memory_space<vmem>>) target_semaphore(%run_scoped3A : memref<!tpu.dma_semaphore, #tpu.memory_space<semaphore_mem>>)
      %dma_wait3A = arith.constant 0 : i32
      %dma_wait3A_16 = arith.constant 0 : i32
      %dma_wait3A_17 = tpu.memref_slice %arg4[%add3A, %dma_wait3A, %dma_wait3A_16] : memref<32x79x128xi32, #tpu.memory_space<hbm>> -> memref<1x79x128xi32, #tpu.memory_space<hbm>>
      %dma_wait3A_18 = tpu.memref_squeeze %dma_wait3A_17 : memref<1x79x128xi32, #tpu.memory_space<hbm>> -> memref<79x128xi32, #tpu.memory_space<hbm>>
      %dma_wait3A_19 = arith.constant 0 : i32
      %dma_wait3A_20 = arith.constant 0 : i32
      %dma_wait3A_21 = tpu.memref_slice %arg4[%add3A, %dma_wait3A_19, %dma_wait3A_20] : memref<32x79x128xi32, #tpu.memory_space<hbm>> -> memref<1x79x128xi32, #tpu.memory_space<hbm>>
      %dma_wait3A_22 = tpu.memref_squeeze %dma_wait3A_21 : memref<1x79x128xi32, #tpu.memory_space<hbm>> -> memref<79x128xi32, #tpu.memory_space<hbm>>
      tpu.wait_dma2 semaphore(%run_scoped3A : memref<!tpu.dma_semaphore, #tpu.memory_space<semaphore_mem>>) src(%dma_wait3A_22 : memref<79x128xi32, #tpu.memory_space<hbm>>) dst(%arg8 : memref<79x128xi32, #tpu.memory_space<vmem>>)
      tpu.yield
    }) : () -> ()
    %barrier3A = arith.constant 0 : index
    tpu.barrier barrier_id(%barrier3A)
    %scan3A = arith.constant 0 : i32
    %scan3A_3 = arith.constant 0 : i32
    %scan3A_4 = arith.constant 79 : i32
    %scan3A_5 = arith.addi %scan3A_3, %scan3A_4 : i32
    %scan3A_6 = arith.constant 1 : i32
    scf.for %scan3A_9 = %scan3A_3 to %scan3A_5 step %scan3A_6  : i32 {
      %dma_start3A = arith.constant 0 : i32
      %dma_start3A_10 = tpu.memref_slice %arg7[%scan3A_9, %dma_start3A] : memref<79x128xi32, #tpu.memory_space<vmem>> -> memref<1x128xi32, #tpu.memory_space<vmem>>
      %dma_start3A_11 = tpu.memref_squeeze %dma_start3A_10 : memref<1x128xi32, #tpu.memory_space<vmem>> -> memref<128xi32, #tpu.memory_space<vmem>>
      %dma_start3A_12 = arith.constant 0 : i32
      %dma_start3A_13 = arith.constant 0 : i32
      %dma_start3A_14 = tpu.memref_slice %arg2[%dma_start3A_12, %dma_start3A_13] : memref<10240x128xf32, #tpu.memory_space<hbm>> -> memref<10240x128xf32, #tpu.memory_space<hbm>>
      tpu.enqueue_indirect_dma source(%dma_start3A_14 : memref<10240x128xf32, #tpu.memory_space<hbm>>) target(%arg9 : memref<128x128xf32, #tpu.memory_space<vmem>>) offsets(%dma_start3A_11 : memref<128xi32, #tpu.memory_space<vmem>>) semaphore(%arg11 : memref<!tpu.dma_semaphore, #tpu.memory_space<semaphore_mem>>)
      %dma_wait3A = arith.constant 0 : i32
      %dma_wait3A_15 = tpu.memref_slice %arg7[%scan3A_9, %dma_wait3A] : memref<79x128xi32, #tpu.memory_space<vmem>> -> memref<1x128xi32, #tpu.memory_space<vmem>>
      %dma_wait3A_16 = tpu.memref_squeeze %dma_wait3A_15 : memref<1x128xi32, #tpu.memory_space<vmem>> -> memref<128xi32, #tpu.memory_space<vmem>>
      %dma_wait3A_17 = arith.constant 0 : i32
      %dma_wait3A_18 = arith.constant 0 : i32
      %dma_wait3A_19 = tpu.memref_slice %arg2[%dma_wait3A_17, %dma_wait3A_18] : memref<10240x128xf32, #tpu.memory_space<hbm>> -> memref<10240x128xf32, #tpu.memory_space<hbm>>
      tpu.wait_indirect_dma semaphore(%arg11 : memref<!tpu.dma_semaphore, #tpu.memory_space<semaphore_mem>>) src(%dma_wait3A_19 : memref<10240x128xf32, #tpu.memory_space<hbm>>) dst(%arg9 : memref<128x128xf32, #tpu.memory_space<vmem>>)
      "tpu.region"() ({
        %run_scoped3A = tpu.sem_alloc : memref<!tpu.dma_semaphore, #tpu.memory_space<semaphore_mem>>
        %dma_start3A_20 = arith.constant 0 : i32
        %dma_start3A_21 = tpu.memref_slice %arg8[%scan3A_9, %dma_start3A_20] : memref<79x128xi32, #tpu.memory_space<vmem>> -> memref<1x128xi32, #tpu.memory_space<vmem>>
        %dma_start3A_22 = tpu.memref_squeeze %dma_start3A_21 : memref<1x128xi32, #tpu.memory_space<vmem>> -> memref<128xi32, #tpu.memory_space<vmem>>
        %dma_start3A_23 = arith.constant 0 : i32
        %dma_start3A_24 = arith.constant 0 : i32
        %dma_start3A_25 = tpu.memref_slice %arg10[%dma_start3A_23, %dma_start3A_24] : memref<10240x128xf32, #tpu.memory_space<vmem_shared>> -> memref<10240x128xf32, #tpu.memory_space<vmem_shared>>
        tpu.enqueue_indirect_dma source(%arg9 : memref<128x128xf32, #tpu.memory_space<vmem>>) target(%dma_start3A_25 : memref<10240x128xf32, #tpu.memory_space<vmem_shared>>) offsets(%dma_start3A_22 : memref<128xi32, #tpu.memory_space<vmem>>) semaphore(%run_scoped3A : memref<!tpu.dma_semaphore, #tpu.memory_space<semaphore_mem>>) {add = true}
        %dma_wait3A_26 = arith.constant 0 : i32
        %dma_wait3A_27 = tpu.memref_slice %arg8[%scan3A_9, %dma_wait3A_26] : memref<79x128xi32, #tpu.memory_space<vmem>> -> memref<1x128xi32, #tpu.memory_space<vmem>>
        %dma_wait3A_28 = tpu.memref_squeeze %dma_wait3A_27 : memref<1x128xi32, #tpu.memory_space<vmem>> -> memref<128xi32, #tpu.memory_space<vmem>>
        %dma_wait3A_29 = arith.constant 0 : i32
        %dma_wait3A_30 = arith.constant 0 : i32
        %dma_wait3A_31 = tpu.memref_slice %arg10[%dma_wait3A_29, %dma_wait3A_30] : memref<10240x128xf32, #tpu.memory_space<vmem_shared>> -> memref<10240x128xf32, #tpu.memory_space<vmem_shared>>
        tpu.wait_indirect_dma semaphore(%run_scoped3A : memref<!tpu.dma_semaphore, #tpu.memory_space<semaphore_mem>>) src(%arg9 : memref<128x128xf32, #tpu.memory_space<vmem>>) dst(%dma_wait3A_31 : memref<10240x128xf32, #tpu.memory_space<vmem_shared>>)
        tpu.yield
      }) : () -> ()
    }
    %scan3A_7 = arith.constant 79 : i32
    %barrier3A_8 = arith.constant 0 : index
    tpu.barrier barrier_id(%barrier3A_8)
    "tpu.region"() ({
      %run_scoped3A = tpu.sem_alloc : memref<!tpu.dma_semaphore, #tpu.memory_space<semaphore_mem>>
      %dma_start3A = arith.constant 0 : i32
      %dma_start3A_9 = tpu.memref_slice %arg6[%arg0, %mul3A_2, %dma_start3A] : memref<2x10240x128xf32, #tpu.memory_space<hbm>> -> memref<1x640x128xf32, #tpu.memory_space<hbm>>
      %dma_start3A_10 = tpu.memref_squeeze %dma_start3A_9 : memref<1x640x128xf32, #tpu.memory_space<hbm>> -> memref<640x128xf32, #tpu.memory_space<hbm>>
      %dma_start3A_11 = arith.constant 0 : i32
      %dma_start3A_12 = tpu.memref_slice %arg10[%mul3A_2, %dma_start3A_11] : memref<10240x128xf32, #tpu.memory_space<vmem_shared>> -> memref<640x128xf32, #tpu.memory_space<vmem_shared>>
      tpu.enqueue_dma source(%dma_start3A_12 : memref<640x128xf32, #tpu.memory_space<vmem_shared>>) target(%dma_start3A_10 : memref<640x128xf32, #tpu.memory_space<hbm>>) target_semaphore(%run_scoped3A : memref<!tpu.dma_semaphore, #tpu.memory_space<semaphore_mem>>)
      %dma_wait3A = arith.constant 0 : i32
      %dma_wait3A_13 = tpu.memref_slice %arg6[%arg0, %mul3A_2, %dma_wait3A] : memref<2x10240x128xf32, #tpu.memory_space<hbm>> -> memref<1x640x128xf32, #tpu.memory_space<hbm>>
      %dma_wait3A_14 = tpu.memref_squeeze %dma_wait3A_13 : memref<1x640x128xf32, #tpu.memory_space<hbm>> -> memref<640x128xf32, #tpu.memory_space<hbm>>
      %dma_wait3A_15 = arith.constant 0 : i32
      %dma_wait3A_16 = tpu.memref_slice %arg10[%mul3A_2, %dma_wait3A_15] : memref<10240x128xf32, #tpu.memory_space<vmem_shared>> -> memref<640x128xf32, #tpu.memory_space<vmem_shared>>
      tpu.wait_dma2 semaphore(%run_scoped3A : memref<!tpu.dma_semaphore, #tpu.memory_space<semaphore_mem>>) src(%dma_wait3A_16 : memref<640x128xf32, #tpu.memory_space<vmem_shared>>) dst(%dma_wait3A_14 : memref<640x128xf32, #tpu.memory_space<hbm>>)
      tpu.yield
    }) : () -> ()
    return
  }
}

#map = affine_map<(d0, d1) -> (0, 0)>
#map1 = affine_map<(d0, d1) -> (0, 0, 0)>
module attributes {stable_mosaic.version = 14 : i64} {
  func.func @k(%arg0: i32, %arg1: i32, %arg2: memref<10240x128xf32, #tpu.memory_space<hbm>>, %arg3: memref<32x79x128xi32, #tpu.memory_space<hbm>>, %arg4: memref<32x79x128xi32, #tpu.memory_space<hbm>>, %arg5: memref<10240x128xf32, #tpu.memory_space<hbm>>, %arg6: memref<2x10240x128xf32, #tpu.memory_space<hbm>>, %arg7: memref<79x128xi32, #tpu.memory_space<vmem>>, %arg8: memref<79x128xi32, #tpu.memory_space<vmem>>, %arg9: memref<128x128xf32, #tpu.memory_space<vmem>>, %arg10: memref<10240x128xf32, #tpu.memory_space<vmem_shared>>, %arg11: memref<!tpu.dma_semaphore, #tpu.memory_space<semaphore_mem>>) attributes {dimension_semantics = [#tpu.dimension_semantics<core_parallel>, #tpu.dimension_semantics<subcore_parallel>], iteration_bounds = array<i64: 2, 16>, scalar_prefetch = 0 : i64, scratch_operands = 5 : i64, tpu.core_type = #tpu.core_type<sc_vector_subcore>, window_params = [{transform_indices = #map}, {transform_indices = #map1}, {transform_indices = #map1}, {transform_indices = #map}, {transform_indices = #map1}]} {
    %mul3A = arith.constant 16 : i32
    %mul3A_0 = arith.muli %arg0, %mul3A : i32
    %add3A = arith.addi %mul3A_0, %arg1 : i32
    %mul3A_1 = arith.constant 640 : i32
    %mul3A_2 = arith.muli %arg1, %mul3A_1 : i32
    "tpu.region"() ({
      %run_scoped3A = tpu.sem_alloc : memref<!tpu.dma_semaphore, #tpu.memory_space<semaphore_mem>>
      %dma_start3A = arith.constant 0 : i32
      %dma_start3A_9 = tpu.memref_slice %arg10[%mul3A_2, %dma_start3A] : memref<10240x128xf32, #tpu.memory_space<vmem_shared>> -> memref<640x128xf32, #tpu.memory_space<vmem_shared>>
      %dma_start3A_10 = arith.constant 0 : i32
      %dma_start3A_11 = tpu.memref_slice %arg5[%mul3A_2, %dma_start3A_10] : memref<10240x128xf32, #tpu.memory_space<hbm>> -> memref<640x128xf32, #tpu.memory_space<hbm>>
      tpu.enqueue_dma source(%dma_start3A_11 : memref<640x128xf32, #tpu.memory_space<hbm>>) target(%dma_start3A_9 : memref<640x128xf32, #tpu.memory_space<vmem_shared>>) target_semaphore(%run_scoped3A : memref<!tpu.dma_semaphore, #tpu.memory_space<semaphore_mem>>)
      %dma_wait3A = arith.constant 0 : i32
      %dma_wait3A_12 = tpu.memref_slice %arg10[%mul3A_2, %dma_wait3A] : memref<10240x128xf32, #tpu.memory_space<vmem_shared>> -> memref<640x128xf32, #tpu.memory_space<vmem_shared>>
      %dma_wait3A_13 = arith.constant 0 : i32
      %dma_wait3A_14 = tpu.memref_slice %arg5[%mul3A_2, %dma_wait3A_13] : memref<10240x128xf32, #tpu.memory_space<hbm>> -> memref<640x128xf32, #tpu.memory_space<hbm>>
      tpu.wait_dma2 semaphore(%run_scoped3A : memref<!tpu.dma_semaphore, #tpu.memory_space<semaphore_mem>>) src(%dma_wait3A_14 : memref<640x128xf32, #tpu.memory_space<hbm>>) dst(%dma_wait3A_12 : memref<640x128xf32, #tpu.memory_space<vmem_shared>>)
      tpu.yield
    }) : () -> ()
    "tpu.region"() ({
      %run_scoped3A = tpu.sem_alloc : memref<!tpu.dma_semaphore, #tpu.memory_space<semaphore_mem>>
      %dma_start3A = arith.constant 0 : i32
      %dma_start3A_9 = arith.constant 0 : i32
      %dma_start3A_10 = tpu.memref_slice %arg3[%add3A, %dma_start3A, %dma_start3A_9] : memref<32x79x128xi32, #tpu.memory_space<hbm>> -> memref<1x79x128xi32, #tpu.memory_space<hbm>>
      %dma_start3A_11 = tpu.memref_squeeze %dma_start3A_10 : memref<1x79x128xi32, #tpu.memory_space<hbm>> -> memref<79x128xi32, #tpu.memory_space<hbm>>
      %dma_start3A_12 = arith.constant 0 : i32
      %dma_start3A_13 = arith.constant 0 : i32
      %dma_start3A_14 = tpu.memref_slice %arg3[%add3A, %dma_start3A_12, %dma_start3A_13] : memref<32x79x128xi32, #tpu.memory_space<hbm>> -> memref<1x79x128xi32, #tpu.memory_space<hbm>>
      %dma_start3A_15 = tpu.memref_squeeze %dma_start3A_14 : memref<1x79x128xi32, #tpu.memory_space<hbm>> -> memref<79x128xi32, #tpu.memory_space<hbm>>
      tpu.enqueue_dma source(%dma_start3A_15 : memref<79x128xi32, #tpu.memory_space<hbm>>) target(%arg7 : memref<79x128xi32, #tpu.memory_space<vmem>>) target_semaphore(%run_scoped3A : memref<!tpu.dma_semaphore, #tpu.memory_space<semaphore_mem>>)
      %dma_wait3A = arith.constant 0 : i32
      %dma_wait3A_16 = arith.constant 0 : i32
      %dma_wait3A_17 = tpu.memref_slice %arg3[%add3A, %dma_wait3A, %dma_wait3A_16] : memref<32x79x128xi32, #tpu.memory_space<hbm>> -> memref<1x79x128xi32, #tpu.memory_space<hbm>>
      %dma_wait3A_18 = tpu.memref_squeeze %dma_wait3A_17 : memref<1x79x128xi32, #tpu.memory_space<hbm>> -> memref<79x128xi32, #tpu.memory_space<hbm>>
      %dma_wait3A_19 = arith.constant 0 : i32
      %dma_wait3A_20 = arith.constant 0 : i32
      %dma_wait3A_21 = tpu.memref_slice %arg3[%add3A, %dma_wait3A_19, %dma_wait3A_20] : memref<32x79x128xi32, #tpu.memory_space<hbm>> -> memref<1x79x128xi32, #tpu.memory_space<hbm>>
      %dma_wait3A_22 = tpu.memref_squeeze %dma_wait3A_21 : memref<1x79x128xi32, #tpu.memory_space<hbm>> -> memref<79x128xi32, #tpu.memory_space<hbm>>
      tpu.wait_dma2 semaphore(%run_scoped3A : memref<!tpu.dma_semaphore, #tpu.memory_space<semaphore_mem>>) src(%dma_wait3A_22 : memref<79x128xi32, #tpu.memory_space<hbm>>) dst(%arg7 : memref<79x128xi32, #tpu.memory_space<vmem>>)
      tpu.yield
    }) : () -> ()
    "tpu.region"() ({
      %run_scoped3A = tpu.sem_alloc : memref<!tpu.dma_semaphore, #tpu.memory_space<semaphore_mem>>
      %dma_start3A = arith.constant 0 : i32
      %dma_start3A_9 = arith.constant 0 : i32
      %dma_start3A_10 = tpu.memref_slice %arg4[%add3A, %dma_start3A, %dma_start3A_9] : memref<32x79x128xi32, #tpu.memory_space<hbm>> -> memref<1x79x128xi32, #tpu.memory_space<hbm>>
      %dma_start3A_11 = tpu.memref_squeeze %dma_start3A_10 : memref<1x79x128xi32, #tpu.memory_space<hbm>> -> memref<79x128xi32, #tpu.memory_space<hbm>>
      %dma_start3A_12 = arith.constant 0 : i32
      %dma_start3A_13 = arith.constant 0 : i32
      %dma_start3A_14 = tpu.memref_slice %arg4[%add3A, %dma_start3A_12, %dma_start3A_13] : memref<32x79x128xi32, #tpu.memory_space<hbm>> -> memref<1x79x128xi32, #tpu.memory_space<hbm>>
      %dma_start3A_15 = tpu.memref_squeeze %dma_start3A_14 : memref<1x79x128xi32, #tpu.memory_space<hbm>> -> memref<79x128xi32, #tpu.memory_space<hbm>>
      tpu.enqueue_dma source(%dma_start3A_15 : memref<79x128xi32, #tpu.memory_space<hbm>>) target(%arg8 : memref<79x128xi32, #tpu.memory_space<vmem>>) target_semaphore(%run_scoped3A : memref<!tpu.dma_semaphore, #tpu.memory_space<semaphore_mem>>)
      %dma_wait3A = arith.constant 0 : i32
      %dma_wait3A_16 = arith.constant 0 : i32
      %dma_wait3A_17 = tpu.memref_slice %arg4[%add3A, %dma_wait3A, %dma_wait3A_16] : memref<32x79x128xi32, #tpu.memory_space<hbm>> -> memref<1x79x128xi32, #tpu.memory_space<hbm>>
      %dma_wait3A_18 = tpu.memref_squeeze %dma_wait3A_17 : memref<1x79x128xi32, #tpu.memory_space<hbm>> -> memref<79x128xi32, #tpu.memory_space<hbm>>
      %dma_wait3A_19 = arith.constant 0 : i32
      %dma_wait3A_20 = arith.constant 0 : i32
      %dma_wait3A_21 = tpu.memref_slice %arg4[%add3A, %dma_wait3A_19, %dma_wait3A_20] : memref<32x79x128xi32, #tpu.memory_space<hbm>> -> memref<1x79x128xi32, #tpu.memory_space<hbm>>
      %dma_wait3A_22 = tpu.memref_squeeze %dma_wait3A_21 : memref<1x79x128xi32, #tpu.memory_space<hbm>> -> memref<79x128xi32, #tpu.memory_space<hbm>>
      tpu.wait_dma2 semaphore(%run_scoped3A : memref<!tpu.dma_semaphore, #tpu.memory_space<semaphore_mem>>) src(%dma_wait3A_22 : memref<79x128xi32, #tpu.memory_space<hbm>>) dst(%arg8 : memref<79x128xi32, #tpu.memory_space<vmem>>)
      tpu.yield
    }) : () -> ()
    %barrier3A = arith.constant 0 : index
    tpu.barrier barrier_id(%barrier3A)
    %scan3A = arith.constant 0 : i32
    %scan3A_3 = arith.constant 0 : i32
    %scan3A_4 = arith.constant 79 : i32
    %scan3A_5 = arith.addi %scan3A_3, %scan3A_4 : i32
    %scan3A_6 = arith.constant 1 : i32
    scf.for %scan3A_9 = %scan3A_3 to %scan3A_5 step %scan3A_6  : i32 {
      %dma_start3A = arith.constant 0 : i32
      %dma_start3A_10 = tpu.memref_slice %arg7[%scan3A_9, %dma_start3A] : memref<79x128xi32, #tpu.memory_space<vmem>> -> memref<1x128xi32, #tpu.memory_space<vmem>>
      %dma_start3A_11 = tpu.memref_squeeze %dma_start3A_10 : memref<1x128xi32, #tpu.memory_space<vmem>> -> memref<128xi32, #tpu.memory_space<vmem>>
      %dma_start3A_12 = arith.constant 0 : i32
      %dma_start3A_13 = arith.constant 0 : i32
      %dma_start3A_14 = tpu.memref_slice %arg2[%dma_start3A_12, %dma_start3A_13] : memref<10240x128xf32, #tpu.memory_space<hbm>> -> memref<10240x128xf32, #tpu.memory_space<hbm>>
      tpu.enqueue_indirect_dma source(%dma_start3A_14 : memref<10240x128xf32, #tpu.memory_space<hbm>>) target(%arg9 : memref<128x128xf32, #tpu.memory_space<vmem>>) offsets(%dma_start3A_11 : memref<128xi32, #tpu.memory_space<vmem>>) semaphore(%arg11 : memref<!tpu.dma_semaphore, #tpu.memory_space<semaphore_mem>>)
      %dma_wait3A = arith.constant 0 : i32
      %dma_wait3A_15 = tpu.memref_slice %arg7[%scan3A_9, %dma_wait3A] : memref<79x128xi32, #tpu.memory_space<vmem>> -> memref<1x128xi32, #tpu.memory_space<vmem>>
      %dma_wait3A_16 = tpu.memref_squeeze %dma_wait3A_15 : memref<1x128xi32, #tpu.memory_space<vmem>> -> memref<128xi32, #tpu.memory_space<vmem>>
      %dma_wait3A_17 = arith.constant 0 : i32
      %dma_wait3A_18 = arith.constant 0 : i32
      %dma_wait3A_19 = tpu.memref_slice %arg2[%dma_wait3A_17, %dma_wait3A_18] : memref<10240x128xf32, #tpu.memory_space<hbm>> -> memref<10240x128xf32, #tpu.memory_space<hbm>>
      tpu.wait_indirect_dma semaphore(%arg11 : memref<!tpu.dma_semaphore, #tpu.memory_space<semaphore_mem>>) src(%dma_wait3A_19 : memref<10240x128xf32, #tpu.memory_space<hbm>>) dst(%arg9 : memref<128x128xf32, #tpu.memory_space<vmem>>)
      "tpu.region"() ({
        %run_scoped3A = tpu.sem_alloc : memref<!tpu.dma_semaphore, #tpu.memory_space<semaphore_mem>>
        %dma_start3A_20 = arith.constant 0 : i32
        %dma_start3A_21 = tpu.memref_slice %arg8[%scan3A_9, %dma_start3A_20] : memref<79x128xi32, #tpu.memory_space<vmem>> -> memref<1x128xi32, #tpu.memory_space<vmem>>
        %dma_start3A_22 = tpu.memref_squeeze %dma_start3A_21 : memref<1x128xi32, #tpu.memory_space<vmem>> -> memref<128xi32, #tpu.memory_space<vmem>>
        %dma_start3A_23 = arith.constant 0 : i32
        %dma_start3A_24 = arith.constant 0 : i32
        %dma_start3A_25 = tpu.memref_slice %arg10[%dma_start3A_23, %dma_start3A_24] : memref<10240x128xf32, #tpu.memory_space<vmem_shared>> -> memref<10240x128xf32, #tpu.memory_space<vmem_shared>>
        tpu.enqueue_indirect_dma source(%arg9 : memref<128x128xf32, #tpu.memory_space<vmem>>) target(%dma_start3A_25 : memref<10240x128xf32, #tpu.memory_space<vmem_shared>>) offsets(%dma_start3A_22 : memref<128xi32, #tpu.memory_space<vmem>>) semaphore(%run_scoped3A : memref<!tpu.dma_semaphore, #tpu.memory_space<semaphore_mem>>) {add = true}
        %dma_wait3A_26 = arith.constant 0 : i32
        %dma_wait3A_27 = tpu.memref_slice %arg8[%scan3A_9, %dma_wait3A_26] : memref<79x128xi32, #tpu.memory_space<vmem>> -> memref<1x128xi32, #tpu.memory_space<vmem>>
        %dma_wait3A_28 = tpu.memref_squeeze %dma_wait3A_27 : memref<1x128xi32, #tpu.memory_space<vmem>> -> memref<128xi32, #tpu.memory_space<vmem>>
        %dma_wait3A_29 = arith.constant 0 : i32
        %dma_wait3A_30 = arith.constant 0 : i32
        %dma_wait3A_31 = tpu.memref_slice %arg10[%dma_wait3A_29, %dma_wait3A_30] : memref<10240x128xf32, #tpu.memory_space<vmem_shared>> -> memref<10240x128xf32, #tpu.memory_space<vmem_shared>>
        tpu.wait_indirect_dma semaphore(%run_scoped3A : memref<!tpu.dma_semaphore, #tpu.memory_space<semaphore_mem>>) src(%arg9 : memref<128x128xf32, #tpu.memory_space<vmem>>) dst(%dma_wait3A_31 : memref<10240x128xf32, #tpu.memory_space<vmem_shared>>)
        tpu.yield
      }) : () -> ()
    }
    %scan3A_7 = arith.constant 79 : i32
    %barrier3A_8 = arith.constant 0 : index
    tpu.barrier barrier_id(%barrier3A_8)
    "tpu.region"() ({
      %run_scoped3A = tpu.sem_alloc : memref<!tpu.dma_semaphore, #tpu.memory_space<semaphore_mem>>
      %dma_start3A = arith.constant 0 : i32
      %dma_start3A_9 = tpu.memref_slice %arg6[%arg0, %mul3A_2, %dma_start3A] : memref<2x10240x128xf32, #tpu.memory_space<hbm>> -> memref<1x640x128xf32, #tpu.memory_space<hbm>>
      %dma_start3A_10 = tpu.memref_squeeze %dma_start3A_9 : memref<1x640x128xf32, #tpu.memory_space<hbm>> -> memref<640x128xf32, #tpu.memory_space<hbm>>
      %dma_start3A_11 = arith.constant 0 : i32
      %dma_start3A_12 = tpu.memref_slice %arg10[%mul3A_2, %dma_start3A_11] : memref<10240x128xf32, #tpu.memory_space<vmem_shared>> -> memref<640x128xf32, #tpu.memory_space<vmem_shared>>
      tpu.enqueue_dma source(%dma_start3A_12 : memref<640x128xf32, #tpu.memory_space<vmem_shared>>) target(%dma_start3A_10 : memref<640x128xf32, #tpu.memory_space<hbm>>) target_semaphore(%run_scoped3A : memref<!tpu.dma_semaphore, #tpu.memory_space<semaphore_mem>>)
      %dma_wait3A = arith.constant 0 : i32
      %dma_wait3A_13 = tpu.memref_slice %arg6[%arg0, %mul3A_2, %dma_wait3A] : memref<2x10240x128xf32, #tpu.memory_space<hbm>> -> memref<1x640x128xf32, #tpu.memory_space<hbm>>
      %dma_wait3A_14 = tpu.memref_squeeze %dma_wait3A_13 : memref<1x640x128xf32, #tpu.memory_space<hbm>> -> memref<640x128xf32, #tpu.memory_space<hbm>>
      %dma_wait3A_15 = arith.constant 0 : i32
      %dma_wait3A_16 = tpu.memref_slice %arg10[%mul3A_2, %dma_wait3A_15] : memref<10240x128xf32, #tpu.memory_space<vmem_shared>> -> memref<640x128xf32, #tpu.memory_space<vmem_shared>>
      tpu.wait_dma2 semaphore(%run_scoped3A : memref<!tpu.dma_semaphore, #tpu.memory_space<semaphore_mem>>) src(%dma_wait3A_16 : memref<640x128xf32, #tpu.memory_space<vmem_shared>>) dst(%dma_wait3A_14 : memref<640x128xf32, #tpu.memory_space<hbm>>)
      tpu.yield
    }) : () -> ()
    return
  }
}

#map = affine_map<(d0, d1) -> (0, 0)>
#map1 = affine_map<(d0, d1) -> (0, 0, 0)>
module attributes {stable_mosaic.version = 14 : i64} {
  func.func @k(%arg0: i32, %arg1: i32, %arg2: memref<10240x128xf32, #tpu.memory_space<hbm>>, %arg3: memref<32x79x128xi32, #tpu.memory_space<hbm>>, %arg4: memref<32x79x128xi32, #tpu.memory_space<hbm>>, %arg5: memref<10240x128xf32, #tpu.memory_space<hbm>>, %arg6: memref<2x10240x128xf32, #tpu.memory_space<hbm>>, %arg7: memref<79x128xi32, #tpu.memory_space<vmem>>, %arg8: memref<79x128xi32, #tpu.memory_space<vmem>>, %arg9: memref<128x128xf32, #tpu.memory_space<vmem>>, %arg10: memref<10240x128xf32, #tpu.memory_space<vmem_shared>>, %arg11: memref<!tpu.dma_semaphore, #tpu.memory_space<semaphore_mem>>) attributes {dimension_semantics = [#tpu.dimension_semantics<core_parallel>, #tpu.dimension_semantics<subcore_parallel>], iteration_bounds = array<i64: 2, 16>, scalar_prefetch = 0 : i64, scratch_operands = 5 : i64, tpu.core_type = #tpu.core_type<sc_vector_subcore>, window_params = [{transform_indices = #map}, {transform_indices = #map1}, {transform_indices = #map1}, {transform_indices = #map}, {transform_indices = #map1}]} {
    %mul3A = arith.constant 16 : i32
    %mul3A_0 = arith.muli %arg0, %mul3A : i32
    %add3A = arith.addi %mul3A_0, %arg1 : i32
    %mul3A_1 = arith.constant 640 : i32
    %mul3A_2 = arith.muli %arg1, %mul3A_1 : i32
    "tpu.region"() ({
      %run_scoped3A = tpu.sem_alloc : memref<!tpu.dma_semaphore, #tpu.memory_space<semaphore_mem>>
      %dma_start3A = arith.constant 0 : i32
      %dma_start3A_9 = tpu.memref_slice %arg10[%mul3A_2, %dma_start3A] : memref<10240x128xf32, #tpu.memory_space<vmem_shared>> -> memref<640x128xf32, #tpu.memory_space<vmem_shared>>
      %dma_start3A_10 = arith.constant 0 : i32
      %dma_start3A_11 = tpu.memref_slice %arg5[%mul3A_2, %dma_start3A_10] : memref<10240x128xf32, #tpu.memory_space<hbm>> -> memref<640x128xf32, #tpu.memory_space<hbm>>
      tpu.enqueue_dma source(%dma_start3A_11 : memref<640x128xf32, #tpu.memory_space<hbm>>) target(%dma_start3A_9 : memref<640x128xf32, #tpu.memory_space<vmem_shared>>) target_semaphore(%run_scoped3A : memref<!tpu.dma_semaphore, #tpu.memory_space<semaphore_mem>>)
      %dma_wait3A = arith.constant 0 : i32
      %dma_wait3A_12 = tpu.memref_slice %arg10[%mul3A_2, %dma_wait3A] : memref<10240x128xf32, #tpu.memory_space<vmem_shared>> -> memref<640x128xf32, #tpu.memory_space<vmem_shared>>
      %dma_wait3A_13 = arith.constant 0 : i32
      %dma_wait3A_14 = tpu.memref_slice %arg5[%mul3A_2, %dma_wait3A_13] : memref<10240x128xf32, #tpu.memory_space<hbm>> -> memref<640x128xf32, #tpu.memory_space<hbm>>
      tpu.wait_dma2 semaphore(%run_scoped3A : memref<!tpu.dma_semaphore, #tpu.memory_space<semaphore_mem>>) src(%dma_wait3A_14 : memref<640x128xf32, #tpu.memory_space<hbm>>) dst(%dma_wait3A_12 : memref<640x128xf32, #tpu.memory_space<vmem_shared>>)
      tpu.yield
    }) : () -> ()
    "tpu.region"() ({
      %run_scoped3A = tpu.sem_alloc : memref<!tpu.dma_semaphore, #tpu.memory_space<semaphore_mem>>
      %dma_start3A = arith.constant 0 : i32
      %dma_start3A_9 = arith.constant 0 : i32
      %dma_start3A_10 = tpu.memref_slice %arg3[%add3A, %dma_start3A, %dma_start3A_9] : memref<32x79x128xi32, #tpu.memory_space<hbm>> -> memref<1x79x128xi32, #tpu.memory_space<hbm>>
      %dma_start3A_11 = tpu.memref_squeeze %dma_start3A_10 : memref<1x79x128xi32, #tpu.memory_space<hbm>> -> memref<79x128xi32, #tpu.memory_space<hbm>>
      %dma_start3A_12 = arith.constant 0 : i32
      %dma_start3A_13 = arith.constant 0 : i32
      %dma_start3A_14 = tpu.memref_slice %arg3[%add3A, %dma_start3A_12, %dma_start3A_13] : memref<32x79x128xi32, #tpu.memory_space<hbm>> -> memref<1x79x128xi32, #tpu.memory_space<hbm>>
      %dma_start3A_15 = tpu.memref_squeeze %dma_start3A_14 : memref<1x79x128xi32, #tpu.memory_space<hbm>> -> memref<79x128xi32, #tpu.memory_space<hbm>>
      tpu.enqueue_dma source(%dma_start3A_15 : memref<79x128xi32, #tpu.memory_space<hbm>>) target(%arg7 : memref<79x128xi32, #tpu.memory_space<vmem>>) target_semaphore(%run_scoped3A : memref<!tpu.dma_semaphore, #tpu.memory_space<semaphore_mem>>)
      %dma_wait3A = arith.constant 0 : i32
      %dma_wait3A_16 = arith.constant 0 : i32
      %dma_wait3A_17 = tpu.memref_slice %arg3[%add3A, %dma_wait3A, %dma_wait3A_16] : memref<32x79x128xi32, #tpu.memory_space<hbm>> -> memref<1x79x128xi32, #tpu.memory_space<hbm>>
      %dma_wait3A_18 = tpu.memref_squeeze %dma_wait3A_17 : memref<1x79x128xi32, #tpu.memory_space<hbm>> -> memref<79x128xi32, #tpu.memory_space<hbm>>
      %dma_wait3A_19 = arith.constant 0 : i32
      %dma_wait3A_20 = arith.constant 0 : i32
      %dma_wait3A_21 = tpu.memref_slice %arg3[%add3A, %dma_wait3A_19, %dma_wait3A_20] : memref<32x79x128xi32, #tpu.memory_space<hbm>> -> memref<1x79x128xi32, #tpu.memory_space<hbm>>
      %dma_wait3A_22 = tpu.memref_squeeze %dma_wait3A_21 : memref<1x79x128xi32, #tpu.memory_space<hbm>> -> memref<79x128xi32, #tpu.memory_space<hbm>>
      tpu.wait_dma2 semaphore(%run_scoped3A : memref<!tpu.dma_semaphore, #tpu.memory_space<semaphore_mem>>) src(%dma_wait3A_22 : memref<79x128xi32, #tpu.memory_space<hbm>>) dst(%arg7 : memref<79x128xi32, #tpu.memory_space<vmem>>)
      tpu.yield
    }) : () -> ()
    "tpu.region"() ({
      %run_scoped3A = tpu.sem_alloc : memref<!tpu.dma_semaphore, #tpu.memory_space<semaphore_mem>>
      %dma_start3A = arith.constant 0 : i32
      %dma_start3A_9 = arith.constant 0 : i32
      %dma_start3A_10 = tpu.memref_slice %arg4[%add3A, %dma_start3A, %dma_start3A_9] : memref<32x79x128xi32, #tpu.memory_space<hbm>> -> memref<1x79x128xi32, #tpu.memory_space<hbm>>
      %dma_start3A_11 = tpu.memref_squeeze %dma_start3A_10 : memref<1x79x128xi32, #tpu.memory_space<hbm>> -> memref<79x128xi32, #tpu.memory_space<hbm>>
      %dma_start3A_12 = arith.constant 0 : i32
      %dma_start3A_13 = arith.constant 0 : i32
      %dma_start3A_14 = tpu.memref_slice %arg4[%add3A, %dma_start3A_12, %dma_start3A_13] : memref<32x79x128xi32, #tpu.memory_space<hbm>> -> memref<1x79x128xi32, #tpu.memory_space<hbm>>
      %dma_start3A_15 = tpu.memref_squeeze %dma_start3A_14 : memref<1x79x128xi32, #tpu.memory_space<hbm>> -> memref<79x128xi32, #tpu.memory_space<hbm>>
      tpu.enqueue_dma source(%dma_start3A_15 : memref<79x128xi32, #tpu.memory_space<hbm>>) target(%arg8 : memref<79x128xi32, #tpu.memory_space<vmem>>) target_semaphore(%run_scoped3A : memref<!tpu.dma_semaphore, #tpu.memory_space<semaphore_mem>>)
      %dma_wait3A = arith.constant 0 : i32
      %dma_wait3A_16 = arith.constant 0 : i32
      %dma_wait3A_17 = tpu.memref_slice %arg4[%add3A, %dma_wait3A, %dma_wait3A_16] : memref<32x79x128xi32, #tpu.memory_space<hbm>> -> memref<1x79x128xi32, #tpu.memory_space<hbm>>
      %dma_wait3A_18 = tpu.memref_squeeze %dma_wait3A_17 : memref<1x79x128xi32, #tpu.memory_space<hbm>> -> memref<79x128xi32, #tpu.memory_space<hbm>>
      %dma_wait3A_19 = arith.constant 0 : i32
      %dma_wait3A_20 = arith.constant 0 : i32
      %dma_wait3A_21 = tpu.memref_slice %arg4[%add3A, %dma_wait3A_19, %dma_wait3A_20] : memref<32x79x128xi32, #tpu.memory_space<hbm>> -> memref<1x79x128xi32, #tpu.memory_space<hbm>>
      %dma_wait3A_22 = tpu.memref_squeeze %dma_wait3A_21 : memref<1x79x128xi32, #tpu.memory_space<hbm>> -> memref<79x128xi32, #tpu.memory_space<hbm>>
      tpu.wait_dma2 semaphore(%run_scoped3A : memref<!tpu.dma_semaphore, #tpu.memory_space<semaphore_mem>>) src(%dma_wait3A_22 : memref<79x128xi32, #tpu.memory_space<hbm>>) dst(%arg8 : memref<79x128xi32, #tpu.memory_space<vmem>>)
      tpu.yield
    }) : () -> ()
    %barrier3A = arith.constant 0 : index
    tpu.barrier barrier_id(%barrier3A)
    %scan3A = arith.constant 0 : i32
    %scan3A_3 = arith.constant 0 : i32
    %scan3A_4 = arith.constant 79 : i32
    %scan3A_5 = arith.addi %scan3A_3, %scan3A_4 : i32
    %scan3A_6 = arith.constant 1 : i32
    scf.for %scan3A_9 = %scan3A_3 to %scan3A_5 step %scan3A_6  : i32 {
      %dma_start3A = arith.constant 0 : i32
      %dma_start3A_10 = tpu.memref_slice %arg7[%scan3A_9, %dma_start3A] : memref<79x128xi32, #tpu.memory_space<vmem>> -> memref<1x128xi32, #tpu.memory_space<vmem>>
      %dma_start3A_11 = tpu.memref_squeeze %dma_start3A_10 : memref<1x128xi32, #tpu.memory_space<vmem>> -> memref<128xi32, #tpu.memory_space<vmem>>
      %dma_start3A_12 = arith.constant 0 : i32
      %dma_start3A_13 = arith.constant 0 : i32
      %dma_start3A_14 = tpu.memref_slice %arg2[%dma_start3A_12, %dma_start3A_13] : memref<10240x128xf32, #tpu.memory_space<hbm>> -> memref<10240x128xf32, #tpu.memory_space<hbm>>
      tpu.enqueue_indirect_dma source(%dma_start3A_14 : memref<10240x128xf32, #tpu.memory_space<hbm>>) target(%arg9 : memref<128x128xf32, #tpu.memory_space<vmem>>) offsets(%dma_start3A_11 : memref<128xi32, #tpu.memory_space<vmem>>) semaphore(%arg11 : memref<!tpu.dma_semaphore, #tpu.memory_space<semaphore_mem>>)
      %dma_wait3A = arith.constant 0 : i32
      %dma_wait3A_15 = tpu.memref_slice %arg7[%scan3A_9, %dma_wait3A] : memref<79x128xi32, #tpu.memory_space<vmem>> -> memref<1x128xi32, #tpu.memory_space<vmem>>
      %dma_wait3A_16 = tpu.memref_squeeze %dma_wait3A_15 : memref<1x128xi32, #tpu.memory_space<vmem>> -> memref<128xi32, #tpu.memory_space<vmem>>
      %dma_wait3A_17 = arith.constant 0 : i32
      %dma_wait3A_18 = arith.constant 0 : i32
      %dma_wait3A_19 = tpu.memref_slice %arg2[%dma_wait3A_17, %dma_wait3A_18] : memref<10240x128xf32, #tpu.memory_space<hbm>> -> memref<10240x128xf32, #tpu.memory_space<hbm>>
      tpu.wait_indirect_dma semaphore(%arg11 : memref<!tpu.dma_semaphore, #tpu.memory_space<semaphore_mem>>) src(%dma_wait3A_19 : memref<10240x128xf32, #tpu.memory_space<hbm>>) dst(%arg9 : memref<128x128xf32, #tpu.memory_space<vmem>>)
      "tpu.region"() ({
        %run_scoped3A = tpu.sem_alloc : memref<!tpu.dma_semaphore, #tpu.memory_space<semaphore_mem>>
        %dma_start3A_20 = arith.constant 0 : i32
        %dma_start3A_21 = tpu.memref_slice %arg8[%scan3A_9, %dma_start3A_20] : memref<79x128xi32, #tpu.memory_space<vmem>> -> memref<1x128xi32, #tpu.memory_space<vmem>>
        %dma_start3A_22 = tpu.memref_squeeze %dma_start3A_21 : memref<1x128xi32, #tpu.memory_space<vmem>> -> memref<128xi32, #tpu.memory_space<vmem>>
        %dma_start3A_23 = arith.constant 0 : i32
        %dma_start3A_24 = arith.constant 0 : i32
        %dma_start3A_25 = tpu.memref_slice %arg10[%dma_start3A_23, %dma_start3A_24] : memref<10240x128xf32, #tpu.memory_space<vmem_shared>> -> memref<10240x128xf32, #tpu.memory_space<vmem_shared>>
        tpu.enqueue_indirect_dma source(%arg9 : memref<128x128xf32, #tpu.memory_space<vmem>>) target(%dma_start3A_25 : memref<10240x128xf32, #tpu.memory_space<vmem_shared>>) offsets(%dma_start3A_22 : memref<128xi32, #tpu.memory_space<vmem>>) semaphore(%run_scoped3A : memref<!tpu.dma_semaphore, #tpu.memory_space<semaphore_mem>>) {add = true}
        %dma_wait3A_26 = arith.constant 0 : i32
        %dma_wait3A_27 = tpu.memref_slice %arg8[%scan3A_9, %dma_wait3A_26] : memref<79x128xi32, #tpu.memory_space<vmem>> -> memref<1x128xi32, #tpu.memory_space<vmem>>
        %dma_wait3A_28 = tpu.memref_squeeze %dma_wait3A_27 : memref<1x128xi32, #tpu.memory_space<vmem>> -> memref<128xi32, #tpu.memory_space<vmem>>
        %dma_wait3A_29 = arith.constant 0 : i32
        %dma_wait3A_30 = arith.constant 0 : i32
        %dma_wait3A_31 = tpu.memref_slice %arg10[%dma_wait3A_29, %dma_wait3A_30] : memref<10240x128xf32, #tpu.memory_space<vmem_shared>> -> memref<10240x128xf32, #tpu.memory_space<vmem_shared>>
        tpu.wait_indirect_dma semaphore(%run_scoped3A : memref<!tpu.dma_semaphore, #tpu.memory_space<semaphore_mem>>) src(%arg9 : memref<128x128xf32, #tpu.memory_space<vmem>>) dst(%dma_wait3A_31 : memref<10240x128xf32, #tpu.memory_space<vmem_shared>>)
        tpu.yield
      }) : () -> ()
    }
    %scan3A_7 = arith.constant 79 : i32
    %barrier3A_8 = arith.constant 0 : index
    tpu.barrier barrier_id(%barrier3A_8)
    "tpu.region"() ({
      %run_scoped3A = tpu.sem_alloc : memref<!tpu.dma_semaphore, #tpu.memory_space<semaphore_mem>>
      %dma_start3A = arith.constant 0 : i32
      %dma_start3A_9 = tpu.memref_slice %arg6[%arg0, %mul3A_2, %dma_start3A] : memref<2x10240x128xf32, #tpu.memory_space<hbm>> -> memref<1x640x128xf32, #tpu.memory_space<hbm>>
      %dma_start3A_10 = tpu.memref_squeeze %dma_start3A_9 : memref<1x640x128xf32, #tpu.memory_space<hbm>> -> memref<640x128xf32, #tpu.memory_space<hbm>>
      %dma_start3A_11 = arith.constant 0 : i32
      %dma_start3A_12 = tpu.memref_slice %arg10[%mul3A_2, %dma_start3A_11] : memref<10240x128xf32, #tpu.memory_space<vmem_shared>> -> memref<640x128xf32, #tpu.memory_space<vmem_shared>>
      tpu.enqueue_dma source(%dma_start3A_12 : memref<640x128xf32, #tpu.memory_space<vmem_shared>>) target(%dma_start3A_10 : memref<640x128xf32, #tpu.memory_space<hbm>>) target_semaphore(%run_scoped3A : memref<!tpu.dma_semaphore, #tpu.memory_space<semaphore_mem>>)
      %dma_wait3A = arith.constant 0 : i32
      %dma_wait3A_13 = tpu.memref_slice %arg6[%arg0, %mul3A_2, %dma_wait3A] : memref<2x10240x128xf32, #tpu.memory_space<hbm>> -> memref<1x640x128xf32, #tpu.memory_space<hbm>>
      %dma_wait3A_14 = tpu.memref_squeeze %dma_wait3A_13 : memref<1x640x128xf32, #tpu.memory_space<hbm>> -> memref<640x128xf32, #tpu.memory_space<hbm>>
      %dma_wait3A_15 = arith.constant 0 : i32
      %dma_wait3A_16 = tpu.memref_slice %arg10[%mul3A_2, %dma_wait3A_15] : memref<10240x128xf32, #tpu.memory_space<vmem_shared>> -> memref<640x128xf32, #tpu.memory_space<vmem_shared>>
      tpu.wait_dma2 semaphore(%run_scoped3A : memref<!tpu.dma_semaphore, #tpu.memory_space<semaphore_mem>>) src(%dma_wait3A_16 : memref<640x128xf32, #tpu.memory_space<vmem_shared>>) dst(%dma_wait3A_14 : memref<640x128xf32, #tpu.memory_space<hbm>>)
      tpu.yield
    }) : () -> ()
    return
  }
}

module attributes {stable_mosaic.version = 14 : i64} {
  func.func @body(%arg0: i32, %arg1: memref<1024x128xf32, #tpu.memory_space<vmem>>, %arg2: memref<1024x128xf32, #tpu.memory_space<vmem>>, %arg3: memref<1024x128xf32, #tpu.memory_space<vmem>>, %arg4: memref<128x128xf32, #tpu.memory_space<vmem>>, %arg5: memref<1024x128xf32, #tpu.memory_space<vmem>>, %arg6: memref<1024x128xf32, #tpu.memory_space<vmem>>) attributes {dimension_semantics = [#tpu.dimension_semantics<arbitrary>], iteration_bounds = array<i64: 10>, scalar_prefetch = 0 : i64, scratch_operands = 0 : i64, tpu.core_type = #tpu.core_type<tc>, window_params = [{transform_indices = @transform_0, window_bounds = array<i64: 1024, 128>}, {transform_indices = @transform_1, window_bounds = array<i64: 1024, 128>}, {transform_indices = @transform_2, window_bounds = array<i64: 1024, 128>}, {pipeline_mode = #tpu.pipeline_mode<synchronous>, transform_indices = @transform_3, window_bounds = array<i64: 128, 128>}, {transform_indices = @transform_4, window_bounds = array<i64: 1024, 128>}, {transform_indices = @transform_5, window_bounds = array<i64: 1024, 128>}]} {
    %get3A = arith.constant 0 : index
    %get3A_0 = arith.constant 0 : index
    %get3A_1 = vector.load %arg2[%get3A, %get3A_0] : memref<1024x128xf32, #tpu.memory_space<vmem>>, vector<1024x1xf32>
    %get3A_2 = arith.constant 0 : index
    %get3A_3 = arith.constant 0 : index
    %get3A_4 = vector.load %arg3[%get3A_2, %get3A_3] : memref<1024x128xf32, #tpu.memory_space<vmem>>, vector<1024x1xf32>
    %add3A = arith.addf %get3A_1, %get3A_4 : vector<1024x1xf32>
    %add3A_5 = arith.constant 1.000000e+00 : f32
    %add3A_6 = vector.broadcast %add3A_5 : f32 to vector<1024x1xf32>
    %add3A_7 = arith.addf %add3A, %add3A_6 : vector<1024x1xf32>
    %rsqrt3A = math.rsqrt %add3A_7 : vector<1024x1xf32>
    %mul3A = arith.constant 1024 : i32
    %mul3A_8 = arith.muli %arg0, %mul3A : i32
    %iota3A = tpu.iota {dimensions = array<i32: 0>} : vector<1024x128xi32>
    %add3A_9 = vector.broadcast %mul3A_8 : i32 to vector<1024x128xi32>
    %add3A_10 = arith.addi %add3A_9, %iota3A : vector<1024x128xi32>
    %lt3A = arith.constant 10000 : i32
    %lt3A_11 = vector.broadcast %lt3A : i32 to vector<1024x128xi32>
    %lt3A_12 = arith.cmpi slt, %add3A_10, %lt3A_11 : vector<1024x128xi32>
    %broadcast_in_dim3A = vector.shape_cast %rsqrt3A : vector<1024x1xf32> to vector<1024x1xf32>
    %broadcast_in_dim3A_13 = vector.broadcast %broadcast_in_dim3A : vector<1024x1xf32> to vector<1024x128xf32>
    %jit3A = arith.constant 0.000000e+00 : f32
    %broadcast_in_dim3A_14 = vector.broadcast %jit3A : f32 to vector<1024x128xf32>
    %select_n3A = arith.select %lt3A_12, %broadcast_in_dim3A_13, %broadcast_in_dim3A_14 : vector<1024x128xi1>, vector<1024x128xf32>
    %get3A_15 = arith.constant 0 : index
    %get3A_16 = arith.constant 0 : index
    %get3A_17 = vector.load %arg1[%get3A_15, %get3A_16] : memref<1024x128xf32, #tpu.memory_space<vmem>>, vector<1024x128xf32>
    %get3A_18 = arith.constant 0 : index
    %get3A_19 = arith.constant 0 : index
    %get3A_20 = vector.load %arg4[%get3A_18, %get3A_19] : memref<128x128xf32, #tpu.memory_space<vmem>>, vector<128x128xf32>
    %dot_general3A = arith.constant dense<0.000000e+00> : vector<1024x128xf32>
    %dot_general3A_21 = tpu.matmul %get3A_17, %get3A_20, %dot_general3A {dimension_numbers = #tpu.dot_dimension_numbers<[1], [0], [0], [1], [0, 0, 1, 1], [], []>, transpose_lhs_hint = false} : vector<1024x128xf32>, vector<128x128xf32>, vector<1024x128xf32> -> vector<1024x128xf32>
    %mul3A_22 = arith.mulf %select_n3A, %dot_general3A_21 : vector<1024x128xf32>
    %swap3A = arith.constant 0 : index
    %swap3A_23 = arith.constant 0 : index
    %swap3A_24 = vector.load %arg5[%swap3A, %swap3A_23] : memref<1024x128xf32, #tpu.memory_space<vmem>>, vector<1024x128xf32>
    tpu.vector_store %arg5[%swap3A, %swap3A_23], %mul3A_22 {strides = array<i32>} : memref<1024x128xf32, #tpu.memory_space<vmem>>, vector<1024x128xf32>,
    %swap3A_25 = arith.constant 0 : index
    %swap3A_26 = arith.constant 0 : index
    %swap3A_27 = vector.load %arg6[%swap3A_25, %swap3A_26] : memref<1024x128xf32, #tpu.memory_space<vmem>>, vector<1024x128xf32>
    tpu.vector_store %arg6[%swap3A_25, %swap3A_26], %select_n3A {strides = array<i32>} : memref<1024x128xf32, #tpu.memory_space<vmem>>, vector<1024x128xf32>,
    return
  }
  func.func @transform_0(%arg0: i32) -> (i32, i32) {
    %c0_i32 = arith.constant 0 : i32
    %c0_i32_0 = arith.constant 0 : i32
    return %arg0, %c0_i32 : i32, i32
  }
  func.func @transform_1(%arg0: i32) -> (i32, i32) {
    %c0_i32 = arith.constant 0 : i32
    %c0_i32_0 = arith.constant 0 : i32
    return %arg0, %c0_i32 : i32, i32
  }
  func.func @transform_2(%arg0: i32) -> (i32, i32) {
    %c0_i32 = arith.constant 0 : i32
    %c0_i32_0 = arith.constant 0 : i32
    return %arg0, %c0_i32 : i32, i32
  }
  func.func @transform_3(%arg0: i32) -> (i32, i32) {
    %c0_i32 = arith.constant 0 : i32
    %c0_i32_0 = arith.constant 0 : i32
    %c0_i32_1 = arith.constant 0 : i32
    return %c0_i32, %c0_i32_0 : i32, i32
  }
  func.func @transform_4(%arg0: i32) -> (i32, i32) {
    %c0_i32 = arith.constant 0 : i32
    %c0_i32_0 = arith.constant 0 : i32
    return %arg0, %c0_i32 : i32, i32
  }
  func.func @transform_5(%arg0: i32) -> (i32, i32) {
    %c0_i32 = arith.constant 0 : i32
    %c0_i32_0 = arith.constant 0 : i32
    return %arg0, %c0_i32 : i32, i32
  }
}

module attributes {stable_mosaic.version = 14 : i64} {
  func.func @body(%arg0: i32, %arg1: memref<1024x128xf32, #tpu.memory_space<vmem>>, %arg2: memref<1024x128xf32, #tpu.memory_space<vmem>>, %arg3: memref<1024x128xf32, #tpu.memory_space<vmem>>, %arg4: memref<1024x128xf32, #tpu.memory_space<vmem>>, %arg5: memref<128x128xf32, #tpu.memory_space<vmem>>, %arg6: memref<1x128xf32, #tpu.memory_space<vmem>>, %arg7: memref<1x128xf32, #tpu.memory_space<vmem>>, %arg8: memref<1024x128xf32, #tpu.memory_space<vmem>>) attributes {dimension_semantics = [#tpu.dimension_semantics<arbitrary>], iteration_bounds = array<i64: 10>, scalar_prefetch = 0 : i64, scratch_operands = 0 : i64, tpu.core_type = #tpu.core_type<tc>, window_params = [{transform_indices = @transform_0, window_bounds = array<i64: 1024, 128>}, {transform_indices = @transform_1, window_bounds = array<i64: 1024, 128>}, {transform_indices = @transform_2, window_bounds = array<i64: 1024, 128>}, {transform_indices = @transform_3, window_bounds = array<i64: 1024, 128>}, {pipeline_mode = #tpu.pipeline_mode<synchronous>, transform_indices = @transform_4, window_bounds = array<i64: 128, 128>}, {pipeline_mode = #tpu.pipeline_mode<synchronous>, transform_indices = @transform_5, window_bounds = array<i64: 1, 128>}, {pipeline_mode = #tpu.pipeline_mode<synchronous>, transform_indices = @transform_6, window_bounds = array<i64: 1, 128>}, {transform_indices = @transform_7, window_bounds = array<i64: 1024, 128>}]} {
    %get3A = arith.constant 0 : index
    %get3A_0 = arith.constant 0 : index
    %get3A_1 = vector.load %arg4[%get3A, %get3A_0] : memref<1024x128xf32, #tpu.memory_space<vmem>>, vector<1024x128xf32>
    %get3A_2 = arith.constant 0 : index
    %get3A_3 = arith.constant 0 : index
    %get3A_4 = vector.load %arg1[%get3A_2, %get3A_3] : memref<1024x128xf32, #tpu.memory_space<vmem>>, vector<1024x128xf32>
    %get3A_5 = arith.constant 0 : index
    %get3A_6 = arith.constant 0 : index
    %get3A_7 = vector.load %arg2[%get3A_5, %get3A_6] : memref<1024x128xf32, #tpu.memory_space<vmem>>, vector<1024x128xf32>
    %add3A = arith.addf %get3A_4, %get3A_7 : vector<1024x128xf32>
    %get3A_8 = arith.constant 0 : index
    %get3A_9 = arith.constant 0 : index
    %get3A_10 = vector.load %arg3[%get3A_8, %get3A_9] : memref<1024x128xf32, #tpu.memory_space<vmem>>, vector<1024x128xf32>
    %add3A_11 = arith.addf %add3A, %get3A_10 : vector<1024x128xf32>
    %mul3A = arith.mulf %get3A_1, %add3A_11 : vector<1024x128xf32>
    %get3A_12 = arith.constant 0 : index
    %get3A_13 = arith.constant 0 : index
    %get3A_14 = vector.load %arg6[%get3A_12, %get3A_13] : memref<1x128xf32, #tpu.memory_space<vmem>>, vector<1x128xf32>
    %mul3A_15 = vector.broadcast %get3A_14 : vector<1x128xf32> to vector<1024x128xf32>
    %mul3A_16 = arith.mulf %mul3A, %mul3A_15 : vector<1024x128xf32>
    %get3A_17 = arith.constant 0 : index
    %get3A_18 = arith.constant 0 : index
    %get3A_19 = vector.load %arg7[%get3A_17, %get3A_18] : memref<1x128xf32, #tpu.memory_space<vmem>>, vector<1x128xf32>
    %add3A_20 = vector.broadcast %get3A_19 : vector<1x128xf32> to vector<1024x128xf32>
    %add3A_21 = arith.addf %mul3A_16, %add3A_20 : vector<1024x128xf32>
    %max3A = arith.constant 0.000000e+00 : f32
    %max3A_22 = vector.broadcast %max3A : f32 to vector<1024x128xf32>
    %max3A_23 = arith.maximumf %add3A_21, %max3A_22 : vector<1024x128xf32>
    %get3A_24 = arith.constant 0 : index
    %get3A_25 = arith.constant 0 : index
    %get3A_26 = vector.load %arg4[%get3A_24, %get3A_25] : memref<1024x128xf32, #tpu.memory_space<vmem>>, vector<1024x128xf32>
    %get3A_27 = arith.constant 0 : index
    %get3A_28 = arith.constant 0 : index
    %get3A_29 = vector.load %arg5[%get3A_27, %get3A_28] : memref<128x128xf32, #tpu.memory_space<vmem>>, vector<128x128xf32>
    %dot_general3A = arith.constant dense<0.000000e+00> : vector<1024x128xf32>
    %dot_general3A_30 = tpu.matmul %max3A_23, %get3A_29, %dot_general3A {dimension_numbers = #tpu.dot_dimension_numbers<[1], [0], [0], [1], [0, 0, 1, 1], [], []>, transpose_lhs_hint = false} : vector<1024x128xf32>, vector<128x128xf32>, vector<1024x128xf32> -> vector<1024x128xf32>
    %mul3A_31 = arith.mulf %get3A_26, %dot_general3A_30 : vector<1024x128xf32>
    %swap3A = arith.constant 0 : index
    %swap3A_32 = arith.constant 0 : index
    %swap3A_33 = vector.load %arg8[%swap3A, %swap3A_32] : memref<1024x128xf32, #tpu.memory_space<vmem>>, vector<1024x128xf32>
    tpu.vector_store %arg8[%swap3A, %swap3A_32], %mul3A_31 {strides = array<i32>} : memref<1024x128xf32, #tpu.memory_space<vmem>>, vector<1024x128xf32>,
    return
  }
  func.func @transform_0(%arg0: i32) -> (i32, i32) {
    %c0_i32 = arith.constant 0 : i32
    %c0_i32_0 = arith.constant 0 : i32
    return %arg0, %c0_i32 : i32, i32
  }
  func.func @transform_1(%arg0: i32) -> (i32, i32) {
    %c0_i32 = arith.constant 0 : i32
    %c0_i32_0 = arith.constant 0 : i32
    return %arg0, %c0_i32 : i32, i32
  }
  func.func @transform_2(%arg0: i32) -> (i32, i32) {
    %c0_i32 = arith.constant 0 : i32
    %c0_i32_0 = arith.constant 0 : i32
    return %arg0, %c0_i32 : i32, i32
  }
  func.func @transform_3(%arg0: i32) -> (i32, i32) {
    %c0_i32 = arith.constant 0 : i32
    %c0_i32_0 = arith.constant 0 : i32
    return %arg0, %c0_i32 : i32, i32
  }
  func.func @transform_4(%arg0: i32) -> (i32, i32) {
    %c0_i32 = arith.constant 0 : i32
    %c0_i32_0 = arith.constant 0 : i32
    %c0_i32_1 = arith.constant 0 : i32
    return %c0_i32, %c0_i32_0 : i32, i32
  }
  func.func @transform_5(%arg0: i32) -> (i32, i32) {
    %c0_i32 = arith.constant 0 : i32
    %c0_i32_0 = arith.constant 0 : i32
    %c0_i32_1 = arith.constant 0 : i32
    return %c0_i32, %c0_i32_0 : i32, i32
  }
  func.func @transform_6(%arg0: i32) -> (i32, i32) {
    %c0_i32 = arith.constant 0 : i32
    %c0_i32_0 = arith.constant 0 : i32
    %c0_i32_1 = arith.constant 0 : i32
    return %c0_i32, %c0_i32_0 : i32, i32
  }
  func.func @transform_7(%arg0: i32) -> (i32, i32) {
    %c0_i32 = arith.constant 0 : i32
    %c0_i32_0 = arith.constant 0 : i32
    return %arg0, %c0_i32 : i32, i32
  }
}

module attributes {stable_mosaic.version = 14 : i64} {
  func.func @body(%arg0: i32, %arg1: memref<1024x128xf32, #tpu.memory_space<vmem>>, %arg2: memref<1024x128xf32, #tpu.memory_space<vmem>>, %arg3: memref<1024x128xf32, #tpu.memory_space<vmem>>, %arg4: memref<1024x128xf32, #tpu.memory_space<vmem>>, %arg5: memref<1x128xf32, #tpu.memory_space<vmem>>, %arg6: memref<1x128xf32, #tpu.memory_space<vmem>>, %arg7: memref<1024x128xf32, #tpu.memory_space<vmem>>) attributes {dimension_semantics = [#tpu.dimension_semantics<arbitrary>], iteration_bounds = array<i64: 10>, scalar_prefetch = 0 : i64, scratch_operands = 0 : i64, tpu.core_type = #tpu.core_type<tc>, window_params = [{transform_indices = @transform_0, window_bounds = array<i64: 1024, 128>}, {transform_indices = @transform_1, window_bounds = array<i64: 1024, 128>}, {transform_indices = @transform_2, window_bounds = array<i64: 1024, 128>}, {transform_indices = @transform_3, window_bounds = array<i64: 1024, 128>}, {pipeline_mode = #tpu.pipeline_mode<synchronous>, transform_indices = @transform_4, window_bounds = array<i64: 1, 128>}, {pipeline_mode = #tpu.pipeline_mode<synchronous>, transform_indices = @transform_5, window_bounds = array<i64: 1, 128>}, {transform_indices = @transform_6, window_bounds = array<i64: 1024, 128>}]} {
    %get3A = arith.constant 0 : index
    %get3A_0 = arith.constant 0 : index
    %get3A_1 = vector.load %arg4[%get3A, %get3A_0] : memref<1024x128xf32, #tpu.memory_space<vmem>>, vector<1024x128xf32>
    %get3A_2 = arith.constant 0 : index
    %get3A_3 = arith.constant 0 : index
    %get3A_4 = vector.load %arg1[%get3A_2, %get3A_3] : memref<1024x128xf32, #tpu.memory_space<vmem>>, vector<1024x128xf32>
    %get3A_5 = arith.constant 0 : index
    %get3A_6 = arith.constant 0 : index
    %get3A_7 = vector.load %arg2[%get3A_5, %get3A_6] : memref<1024x128xf32, #tpu.memory_space<vmem>>, vector<1024x128xf32>
    %add3A = arith.addf %get3A_4, %get3A_7 : vector<1024x128xf32>
    %get3A_8 = arith.constant 0 : index
    %get3A_9 = arith.constant 0 : index
    %get3A_10 = vector.load %arg3[%get3A_8, %get3A_9] : memref<1024x128xf32, #tpu.memory_space<vmem>>, vector<1024x128xf32>
    %add3A_11 = arith.addf %add3A, %get3A_10 : vector<1024x128xf32>
    %mul3A = arith.mulf %get3A_1, %add3A_11 : vector<1024x128xf32>
    %get3A_12 = arith.constant 0 : index
    %get3A_13 = arith.constant 0 : index
    %get3A_14 = vector.load %arg5[%get3A_12, %get3A_13] : memref<1x128xf32, #tpu.memory_space<vmem>>, vector<1x128xf32>
    %mul3A_15 = vector.broadcast %get3A_14 : vector<1x128xf32> to vector<1024x128xf32>
    %mul3A_16 = arith.mulf %mul3A, %mul3A_15 : vector<1024x128xf32>
    %get3A_17 = arith.constant 0 : index
    %get3A_18 = arith.constant 0 : index
    %get3A_19 = vector.load %arg6[%get3A_17, %get3A_18] : memref<1x128xf32, #tpu.memory_space<vmem>>, vector<1x128xf32>
    %add3A_20 = vector.broadcast %get3A_19 : vector<1x128xf32> to vector<1024x128xf32>
    %add3A_21 = arith.addf %mul3A_16, %add3A_20 : vector<1024x128xf32>
    %swap3A = arith.constant 0 : index
    %swap3A_22 = arith.constant 0 : index
    %swap3A_23 = vector.load %arg7[%swap3A, %swap3A_22] : memref<1024x128xf32, #tpu.memory_space<vmem>>, vector<1024x128xf32>
    tpu.vector_store %arg7[%swap3A, %swap3A_22], %add3A_21 {strides = array<i32>} : memref<1024x128xf32, #tpu.memory_space<vmem>>, vector<1024x128xf32>,
    return
  }
  func.func @transform_0(%arg0: i32) -> (i32, i32) {
    %c0_i32 = arith.constant 0 : i32
    %c0_i32_0 = arith.constant 0 : i32
    return %arg0, %c0_i32 : i32, i32
  }
  func.func @transform_1(%arg0: i32) -> (i32, i32) {
    %c0_i32 = arith.constant 0 : i32
    %c0_i32_0 = arith.constant 0 : i32
    return %arg0, %c0_i32 : i32, i32
  }
  func.func @transform_2(%arg0: i32) -> (i32, i32) {
    %c0_i32 = arith.constant 0 : i32
    %c0_i32_0 = arith.constant 0 : i32
    return %arg0, %c0_i32 : i32, i32
  }
  func.func @transform_3(%arg0: i32) -> (i32, i32) {
    %c0_i32 = arith.constant 0 : i32
    %c0_i32_0 = arith.constant 0 : i32
    return %arg0, %c0_i32 : i32, i32
  }
  func.func @transform_4(%arg0: i32) -> (i32, i32) {
    %c0_i32 = arith.constant 0 : i32
    %c0_i32_0 = arith.constant 0 : i32
    %c0_i32_1 = arith.constant 0 : i32
    return %c0_i32, %c0_i32_0 : i32, i32
  }
  func.func @transform_5(%arg0: i32) -> (i32, i32) {
    %c0_i32 = arith.constant 0 : i32
    %c0_i32_0 = arith.constant 0 : i32
    %c0_i32_1 = arith.constant 0 : i32
    return %c0_i32, %c0_i32_0 : i32, i32
  }
  func.func @transform_6(%arg0: i32) -> (i32, i32) {
    %c0_i32 = arith.constant 0 : i32
    %c0_i32_0 = arith.constant 0 : i32
    return %arg0, %c0_i32 : i32, i32
  }
}

module attributes {stable_mosaic.version = 14 : i64} {
  func.func @body(%arg0: memref<10240x128xf32, #tpu.memory_space<vmem>>, %arg1: memref<80x128xi32, #tpu.memory_space<vmem>>, %arg2: memref<64xi32, #tpu.memory_space<smem>>, %arg3: memref<128x128xf32, #tpu.memory_space<vmem>>, %arg4: memref<1x128xf32, #tpu.memory_space<vmem>>, %arg5: memref<64x128xf32, #tpu.memory_space<vmem>>, %arg6: memref<64x128xf32, #tpu.memory_space<vmem>>) attributes {dimension_semantics = [], scalar_prefetch = 0 : i64, scratch_operands = 0 : i64, tpu.core_type = #tpu.core_type<tc>} {
    %get3A = arith.constant 0 : index
    %get3A_0 = arith.constant 0 : index
    %get3A_1 = vector.load %arg1[%get3A, %get3A_0] : memref<80x128xi32, #tpu.memory_space<vmem>>, vector<80x128xi32>
    %lt3A = arith.constant 0 : i32
    %lt3A_2 = vector.broadcast %lt3A : i32 to vector<80x128xi32>
    %lt3A_3 = arith.cmpi slt, %get3A_1, %lt3A_2 : vector<80x128xi32>
    %jit3A = arith.constant 1 : i32
    %jit3A_4 = arith.constant 0 : i32
    %broadcast_in_dim3A = vector.broadcast %jit3A : i32 to vector<80x128xi32>
    %broadcast_in_dim3A_5 = vector.broadcast %jit3A_4 : i32 to vector<80x128xi32>
    %select_n3A = arith.select %lt3A_3, %broadcast_in_dim3A, %broadcast_in_dim3A_5 : vector<80x128xi1>, vector<80x128xi32>
    %reduce_sum3A = vector.shape_cast %select_n3A : vector<80x128xi32> to vector<1x80x128xi32>
    %reduce_sum3A_6 = arith.constant dense<0> : vector<1xi32>
    %reduce_sum3A_7 = vector.multi_reduction <add>, %reduce_sum3A, %reduce_sum3A_6 [1, 2] : vector<1x80x128xi32> to vector<1xi32>
    %reduce_sum3A_8 = vector.shape_cast %reduce_sum3A_7 : vector<1xi32> to vector<1x1x1xi32>
    %reduce_sum3A_9 = vector.extract %reduce_sum3A_8[0, 0, 0] : i32 from vector<1x1x1xi32>
    %get3A_10 = arith.constant 0 : index
    %get3A_11 = memref.load %arg2[%get3A_10] : memref<64xi32, #tpu.memory_space<smem>>
    %add3A = arith.addi %get3A_11, %reduce_sum3A_9 : i32
    %get3A_12 = arith.index_cast %add3A : i32 to index
    %get3A_13 = arith.constant 0 : index
    %get3A_14 = vector.load %arg0[%get3A_12, %get3A_13] : memref<10240x128xf32, #tpu.memory_space<vmem>>, vector<1x128xf32>
    %swap3A = arith.constant 0 : index
    %swap3A_15 = arith.constant 0 : index
    %swap3A_16 = vector.load %arg6[%swap3A, %swap3A_15] : memref<64x128xf32, #tpu.memory_space<vmem>>, vector<1x128xf32>
    tpu.vector_store %arg6[%swap3A, %swap3A_15], %get3A_14 {strides = array<i32>} : memref<64x128xf32, #tpu.memory_space<vmem>>, vector<1x128xf32>,
    %get3A_17 = arith.constant 0 : index
    %get3A_18 = arith.constant 0 : index
    %get3A_19 = vector.load %arg1[%get3A_17, %get3A_18] : memref<80x128xi32, #tpu.memory_space<vmem>>, vector<80x128xi32>
    %lt3A_20 = arith.constant 1 : i32
    %lt3A_21 = vector.broadcast %lt3A_20 : i32 to vector<80x128xi32>
    %lt3A_22 = arith.cmpi slt, %get3A_19, %lt3A_21 : vector<80x128xi32>
    %jit3A_23 = arith.constant 1 : i32
    %jit3A_24 = arith.constant 0 : i32
    %broadcast_in_dim3A_25 = vector.broadcast %jit3A_23 : i32 to vector<80x128xi32>
    %broadcast_in_dim3A_26 = vector.broadcast %jit3A_24 : i32 to vector<80x128xi32>
    %select_n3A_27 = arith.select %lt3A_22, %broadcast_in_dim3A_25, %broadcast_in_dim3A_26 : vector<80x128xi1>, vector<80x128xi32>
    %reduce_sum3A_28 = vector.shape_cast %select_n3A_27 : vector<80x128xi32> to vector<1x80x128xi32>
    %reduce_sum3A_29 = arith.constant dense<0> : vector<1xi32>
    %reduce_sum3A_30 = vector.multi_reduction <add>, %reduce_sum3A_28, %reduce_sum3A_29 [1, 2] : vector<1x80x128xi32> to vector<1xi32>
    %reduce_sum3A_31 = vector.shape_cast %reduce_sum3A_30 : vector<1xi32> to vector<1x1x1xi32>
    %reduce_sum3A_32 = vector.extract %reduce_sum3A_31[0, 0, 0] : i32 from vector<1x1x1xi32>
    %get3A_33 = arith.constant 1 : index
    %get3A_34 = memref.load %arg2[%get3A_33] : memref<64xi32, #tpu.memory_space<smem>>
    %add3A_35 = arith.addi %get3A_34, %reduce_sum3A_32 : i32
    %get3A_36 = arith.index_cast %add3A_35 : i32 to index
    %get3A_37 = arith.constant 0 : index
    %get3A_38 = vector.load %arg0[%get3A_36, %get3A_37] : memref<10240x128xf32, #tpu.memory_space<vmem>>, vector<1x128xf32>
    %swap3A_39 = arith.constant 1 : index
    %swap3A_40 = arith.constant 0 : index
    %swap3A_41 = vector.load %arg6[%swap3A_39, %swap3A_40] : memref<64x128xf32, #tpu.memory_space<vmem>>, vector<1x128xf32>
    tpu.vector_store %arg6[%swap3A_39, %swap3A_40], %get3A_38 {strides = array<i32>} : memref<64x128xf32, #tpu.memory_space<vmem>>, vector<1x128xf32>,
    %get3A_42 = arith.constant 0 : index
    %get3A_43 = arith.constant 0 : index
    %get3A_44 = vector.load %arg1[%get3A_42, %get3A_43] : memref<80x128xi32, #tpu.memory_space<vmem>>, vector<80x128xi32>
    %lt3A_45 = arith.constant 2 : i32
    %lt3A_46 = vector.broadcast %lt3A_45 : i32 to vector<80x128xi32>
    %lt3A_47 = arith.cmpi slt, %get3A_44, %lt3A_46 : vector<80x128xi32>
    %jit3A_48 = arith.constant 1 : i32
    %jit3A_49 = arith.constant 0 : i32
    %broadcast_in_dim3A_50 = vector.broadcast %jit3A_48 : i32 to vector<80x128xi32>
    %broadcast_in_dim3A_51 = vector.broadcast %jit3A_49 : i32 to vector<80x128xi32>
    %select_n3A_52 = arith.select %lt3A_47, %broadcast_in_dim3A_50, %broadcast_in_dim3A_51 : vector<80x128xi1>, vector<80x128xi32>
    %reduce_sum3A_53 = vector.shape_cast %select_n3A_52 : vector<80x128xi32> to vector<1x80x128xi32>
    %reduce_sum3A_54 = arith.constant dense<0> : vector<1xi32>
    %reduce_sum3A_55 = vector.multi_reduction <add>, %reduce_sum3A_53, %reduce_sum3A_54 [1, 2] : vector<1x80x128xi32> to vector<1xi32>
    %reduce_sum3A_56 = vector.shape_cast %reduce_sum3A_55 : vector<1xi32> to vector<1x1x1xi32>
    %reduce_sum3A_57 = vector.extract %reduce_sum3A_56[0, 0, 0] : i32 from vector<1x1x1xi32>
    %get3A_58 = arith.constant 2 : index
    %get3A_59 = memref.load %arg2[%get3A_58] : memref<64xi32, #tpu.memory_space<smem>>
    %add3A_60 = arith.addi %get3A_59, %reduce_sum3A_57 : i32
    %get3A_61 = arith.index_cast %add3A_60 : i32 to index
    %get3A_62 = arith.constant 0 : index
    %get3A_63 = vector.load %arg0[%get3A_61, %get3A_62] : memref<10240x128xf32, #tpu.memory_space<vmem>>, vector<1x128xf32>
    %swap3A_64 = arith.constant 2 : index
    %swap3A_65 = arith.constant 0 : index
    %swap3A_66 = vector.load %arg6[%swap3A_64, %swap3A_65] : memref<64x128xf32, #tpu.memory_space<vmem>>, vector<1x128xf32>
    tpu.vector_store %arg6[%swap3A_64, %swap3A_65], %get3A_63 {strides = array<i32>} : memref<64x128xf32, #tpu.memory_space<vmem>>, vector<1x128xf32>,
    %get3A_67 = arith.constant 0 : index
    %get3A_68 = arith.constant 0 : index
    %get3A_69 = vector.load %arg1[%get3A_67, %get3A_68] : memref<80x128xi32, #tpu.memory_space<vmem>>, vector<80x128xi32>
    %lt3A_70 = arith.constant 3 : i32
    %lt3A_71 = vector.broadcast %lt3A_70 : i32 to vector<80x128xi32>
    %lt3A_72 = arith.cmpi slt, %get3A_69, %lt3A_71 : vector<80x128xi32>
    %jit3A_73 = arith.constant 1 : i32
    %jit3A_74 = arith.constant 0 : i32
    %broadcast_in_dim3A_75 = vector.broadcast %jit3A_73 : i32 to vector<80x128xi32>
    %broadcast_in_dim3A_76 = vector.broadcast %jit3A_74 : i32 to vector<80x128xi32>
    %select_n3A_77 = arith.select %lt3A_72, %broadcast_in_dim3A_75, %broadcast_in_dim3A_76 : vector<80x128xi1>, vector<80x128xi32>
    %reduce_sum3A_78 = vector.shape_cast %select_n3A_77 : vector<80x128xi32> to vector<1x80x128xi32>
    %reduce_sum3A_79 = arith.constant dense<0> : vector<1xi32>
    %reduce_sum3A_80 = vector.multi_reduction <add>, %reduce_sum3A_78, %reduce_sum3A_79 [1, 2] : vector<1x80x128xi32> to vector<1xi32>
    %reduce_sum3A_81 = vector.shape_cast %reduce_sum3A_80 : vector<1xi32> to vector<1x1x1xi32>
    %reduce_sum3A_82 = vector.extract %reduce_sum3A_81[0, 0, 0] : i32 from vector<1x1x1xi32>
    %get3A_83 = arith.constant 3 : index
    %get3A_84 = memref.load %arg2[%get3A_83] : memref<64xi32, #tpu.memory_space<smem>>
    %add3A_85 = arith.addi %get3A_84, %reduce_sum3A_82 : i32
    %get3A_86 = arith.index_cast %add3A_85 : i32 to index
    %get3A_87 = arith.constant 0 : index
    %get3A_88 = vector.load %arg0[%get3A_86, %get3A_87] : memref<10240x128xf32, #tpu.memory_space<vmem>>, vector<1x128xf32>
    %swap3A_89 = arith.constant 3 : index
    %swap3A_90 = arith.constant 0 : index
    %swap3A_91 = vector.load %arg6[%swap3A_89, %swap3A_90] : memref<64x128xf32, #tpu.memory_space<vmem>>, vector<1x128xf32>
    tpu.vector_store %arg6[%swap3A_89, %swap3A_90], %get3A_88 {strides = array<i32>} : memref<64x128xf32, #tpu.memory_space<vmem>>, vector<1x128xf32>,
    %get3A_92 = arith.constant 0 : index
    %get3A_93 = arith.constant 0 : index
    %get3A_94 = vector.load %arg1[%get3A_92, %get3A_93] : memref<80x128xi32, #tpu.memory_space<vmem>>, vector<80x128xi32>
    %lt3A_95 = arith.constant 4 : i32
    %lt3A_96 = vector.broadcast %lt3A_95 : i32 to vector<80x128xi32>
    %lt3A_97 = arith.cmpi slt, %get3A_94, %lt3A_96 : vector<80x128xi32>
    %jit3A_98 = arith.constant 1 : i32
    %jit3A_99 = arith.constant 0 : i32
    %broadcast_in_dim3A_100 = vector.broadcast %jit3A_98 : i32 to vector<80x128xi32>
    %broadcast_in_dim3A_101 = vector.broadcast %jit3A_99 : i32 to vector<80x128xi32>
    %select_n3A_102 = arith.select %lt3A_97, %broadcast_in_dim3A_100, %broadcast_in_dim3A_101 : vector<80x128xi1>, vector<80x128xi32>
    %reduce_sum3A_103 = vector.shape_cast %select_n3A_102 : vector<80x128xi32> to vector<1x80x128xi32>
    %reduce_sum3A_104 = arith.constant dense<0> : vector<1xi32>
    %reduce_sum3A_105 = vector.multi_reduction <add>, %reduce_sum3A_103, %reduce_sum3A_104 [1, 2] : vector<1x80x128xi32> to vector<1xi32>
    %reduce_sum3A_106 = vector.shape_cast %reduce_sum3A_105 : vector<1xi32> to vector<1x1x1xi32>
    %reduce_sum3A_107 = vector.extract %reduce_sum3A_106[0, 0, 0] : i32 from vector<1x1x1xi32>
    %get3A_108 = arith.constant 4 : index
    %get3A_109 = memref.load %arg2[%get3A_108] : memref<64xi32, #tpu.memory_space<smem>>
    %add3A_110 = arith.addi %get3A_109, %reduce_sum3A_107 : i32
    %get3A_111 = arith.index_cast %add3A_110 : i32 to index
    %get3A_112 = arith.constant 0 : index
    %get3A_113 = vector.load %arg0[%get3A_111, %get3A_112] : memref<10240x128xf32, #tpu.memory_space<vmem>>, vector<1x128xf32>
    %swap3A_114 = arith.constant 4 : index
    %swap3A_115 = arith.constant 0 : index
    %swap3A_116 = vector.load %arg6[%swap3A_114, %swap3A_115] : memref<64x128xf32, #tpu.memory_space<vmem>>, vector<1x128xf32>
    tpu.vector_store %arg6[%swap3A_114, %swap3A_115], %get3A_113 {strides = array<i32>} : memref<64x128xf32, #tpu.memory_space<vmem>>, vector<1x128xf32>,
    %get3A_117 = arith.constant 0 : index
    %get3A_118 = arith.constant 0 : index
    %get3A_119 = vector.load %arg1[%get3A_117, %get3A_118] : memref<80x128xi32, #tpu.memory_space<vmem>>, vector<80x128xi32>
    %lt3A_120 = arith.constant 5 : i32
    %lt3A_121 = vector.broadcast %lt3A_120 : i32 to vector<80x128xi32>
    %lt3A_122 = arith.cmpi slt, %get3A_119, %lt3A_121 : vector<80x128xi32>
    %jit3A_123 = arith.constant 1 : i32
    %jit3A_124 = arith.constant 0 : i32
    %broadcast_in_dim3A_125 = vector.broadcast %jit3A_123 : i32 to vector<80x128xi32>
    %broadcast_in_dim3A_126 = vector.broadcast %jit3A_124 : i32 to vector<80x128xi32>
    %select_n3A_127 = arith.select %lt3A_122, %broadcast_in_dim3A_125, %broadcast_in_dim3A_126 : vector<80x128xi1>, vector<80x128xi32>
    %reduce_sum3A_128 = vector.shape_cast %select_n3A_127 : vector<80x128xi32> to vector<1x80x128xi32>
    %reduce_sum3A_129 = arith.constant dense<0> : vector<1xi32>
    %reduce_sum3A_130 = vector.multi_reduction <add>, %reduce_sum3A_128, %reduce_sum3A_129 [1, 2] : vector<1x80x128xi32> to vector<1xi32>
    %reduce_sum3A_131 = vector.shape_cast %reduce_sum3A_130 : vector<1xi32> to vector<1x1x1xi32>
    %reduce_sum3A_132 = vector.extract %reduce_sum3A_131[0, 0, 0] : i32 from vector<1x1x1xi32>
    %get3A_133 = arith.constant 5 : index
    %get3A_134 = memref.load %arg2[%get3A_133] : memref<64xi32, #tpu.memory_space<smem>>
    %add3A_135 = arith.addi %get3A_134, %reduce_sum3A_132 : i32
    %get3A_136 = arith.index_cast %add3A_135 : i32 to index
    %get3A_137 = arith.constant 0 : index
    %get3A_138 = vector.load %arg0[%get3A_136, %get3A_137] : memref<10240x128xf32, #tpu.memory_space<vmem>>, vector<1x128xf32>
    %swap3A_139 = arith.constant 5 : index
    %swap3A_140 = arith.constant 0 : index
    %swap3A_141 = vector.load %arg6[%swap3A_139, %swap3A_140] : memref<64x128xf32, #tpu.memory_space<vmem>>, vector<1x128xf32>
    tpu.vector_store %arg6[%swap3A_139, %swap3A_140], %get3A_138 {strides = array<i32>} : memref<64x128xf32, #tpu.memory_space<vmem>>, vector<1x128xf32>,
    %get3A_142 = arith.constant 0 : index
    %get3A_143 = arith.constant 0 : index
    %get3A_144 = vector.load %arg1[%get3A_142, %get3A_143] : memref<80x128xi32, #tpu.memory_space<vmem>>, vector<80x128xi32>
    %lt3A_145 = arith.constant 6 : i32
    %lt3A_146 = vector.broadcast %lt3A_145 : i32 to vector<80x128xi32>
    %lt3A_147 = arith.cmpi slt, %get3A_144, %lt3A_146 : vector<80x128xi32>
    %jit3A_148 = arith.constant 1 : i32
    %jit3A_149 = arith.constant 0 : i32
    %broadcast_in_dim3A_150 = vector.broadcast %jit3A_148 : i32 to vector<80x128xi32>
    %broadcast_in_dim3A_151 = vector.broadcast %jit3A_149 : i32 to vector<80x128xi32>
    %select_n3A_152 = arith.select %lt3A_147, %broadcast_in_dim3A_150, %broadcast_in_dim3A_151 : vector<80x128xi1>, vector<80x128xi32>
    %reduce_sum3A_153 = vector.shape_cast %select_n3A_152 : vector<80x128xi32> to vector<1x80x128xi32>
    %reduce_sum3A_154 = arith.constant dense<0> : vector<1xi32>
    %reduce_sum3A_155 = vector.multi_reduction <add>, %reduce_sum3A_153, %reduce_sum3A_154 [1, 2] : vector<1x80x128xi32> to vector<1xi32>
    %reduce_sum3A_156 = vector.shape_cast %reduce_sum3A_155 : vector<1xi32> to vector<1x1x1xi32>
    %reduce_sum3A_157 = vector.extract %reduce_sum3A_156[0, 0, 0] : i32 from vector<1x1x1xi32>
    %get3A_158 = arith.constant 6 : index
    %get3A_159 = memref.load %arg2[%get3A_158] : memref<64xi32, #tpu.memory_space<smem>>
    %add3A_160 = arith.addi %get3A_159, %reduce_sum3A_157 : i32
    %get3A_161 = arith.index_cast %add3A_160 : i32 to index
    %get3A_162 = arith.constant 0 : index
    %get3A_163 = vector.load %arg0[%get3A_161, %get3A_162] : memref<10240x128xf32, #tpu.memory_space<vmem>>, vector<1x128xf32>
    %swap3A_164 = arith.constant 6 : index
    %swap3A_165 = arith.constant 0 : index
    %swap3A_166 = vector.load %arg6[%swap3A_164, %swap3A_165] : memref<64x128xf32, #tpu.memory_space<vmem>>, vector<1x128xf32>
    tpu.vector_store %arg6[%swap3A_164, %swap3A_165], %get3A_163 {strides = array<i32>} : memref<64x128xf32, #tpu.memory_space<vmem>>, vector<1x128xf32>,
    %get3A_167 = arith.constant 0 : index
    %get3A_168 = arith.constant 0 : index
    %get3A_169 = vector.load %arg1[%get3A_167, %get3A_168] : memref<80x128xi32, #tpu.memory_space<vmem>>, vector<80x128xi32>
    %lt3A_170 = arith.constant 7 : i32
    %lt3A_171 = vector.broadcast %lt3A_170 : i32 to vector<80x128xi32>
    %lt3A_172 = arith.cmpi slt, %get3A_169, %lt3A_171 : vector<80x128xi32>
    %jit3A_173 = arith.constant 1 : i32
    %jit3A_174 = arith.constant 0 : i32
    %broadcast_in_dim3A_175 = vector.broadcast %jit3A_173 : i32 to vector<80x128xi32>
    %broadcast_in_dim3A_176 = vector.broadcast %jit3A_174 : i32 to vector<80x128xi32>
    %select_n3A_177 = arith.select %lt3A_172, %broadcast_in_dim3A_175, %broadcast_in_dim3A_176 : vector<80x128xi1>, vector<80x128xi32>
    %reduce_sum3A_178 = vector.shape_cast %select_n3A_177 : vector<80x128xi32> to vector<1x80x128xi32>
    %reduce_sum3A_179 = arith.constant dense<0> : vector<1xi32>
    %reduce_sum3A_180 = vector.multi_reduction <add>, %reduce_sum3A_178, %reduce_sum3A_179 [1, 2] : vector<1x80x128xi32> to vector<1xi32>
    %reduce_sum3A_181 = vector.shape_cast %reduce_sum3A_180 : vector<1xi32> to vector<1x1x1xi32>
    %reduce_sum3A_182 = vector.extract %reduce_sum3A_181[0, 0, 0] : i32 from vector<1x1x1xi32>
    %get3A_183 = arith.constant 7 : index
    %get3A_184 = memref.load %arg2[%get3A_183] : memref<64xi32, #tpu.memory_space<smem>>
    %add3A_185 = arith.addi %get3A_184, %reduce_sum3A_182 : i32
    %get3A_186 = arith.index_cast %add3A_185 : i32 to index
    %get3A_187 = arith.constant 0 : index
    %get3A_188 = vector.load %arg0[%get3A_186, %get3A_187] : memref<10240x128xf32, #tpu.memory_space<vmem>>, vector<1x128xf32>
    %swap3A_189 = arith.constant 7 : index
    %swap3A_190 = arith.constant 0 : index
    %swap3A_191 = vector.load %arg6[%swap3A_189, %swap3A_190] : memref<64x128xf32, #tpu.memory_space<vmem>>, vector<1x128xf32>
    tpu.vector_store %arg6[%swap3A_189, %swap3A_190], %get3A_188 {strides = array<i32>} : memref<64x128xf32, #tpu.memory_space<vmem>>, vector<1x128xf32>,
    %get3A_192 = arith.constant 0 : index
    %get3A_193 = arith.constant 0 : index
    %get3A_194 = vector.load %arg1[%get3A_192, %get3A_193] : memref<80x128xi32, #tpu.memory_space<vmem>>, vector<80x128xi32>
    %lt3A_195 = arith.constant 8 : i32
    %lt3A_196 = vector.broadcast %lt3A_195 : i32 to vector<80x128xi32>
    %lt3A_197 = arith.cmpi slt, %get3A_194, %lt3A_196 : vector<80x128xi32>
    %jit3A_198 = arith.constant 1 : i32
    %jit3A_199 = arith.constant 0 : i32
    %broadcast_in_dim3A_200 = vector.broadcast %jit3A_198 : i32 to vector<80x128xi32>
    %broadcast_in_dim3A_201 = vector.broadcast %jit3A_199 : i32 to vector<80x128xi32>
    %select_n3A_202 = arith.select %lt3A_197, %broadcast_in_dim3A_200, %broadcast_in_dim3A_201 : vector<80x128xi1>, vector<80x128xi32>
    %reduce_sum3A_203 = vector.shape_cast %select_n3A_202 : vector<80x128xi32> to vector<1x80x128xi32>
    %reduce_sum3A_204 = arith.constant dense<0> : vector<1xi32>
    %reduce_sum3A_205 = vector.multi_reduction <add>, %reduce_sum3A_203, %reduce_sum3A_204 [1, 2] : vector<1x80x128xi32> to vector<1xi32>
    %reduce_sum3A_206 = vector.shape_cast %reduce_sum3A_205 : vector<1xi32> to vector<1x1x1xi32>
    %reduce_sum3A_207 = vector.extract %reduce_sum3A_206[0, 0, 0] : i32 from vector<1x1x1xi32>
    %get3A_208 = arith.constant 8 : index
    %get3A_209 = memref.load %arg2[%get3A_208] : memref<64xi32, #tpu.memory_space<smem>>
    %add3A_210 = arith.addi %get3A_209, %reduce_sum3A_207 : i32
    %get3A_211 = arith.index_cast %add3A_210 : i32 to index
    %get3A_212 = arith.constant 0 : index
    %get3A_213 = vector.load %arg0[%get3A_211, %get3A_212] : memref<10240x128xf32, #tpu.memory_space<vmem>>, vector<1x128xf32>
    %swap3A_214 = arith.constant 8 : index
    %swap3A_215 = arith.constant 0 : index
    %swap3A_216 = vector.load %arg6[%swap3A_214, %swap3A_215] : memref<64x128xf32, #tpu.memory_space<vmem>>, vector<1x128xf32>
    tpu.vector_store %arg6[%swap3A_214, %swap3A_215], %get3A_213 {strides = array<i32>} : memref<64x128xf32, #tpu.memory_space<vmem>>, vector<1x128xf32>,
    %get3A_217 = arith.constant 0 : index
    %get3A_218 = arith.constant 0 : index
    %get3A_219 = vector.load %arg1[%get3A_217, %get3A_218] : memref<80x128xi32, #tpu.memory_space<vmem>>, vector<80x128xi32>
    %lt3A_220 = arith.constant 9 : i32
    %lt3A_221 = vector.broadcast %lt3A_220 : i32 to vector<80x128xi32>
    %lt3A_222 = arith.cmpi slt, %get3A_219, %lt3A_221 : vector<80x128xi32>
    %jit3A_223 = arith.constant 1 : i32
    %jit3A_224 = arith.constant 0 : i32
    %broadcast_in_dim3A_225 = vector.broadcast %jit3A_223 : i32 to vector<80x128xi32>
    %broadcast_in_dim3A_226 = vector.broadcast %jit3A_224 : i32 to vector<80x128xi32>
    %select_n3A_227 = arith.select %lt3A_222, %broadcast_in_dim3A_225, %broadcast_in_dim3A_226 : vector<80x128xi1>, vector<80x128xi32>
    %reduce_sum3A_228 = vector.shape_cast %select_n3A_227 : vector<80x128xi32> to vector<1x80x128xi32>
    %reduce_sum3A_229 = arith.constant dense<0> : vector<1xi32>
    %reduce_sum3A_230 = vector.multi_reduction <add>, %reduce_sum3A_228, %reduce_sum3A_229 [1, 2] : vector<1x80x128xi32> to vector<1xi32>
    %reduce_sum3A_231 = vector.shape_cast %reduce_sum3A_230 : vector<1xi32> to vector<1x1x1xi32>
    %reduce_sum3A_232 = vector.extract %reduce_sum3A_231[0, 0, 0] : i32 from vector<1x1x1xi32>
    %get3A_233 = arith.constant 9 : index
    %get3A_234 = memref.load %arg2[%get3A_233] : memref<64xi32, #tpu.memory_space<smem>>
    %add3A_235 = arith.addi %get3A_234, %reduce_sum3A_232 : i32
    %get3A_236 = arith.index_cast %add3A_235 : i32 to index
    %get3A_237 = arith.constant 0 : index
    %get3A_238 = vector.load %arg0[%get3A_236, %get3A_237] : memref<10240x128xf32, #tpu.memory_space<vmem>>, vector<1x128xf32>
    %swap3A_239 = arith.constant 9 : index
    %swap3A_240 = arith.constant 0 : index
    %swap3A_241 = vector.load %arg6[%swap3A_239, %swap3A_240] : memref<64x128xf32, #tpu.memory_space<vmem>>, vector<1x128xf32>
    tpu.vector_store %arg6[%swap3A_239, %swap3A_240], %get3A_238 {strides = array<i32>} : memref<64x128xf32, #tpu.memory_space<vmem>>, vector<1x128xf32>,
    %get3A_242 = arith.constant 0 : index
    %get3A_243 = arith.constant 0 : index
    %get3A_244 = vector.load %arg1[%get3A_242, %get3A_243] : memref<80x128xi32, #tpu.memory_space<vmem>>, vector<80x128xi32>
    %lt3A_245 = arith.constant 10 : i32
    %lt3A_246 = vector.broadcast %lt3A_245 : i32 to vector<80x128xi32>
    %lt3A_247 = arith.cmpi slt, %get3A_244, %lt3A_246 : vector<80x128xi32>
    %jit3A_248 = arith.constant 1 : i32
    %jit3A_249 = arith.constant 0 : i32
    %broadcast_in_dim3A_250 = vector.broadcast %jit3A_248 : i32 to vector<80x128xi32>
    %broadcast_in_dim3A_251 = vector.broadcast %jit3A_249 : i32 to vector<80x128xi32>
    %select_n3A_252 = arith.select %lt3A_247, %broadcast_in_dim3A_250, %broadcast_in_dim3A_251 : vector<80x128xi1>, vector<80x128xi32>
    %reduce_sum3A_253 = vector.shape_cast %select_n3A_252 : vector<80x128xi32> to vector<1x80x128xi32>
    %reduce_sum3A_254 = arith.constant dense<0> : vector<1xi32>
    %reduce_sum3A_255 = vector.multi_reduction <add>, %reduce_sum3A_253, %reduce_sum3A_254 [1, 2] : vector<1x80x128xi32> to vector<1xi32>
    %reduce_sum3A_256 = vector.shape_cast %reduce_sum3A_255 : vector<1xi32> to vector<1x1x1xi32>
    %reduce_sum3A_257 = vector.extract %reduce_sum3A_256[0, 0, 0] : i32 from vector<1x1x1xi32>
    %get3A_258 = arith.constant 10 : index
    %get3A_259 = memref.load %arg2[%get3A_258] : memref<64xi32, #tpu.memory_space<smem>>
    %add3A_260 = arith.addi %get3A_259, %reduce_sum3A_257 : i32
    %get3A_261 = arith.index_cast %add3A_260 : i32 to index
    %get3A_262 = arith.constant 0 : index
    %get3A_263 = vector.load %arg0[%get3A_261, %get3A_262] : memref<10240x128xf32, #tpu.memory_space<vmem>>, vector<1x128xf32>
    %swap3A_264 = arith.constant 10 : index
    %swap3A_265 = arith.constant 0 : index
    %swap3A_266 = vector.load %arg6[%swap3A_264, %swap3A_265] : memref<64x128xf32, #tpu.memory_space<vmem>>, vector<1x128xf32>
    tpu.vector_store %arg6[%swap3A_264, %swap3A_265], %get3A_263 {strides = array<i32>} : memref<64x128xf32, #tpu.memory_space<vmem>>, vector<1x128xf32>,
    %get3A_267 = arith.constant 0 : index
    %get3A_268 = arith.constant 0 : index
    %get3A_269 = vector.load %arg1[%get3A_267, %get3A_268] : memref<80x128xi32, #tpu.memory_space<vmem>>, vector<80x128xi32>
    %lt3A_270 = arith.constant 11 : i32
    %lt3A_271 = vector.broadcast %lt3A_270 : i32 to vector<80x128xi32>
    %lt3A_272 = arith.cmpi slt, %get3A_269, %lt3A_271 : vector<80x128xi32>
    %jit3A_273 = arith.constant 1 : i32
    %jit3A_274 = arith.constant 0 : i32
    %broadcast_in_dim3A_275 = vector.broadcast %jit3A_273 : i32 to vector<80x128xi32>
    %broadcast_in_dim3A_276 = vector.broadcast %jit3A_274 : i32 to vector<80x128xi32>
    %select_n3A_277 = arith.select %lt3A_272, %broadcast_in_dim3A_275, %broadcast_in_dim3A_276 : vector<80x128xi1>, vector<80x128xi32>
    %reduce_sum3A_278 = vector.shape_cast %select_n3A_277 : vector<80x128xi32> to vector<1x80x128xi32>
    %reduce_sum3A_279 = arith.constant dense<0> : vector<1xi32>
    %reduce_sum3A_280 = vector.multi_reduction <add>, %reduce_sum3A_278, %reduce_sum3A_279 [1, 2] : vector<1x80x128xi32> to vector<1xi32>
    %reduce_sum3A_281 = vector.shape_cast %reduce_sum3A_280 : vector<1xi32> to vector<1x1x1xi32>
    %reduce_sum3A_282 = vector.extract %reduce_sum3A_281[0, 0, 0] : i32 from vector<1x1x1xi32>
    %get3A_283 = arith.constant 11 : index
    %get3A_284 = memref.load %arg2[%get3A_283] : memref<64xi32, #tpu.memory_space<smem>>
    %add3A_285 = arith.addi %get3A_284, %reduce_sum3A_282 : i32
    %get3A_286 = arith.index_cast %add3A_285 : i32 to index
    %get3A_287 = arith.constant 0 : index
    %get3A_288 = vector.load %arg0[%get3A_286, %get3A_287] : memref<10240x128xf32, #tpu.memory_space<vmem>>, vector<1x128xf32>
    %swap3A_289 = arith.constant 11 : index
    %swap3A_290 = arith.constant 0 : index
    %swap3A_291 = vector.load %arg6[%swap3A_289, %swap3A_290] : memref<64x128xf32, #tpu.memory_space<vmem>>, vector<1x128xf32>
    tpu.vector_store %arg6[%swap3A_289, %swap3A_290], %get3A_288 {strides = array<i32>} : memref<64x128xf32, #tpu.memory_space<vmem>>, vector<1x128xf32>,
    %get3A_292 = arith.constant 0 : index
    %get3A_293 = arith.constant 0 : index
    %get3A_294 = vector.load %arg1[%get3A_292, %get3A_293] : memref<80x128xi32, #tpu.memory_space<vmem>>, vector<80x128xi32>
    %lt3A_295 = arith.constant 12 : i32
    %lt3A_296 = vector.broadcast %lt3A_295 : i32 to vector<80x128xi32>
    %lt3A_297 = arith.cmpi slt, %get3A_294, %lt3A_296 : vector<80x128xi32>
    %jit3A_298 = arith.constant 1 : i32
    %jit3A_299 = arith.constant 0 : i32
    %broadcast_in_dim3A_300 = vector.broadcast %jit3A_298 : i32 to vector<80x128xi32>
    %broadcast_in_dim3A_301 = vector.broadcast %jit3A_299 : i32 to vector<80x128xi32>
    %select_n3A_302 = arith.select %lt3A_297, %broadcast_in_dim3A_300, %broadcast_in_dim3A_301 : vector<80x128xi1>, vector<80x128xi32>
    %reduce_sum3A_303 = vector.shape_cast %select_n3A_302 : vector<80x128xi32> to vector<1x80x128xi32>
    %reduce_sum3A_304 = arith.constant dense<0> : vector<1xi32>
    %reduce_sum3A_305 = vector.multi_reduction <add>, %reduce_sum3A_303, %reduce_sum3A_304 [1, 2] : vector<1x80x128xi32> to vector<1xi32>
    %reduce_sum3A_306 = vector.shape_cast %reduce_sum3A_305 : vector<1xi32> to vector<1x1x1xi32>
    %reduce_sum3A_307 = vector.extract %reduce_sum3A_306[0, 0, 0] : i32 from vector<1x1x1xi32>
    %get3A_308 = arith.constant 12 : index
    %get3A_309 = memref.load %arg2[%get3A_308] : memref<64xi32, #tpu.memory_space<smem>>
    %add3A_310 = arith.addi %get3A_309, %reduce_sum3A_307 : i32
    %get3A_311 = arith.index_cast %add3A_310 : i32 to index
    %get3A_312 = arith.constant 0 : index
    %get3A_313 = vector.load %arg0[%get3A_311, %get3A_312] : memref<10240x128xf32, #tpu.memory_space<vmem>>, vector<1x128xf32>
    %swap3A_314 = arith.constant 12 : index
    %swap3A_315 = arith.constant 0 : index
    %swap3A_316 = vector.load %arg6[%swap3A_314, %swap3A_315] : memref<64x128xf32, #tpu.memory_space<vmem>>, vector<1x128xf32>
    tpu.vector_store %arg6[%swap3A_314, %swap3A_315], %get3A_313 {strides = array<i32>} : memref<64x128xf32, #tpu.memory_space<vmem>>, vector<1x128xf32>,
    %get3A_317 = arith.constant 0 : index
    %get3A_318 = arith.constant 0 : index
    %get3A_319 = vector.load %arg1[%get3A_317, %get3A_318] : memref<80x128xi32, #tpu.memory_space<vmem>>, vector<80x128xi32>
    %lt3A_320 = arith.constant 13 : i32
    %lt3A_321 = vector.broadcast %lt3A_320 : i32 to vector<80x128xi32>
    %lt3A_322 = arith.cmpi slt, %get3A_319, %lt3A_321 : vector<80x128xi32>
    %jit3A_323 = arith.constant 1 : i32
    %jit3A_324 = arith.constant 0 : i32
    %broadcast_in_dim3A_325 = vector.broadcast %jit3A_323 : i32 to vector<80x128xi32>
    %broadcast_in_dim3A_326 = vector.broadcast %jit3A_324 : i32 to vector<80x128xi32>
    %select_n3A_327 = arith.select %lt3A_322, %broadcast_in_dim3A_325, %broadcast_in_dim3A_326 : vector<80x128xi1>, vector<80x128xi32>
    %reduce_sum3A_328 = vector.shape_cast %select_n3A_327 : vector<80x128xi32> to vector<1x80x128xi32>
    %reduce_sum3A_329 = arith.constant dense<0> : vector<1xi32>
    %reduce_sum3A_330 = vector.multi_reduction <add>, %reduce_sum3A_328, %reduce_sum3A_329 [1, 2] : vector<1x80x128xi32> to vector<1xi32>
    %reduce_sum3A_331 = vector.shape_cast %reduce_sum3A_330 : vector<1xi32> to vector<1x1x1xi32>
    %reduce_sum3A_332 = vector.extract %reduce_sum3A_331[0, 0, 0] : i32 from vector<1x1x1xi32>
    %get3A_333 = arith.constant 13 : index
    %get3A_334 = memref.load %arg2[%get3A_333] : memref<64xi32, #tpu.memory_space<smem>>
    %add3A_335 = arith.addi %get3A_334, %reduce_sum3A_332 : i32
    %get3A_336 = arith.index_cast %add3A_335 : i32 to index
    %get3A_337 = arith.constant 0 : index
    %get3A_338 = vector.load %arg0[%get3A_336, %get3A_337] : memref<10240x128xf32, #tpu.memory_space<vmem>>, vector<1x128xf32>
    %swap3A_339 = arith.constant 13 : index
    %swap3A_340 = arith.constant 0 : index
    %swap3A_341 = vector.load %arg6[%swap3A_339, %swap3A_340] : memref<64x128xf32, #tpu.memory_space<vmem>>, vector<1x128xf32>
    tpu.vector_store %arg6[%swap3A_339, %swap3A_340], %get3A_338 {strides = array<i32>} : memref<64x128xf32, #tpu.memory_space<vmem>>, vector<1x128xf32>,
    %get3A_342 = arith.constant 0 : index
    %get3A_343 = arith.constant 0 : index
    %get3A_344 = vector.load %arg1[%get3A_342, %get3A_343] : memref<80x128xi32, #tpu.memory_space<vmem>>, vector<80x128xi32>
    %lt3A_345 = arith.constant 14 : i32
    %lt3A_346 = vector.broadcast %lt3A_345 : i32 to vector<80x128xi32>
    %lt3A_347 = arith.cmpi slt, %get3A_344, %lt3A_346 : vector<80x128xi32>
    %jit3A_348 = arith.constant 1 : i32
    %jit3A_349 = arith.constant 0 : i32
    %broadcast_in_dim3A_350 = vector.broadcast %jit3A_348 : i32 to vector<80x128xi32>
    %broadcast_in_dim3A_351 = vector.broadcast %jit3A_349 : i32 to vector<80x128xi32>
    %select_n3A_352 = arith.select %lt3A_347, %broadcast_in_dim3A_350, %broadcast_in_dim3A_351 : vector<80x128xi1>, vector<80x128xi32>
    %reduce_sum3A_353 = vector.shape_cast %select_n3A_352 : vector<80x128xi32> to vector<1x80x128xi32>
    %reduce_sum3A_354 = arith.constant dense<0> : vector<1xi32>
    %reduce_sum3A_355 = vector.multi_reduction <add>, %reduce_sum3A_353, %reduce_sum3A_354 [1, 2] : vector<1x80x128xi32> to vector<1xi32>
    %reduce_sum3A_356 = vector.shape_cast %reduce_sum3A_355 : vector<1xi32> to vector<1x1x1xi32>
    %reduce_sum3A_357 = vector.extract %reduce_sum3A_356[0, 0, 0] : i32 from vector<1x1x1xi32>
    %get3A_358 = arith.constant 14 : index
    %get3A_359 = memref.load %arg2[%get3A_358] : memref<64xi32, #tpu.memory_space<smem>>
    %add3A_360 = arith.addi %get3A_359, %reduce_sum3A_357 : i32
    %get3A_361 = arith.index_cast %add3A_360 : i32 to index
    %get3A_362 = arith.constant 0 : index
    %get3A_363 = vector.load %arg0[%get3A_361, %get3A_362] : memref<10240x128xf32, #tpu.memory_space<vmem>>, vector<1x128xf32>
    %swap3A_364 = arith.constant 14 : index
    %swap3A_365 = arith.constant 0 : index
    %swap3A_366 = vector.load %arg6[%swap3A_364, %swap3A_365] : memref<64x128xf32, #tpu.memory_space<vmem>>, vector<1x128xf32>
    tpu.vector_store %arg6[%swap3A_364, %swap3A_365], %get3A_363 {strides = array<i32>} : memref<64x128xf32, #tpu.memory_space<vmem>>, vector<1x128xf32>,
    %get3A_367 = arith.constant 0 : index
    %get3A_368 = arith.constant 0 : index
    %get3A_369 = vector.load %arg1[%get3A_367, %get3A_368] : memref<80x128xi32, #tpu.memory_space<vmem>>, vector<80x128xi32>
    %lt3A_370 = arith.constant 15 : i32
    %lt3A_371 = vector.broadcast %lt3A_370 : i32 to vector<80x128xi32>
    %lt3A_372 = arith.cmpi slt, %get3A_369, %lt3A_371 : vector<80x128xi32>
    %jit3A_373 = arith.constant 1 : i32
    %jit3A_374 = arith.constant 0 : i32
    %broadcast_in_dim3A_375 = vector.broadcast %jit3A_373 : i32 to vector<80x128xi32>
    %broadcast_in_dim3A_376 = vector.broadcast %jit3A_374 : i32 to vector<80x128xi32>
    %select_n3A_377 = arith.select %lt3A_372, %broadcast_in_dim3A_375, %broadcast_in_dim3A_376 : vector<80x128xi1>, vector<80x128xi32>
    %reduce_sum3A_378 = vector.shape_cast %select_n3A_377 : vector<80x128xi32> to vector<1x80x128xi32>
    %reduce_sum3A_379 = arith.constant dense<0> : vector<1xi32>
    %reduce_sum3A_380 = vector.multi_reduction <add>, %reduce_sum3A_378, %reduce_sum3A_379 [1, 2] : vector<1x80x128xi32> to vector<1xi32>
    %reduce_sum3A_381 = vector.shape_cast %reduce_sum3A_380 : vector<1xi32> to vector<1x1x1xi32>
    %reduce_sum3A_382 = vector.extract %reduce_sum3A_381[0, 0, 0] : i32 from vector<1x1x1xi32>
    %get3A_383 = arith.constant 15 : index
    %get3A_384 = memref.load %arg2[%get3A_383] : memref<64xi32, #tpu.memory_space<smem>>
    %add3A_385 = arith.addi %get3A_384, %reduce_sum3A_382 : i32
    %get3A_386 = arith.index_cast %add3A_385 : i32 to index
    %get3A_387 = arith.constant 0 : index
    %get3A_388 = vector.load %arg0[%get3A_386, %get3A_387] : memref<10240x128xf32, #tpu.memory_space<vmem>>, vector<1x128xf32>
    %swap3A_389 = arith.constant 15 : index
    %swap3A_390 = arith.constant 0 : index
    %swap3A_391 = vector.load %arg6[%swap3A_389, %swap3A_390] : memref<64x128xf32, #tpu.memory_space<vmem>>, vector<1x128xf32>
    tpu.vector_store %arg6[%swap3A_389, %swap3A_390], %get3A_388 {strides = array<i32>} : memref<64x128xf32, #tpu.memory_space<vmem>>, vector<1x128xf32>,
    %get3A_392 = arith.constant 0 : index
    %get3A_393 = arith.constant 0 : index
    %get3A_394 = vector.load %arg1[%get3A_392, %get3A_393] : memref<80x128xi32, #tpu.memory_space<vmem>>, vector<80x128xi32>
    %lt3A_395 = arith.constant 16 : i32
    %lt3A_396 = vector.broadcast %lt3A_395 : i32 to vector<80x128xi32>
    %lt3A_397 = arith.cmpi slt, %get3A_394, %lt3A_396 : vector<80x128xi32>
    %jit3A_398 = arith.constant 1 : i32
    %jit3A_399 = arith.constant 0 : i32
    %broadcast_in_dim3A_400 = vector.broadcast %jit3A_398 : i32 to vector<80x128xi32>
    %broadcast_in_dim3A_401 = vector.broadcast %jit3A_399 : i32 to vector<80x128xi32>
    %select_n3A_402 = arith.select %lt3A_397, %broadcast_in_dim3A_400, %broadcast_in_dim3A_401 : vector<80x128xi1>, vector<80x128xi32>
    %reduce_sum3A_403 = vector.shape_cast %select_n3A_402 : vector<80x128xi32> to vector<1x80x128xi32>
    %reduce_sum3A_404 = arith.constant dense<0> : vector<1xi32>
    %reduce_sum3A_405 = vector.multi_reduction <add>, %reduce_sum3A_403, %reduce_sum3A_404 [1, 2] : vector<1x80x128xi32> to vector<1xi32>
    %reduce_sum3A_406 = vector.shape_cast %reduce_sum3A_405 : vector<1xi32> to vector<1x1x1xi32>
    %reduce_sum3A_407 = vector.extract %reduce_sum3A_406[0, 0, 0] : i32 from vector<1x1x1xi32>
    %get3A_408 = arith.constant 16 : index
    %get3A_409 = memref.load %arg2[%get3A_408] : memref<64xi32, #tpu.memory_space<smem>>
    %add3A_410 = arith.addi %get3A_409, %reduce_sum3A_407 : i32
    %get3A_411 = arith.index_cast %add3A_410 : i32 to index
    %get3A_412 = arith.constant 0 : index
    %get3A_413 = vector.load %arg0[%get3A_411, %get3A_412] : memref<10240x128xf32, #tpu.memory_space<vmem>>, vector<1x128xf32>
    %swap3A_414 = arith.constant 16 : index
    %swap3A_415 = arith.constant 0 : index
    %swap3A_416 = vector.load %arg6[%swap3A_414, %swap3A_415] : memref<64x128xf32, #tpu.memory_space<vmem>>, vector<1x128xf32>
    tpu.vector_store %arg6[%swap3A_414, %swap3A_415], %get3A_413 {strides = array<i32>} : memref<64x128xf32, #tpu.memory_space<vmem>>, vector<1x128xf32>,
    %get3A_417 = arith.constant 0 : index
    %get3A_418 = arith.constant 0 : index
    %get3A_419 = vector.load %arg1[%get3A_417, %get3A_418] : memref<80x128xi32, #tpu.memory_space<vmem>>, vector<80x128xi32>
    %lt3A_420 = arith.constant 17 : i32
    %lt3A_421 = vector.broadcast %lt3A_420 : i32 to vector<80x128xi32>
    %lt3A_422 = arith.cmpi slt, %get3A_419, %lt3A_421 : vector<80x128xi32>
    %jit3A_423 = arith.constant 1 : i32
    %jit3A_424 = arith.constant 0 : i32
    %broadcast_in_dim3A_425 = vector.broadcast %jit3A_423 : i32 to vector<80x128xi32>
    %broadcast_in_dim3A_426 = vector.broadcast %jit3A_424 : i32 to vector<80x128xi32>
    %select_n3A_427 = arith.select %lt3A_422, %broadcast_in_dim3A_425, %broadcast_in_dim3A_426 : vector<80x128xi1>, vector<80x128xi32>
    %reduce_sum3A_428 = vector.shape_cast %select_n3A_427 : vector<80x128xi32> to vector<1x80x128xi32>
    %reduce_sum3A_429 = arith.constant dense<0> : vector<1xi32>
    %reduce_sum3A_430 = vector.multi_reduction <add>, %reduce_sum3A_428, %reduce_sum3A_429 [1, 2] : vector<1x80x128xi32> to vector<1xi32>
    %reduce_sum3A_431 = vector.shape_cast %reduce_sum3A_430 : vector<1xi32> to vector<1x1x1xi32>
    %reduce_sum3A_432 = vector.extract %reduce_sum3A_431[0, 0, 0] : i32 from vector<1x1x1xi32>
    %get3A_433 = arith.constant 17 : index
    %get3A_434 = memref.load %arg2[%get3A_433] : memref<64xi32, #tpu.memory_space<smem>>
    %add3A_435 = arith.addi %get3A_434, %reduce_sum3A_432 : i32
    %get3A_436 = arith.index_cast %add3A_435 : i32 to index
    %get3A_437 = arith.constant 0 : index
    %get3A_438 = vector.load %arg0[%get3A_436, %get3A_437] : memref<10240x128xf32, #tpu.memory_space<vmem>>, vector<1x128xf32>
    %swap3A_439 = arith.constant 17 : index
    %swap3A_440 = arith.constant 0 : index
    %swap3A_441 = vector.load %arg6[%swap3A_439, %swap3A_440] : memref<64x128xf32, #tpu.memory_space<vmem>>, vector<1x128xf32>
    tpu.vector_store %arg6[%swap3A_439, %swap3A_440], %get3A_438 {strides = array<i32>} : memref<64x128xf32, #tpu.memory_space<vmem>>, vector<1x128xf32>,
    %get3A_442 = arith.constant 0 : index
    %get3A_443 = arith.constant 0 : index
    %get3A_444 = vector.load %arg1[%get3A_442, %get3A_443] : memref<80x128xi32, #tpu.memory_space<vmem>>, vector<80x128xi32>
    %lt3A_445 = arith.constant 18 : i32
    %lt3A_446 = vector.broadcast %lt3A_445 : i32 to vector<80x128xi32>
    %lt3A_447 = arith.cmpi slt, %get3A_444, %lt3A_446 : vector<80x128xi32>
    %jit3A_448 = arith.constant 1 : i32
    %jit3A_449 = arith.constant 0 : i32
    %broadcast_in_dim3A_450 = vector.broadcast %jit3A_448 : i32 to vector<80x128xi32>
    %broadcast_in_dim3A_451 = vector.broadcast %jit3A_449 : i32 to vector<80x128xi32>
    %select_n3A_452 = arith.select %lt3A_447, %broadcast_in_dim3A_450, %broadcast_in_dim3A_451 : vector<80x128xi1>, vector<80x128xi32>
    %reduce_sum3A_453 = vector.shape_cast %select_n3A_452 : vector<80x128xi32> to vector<1x80x128xi32>
    %reduce_sum3A_454 = arith.constant dense<0> : vector<1xi32>
    %reduce_sum3A_455 = vector.multi_reduction <add>, %reduce_sum3A_453, %reduce_sum3A_454 [1, 2] : vector<1x80x128xi32> to vector<1xi32>
    %reduce_sum3A_456 = vector.shape_cast %reduce_sum3A_455 : vector<1xi32> to vector<1x1x1xi32>
    %reduce_sum3A_457 = vector.extract %reduce_sum3A_456[0, 0, 0] : i32 from vector<1x1x1xi32>
    %get3A_458 = arith.constant 18 : index
    %get3A_459 = memref.load %arg2[%get3A_458] : memref<64xi32, #tpu.memory_space<smem>>
    %add3A_460 = arith.addi %get3A_459, %reduce_sum3A_457 : i32
    %get3A_461 = arith.index_cast %add3A_460 : i32 to index
    %get3A_462 = arith.constant 0 : index
    %get3A_463 = vector.load %arg0[%get3A_461, %get3A_462] : memref<10240x128xf32, #tpu.memory_space<vmem>>, vector<1x128xf32>
    %swap3A_464 = arith.constant 18 : index
    %swap3A_465 = arith.constant 0 : index
    %swap3A_466 = vector.load %arg6[%swap3A_464, %swap3A_465] : memref<64x128xf32, #tpu.memory_space<vmem>>, vector<1x128xf32>
    tpu.vector_store %arg6[%swap3A_464, %swap3A_465], %get3A_463 {strides = array<i32>} : memref<64x128xf32, #tpu.memory_space<vmem>>, vector<1x128xf32>,
    %get3A_467 = arith.constant 0 : index
    %get3A_468 = arith.constant 0 : index
    %get3A_469 = vector.load %arg1[%get3A_467, %get3A_468] : memref<80x128xi32, #tpu.memory_space<vmem>>, vector<80x128xi32>
    %lt3A_470 = arith.constant 19 : i32
    %lt3A_471 = vector.broadcast %lt3A_470 : i32 to vector<80x128xi32>
    %lt3A_472 = arith.cmpi slt, %get3A_469, %lt3A_471 : vector<80x128xi32>
    %jit3A_473 = arith.constant 1 : i32
    %jit3A_474 = arith.constant 0 : i32
    %broadcast_in_dim3A_475 = vector.broadcast %jit3A_473 : i32 to vector<80x128xi32>
    %broadcast_in_dim3A_476 = vector.broadcast %jit3A_474 : i32 to vector<80x128xi32>
    %select_n3A_477 = arith.select %lt3A_472, %broadcast_in_dim3A_475, %broadcast_in_dim3A_476 : vector<80x128xi1>, vector<80x128xi32>
    %reduce_sum3A_478 = vector.shape_cast %select_n3A_477 : vector<80x128xi32> to vector<1x80x128xi32>
    %reduce_sum3A_479 = arith.constant dense<0> : vector<1xi32>
    %reduce_sum3A_480 = vector.multi_reduction <add>, %reduce_sum3A_478, %reduce_sum3A_479 [1, 2] : vector<1x80x128xi32> to vector<1xi32>
    %reduce_sum3A_481 = vector.shape_cast %reduce_sum3A_480 : vector<1xi32> to vector<1x1x1xi32>
    %reduce_sum3A_482 = vector.extract %reduce_sum3A_481[0, 0, 0] : i32 from vector<1x1x1xi32>
    %get3A_483 = arith.constant 19 : index
    %get3A_484 = memref.load %arg2[%get3A_483] : memref<64xi32, #tpu.memory_space<smem>>
    %add3A_485 = arith.addi %get3A_484, %reduce_sum3A_482 : i32
    %get3A_486 = arith.index_cast %add3A_485 : i32 to index
    %get3A_487 = arith.constant 0 : index
    %get3A_488 = vector.load %arg0[%get3A_486, %get3A_487] : memref<10240x128xf32, #tpu.memory_space<vmem>>, vector<1x128xf32>
    %swap3A_489 = arith.constant 19 : index
    %swap3A_490 = arith.constant 0 : index
    %swap3A_491 = vector.load %arg6[%swap3A_489, %swap3A_490] : memref<64x128xf32, #tpu.memory_space<vmem>>, vector<1x128xf32>
    tpu.vector_store %arg6[%swap3A_489, %swap3A_490], %get3A_488 {strides = array<i32>} : memref<64x128xf32, #tpu.memory_space<vmem>>, vector<1x128xf32>,
    %get3A_492 = arith.constant 0 : index
    %get3A_493 = arith.constant 0 : index
    %get3A_494 = vector.load %arg1[%get3A_492, %get3A_493] : memref<80x128xi32, #tpu.memory_space<vmem>>, vector<80x128xi32>
    %lt3A_495 = arith.constant 20 : i32
    %lt3A_496 = vector.broadcast %lt3A_495 : i32 to vector<80x128xi32>
    %lt3A_497 = arith.cmpi slt, %get3A_494, %lt3A_496 : vector<80x128xi32>
    %jit3A_498 = arith.constant 1 : i32
    %jit3A_499 = arith.constant 0 : i32
    %broadcast_in_dim3A_500 = vector.broadcast %jit3A_498 : i32 to vector<80x128xi32>
    %broadcast_in_dim3A_501 = vector.broadcast %jit3A_499 : i32 to vector<80x128xi32>
    %select_n3A_502 = arith.select %lt3A_497, %broadcast_in_dim3A_500, %broadcast_in_dim3A_501 : vector<80x128xi1>, vector<80x128xi32>
    %reduce_sum3A_503 = vector.shape_cast %select_n3A_502 : vector<80x128xi32> to vector<1x80x128xi32>
    %reduce_sum3A_504 = arith.constant dense<0> : vector<1xi32>
    %reduce_sum3A_505 = vector.multi_reduction <add>, %reduce_sum3A_503, %reduce_sum3A_504 [1, 2] : vector<1x80x128xi32> to vector<1xi32>
    %reduce_sum3A_506 = vector.shape_cast %reduce_sum3A_505 : vector<1xi32> to vector<1x1x1xi32>
    %reduce_sum3A_507 = vector.extract %reduce_sum3A_506[0, 0, 0] : i32 from vector<1x1x1xi32>
    %get3A_508 = arith.constant 20 : index
    %get3A_509 = memref.load %arg2[%get3A_508] : memref<64xi32, #tpu.memory_space<smem>>
    %add3A_510 = arith.addi %get3A_509, %reduce_sum3A_507 : i32
    %get3A_511 = arith.index_cast %add3A_510 : i32 to index
    %get3A_512 = arith.constant 0 : index
    %get3A_513 = vector.load %arg0[%get3A_511, %get3A_512] : memref<10240x128xf32, #tpu.memory_space<vmem>>, vector<1x128xf32>
    %swap3A_514 = arith.constant 20 : index
    %swap3A_515 = arith.constant 0 : index
    %swap3A_516 = vector.load %arg6[%swap3A_514, %swap3A_515] : memref<64x128xf32, #tpu.memory_space<vmem>>, vector<1x128xf32>
    tpu.vector_store %arg6[%swap3A_514, %swap3A_515], %get3A_513 {strides = array<i32>} : memref<64x128xf32, #tpu.memory_space<vmem>>, vector<1x128xf32>,
    %get3A_517 = arith.constant 0 : index
    %get3A_518 = arith.constant 0 : index
    %get3A_519 = vector.load %arg1[%get3A_517, %get3A_518] : memref<80x128xi32, #tpu.memory_space<vmem>>, vector<80x128xi32>
    %lt3A_520 = arith.constant 21 : i32
    %lt3A_521 = vector.broadcast %lt3A_520 : i32 to vector<80x128xi32>
    %lt3A_522 = arith.cmpi slt, %get3A_519, %lt3A_521 : vector<80x128xi32>
    %jit3A_523 = arith.constant 1 : i32
    %jit3A_524 = arith.constant 0 : i32
    %broadcast_in_dim3A_525 = vector.broadcast %jit3A_523 : i32 to vector<80x128xi32>
    %broadcast_in_dim3A_526 = vector.broadcast %jit3A_524 : i32 to vector<80x128xi32>
    %select_n3A_527 = arith.select %lt3A_522, %broadcast_in_dim3A_525, %broadcast_in_dim3A_526 : vector<80x128xi1>, vector<80x128xi32>
    %reduce_sum3A_528 = vector.shape_cast %select_n3A_527 : vector<80x128xi32> to vector<1x80x128xi32>
    %reduce_sum3A_529 = arith.constant dense<0> : vector<1xi32>
    %reduce_sum3A_530 = vector.multi_reduction <add>, %reduce_sum3A_528, %reduce_sum3A_529 [1, 2] : vector<1x80x128xi32> to vector<1xi32>
    %reduce_sum3A_531 = vector.shape_cast %reduce_sum3A_530 : vector<1xi32> to vector<1x1x1xi32>
    %reduce_sum3A_532 = vector.extract %reduce_sum3A_531[0, 0, 0] : i32 from vector<1x1x1xi32>
    %get3A_533 = arith.constant 21 : index
    %get3A_534 = memref.load %arg2[%get3A_533] : memref<64xi32, #tpu.memory_space<smem>>
    %add3A_535 = arith.addi %get3A_534, %reduce_sum3A_532 : i32
    %get3A_536 = arith.index_cast %add3A_535 : i32 to index
    %get3A_537 = arith.constant 0 : index
    %get3A_538 = vector.load %arg0[%get3A_536, %get3A_537] : memref<10240x128xf32, #tpu.memory_space<vmem>>, vector<1x128xf32>
    %swap3A_539 = arith.constant 21 : index
    %swap3A_540 = arith.constant 0 : index
    %swap3A_541 = vector.load %arg6[%swap3A_539, %swap3A_540] : memref<64x128xf32, #tpu.memory_space<vmem>>, vector<1x128xf32>
    tpu.vector_store %arg6[%swap3A_539, %swap3A_540], %get3A_538 {strides = array<i32>} : memref<64x128xf32, #tpu.memory_space<vmem>>, vector<1x128xf32>,
    %get3A_542 = arith.constant 0 : index
    %get3A_543 = arith.constant 0 : index
    %get3A_544 = vector.load %arg1[%get3A_542, %get3A_543] : memref<80x128xi32, #tpu.memory_space<vmem>>, vector<80x128xi32>
    %lt3A_545 = arith.constant 22 : i32
    %lt3A_546 = vector.broadcast %lt3A_545 : i32 to vector<80x128xi32>
    %lt3A_547 = arith.cmpi slt, %get3A_544, %lt3A_546 : vector<80x128xi32>
    %jit3A_548 = arith.constant 1 : i32
    %jit3A_549 = arith.constant 0 : i32
    %broadcast_in_dim3A_550 = vector.broadcast %jit3A_548 : i32 to vector<80x128xi32>
    %broadcast_in_dim3A_551 = vector.broadcast %jit3A_549 : i32 to vector<80x128xi32>
    %select_n3A_552 = arith.select %lt3A_547, %broadcast_in_dim3A_550, %broadcast_in_dim3A_551 : vector<80x128xi1>, vector<80x128xi32>
    %reduce_sum3A_553 = vector.shape_cast %select_n3A_552 : vector<80x128xi32> to vector<1x80x128xi32>
    %reduce_sum3A_554 = arith.constant dense<0> : vector<1xi32>
    %reduce_sum3A_555 = vector.multi_reduction <add>, %reduce_sum3A_553, %reduce_sum3A_554 [1, 2] : vector<1x80x128xi32> to vector<1xi32>
    %reduce_sum3A_556 = vector.shape_cast %reduce_sum3A_555 : vector<1xi32> to vector<1x1x1xi32>
    %reduce_sum3A_557 = vector.extract %reduce_sum3A_556[0, 0, 0] : i32 from vector<1x1x1xi32>
    %get3A_558 = arith.constant 22 : index
    %get3A_559 = memref.load %arg2[%get3A_558] : memref<64xi32, #tpu.memory_space<smem>>
    %add3A_560 = arith.addi %get3A_559, %reduce_sum3A_557 : i32
    %get3A_561 = arith.index_cast %add3A_560 : i32 to index
    %get3A_562 = arith.constant 0 : index
    %get3A_563 = vector.load %arg0[%get3A_561, %get3A_562] : memref<10240x128xf32, #tpu.memory_space<vmem>>, vector<1x128xf32>
    %swap3A_564 = arith.constant 22 : index
    %swap3A_565 = arith.constant 0 : index
    %swap3A_566 = vector.load %arg6[%swap3A_564, %swap3A_565] : memref<64x128xf32, #tpu.memory_space<vmem>>, vector<1x128xf32>
    tpu.vector_store %arg6[%swap3A_564, %swap3A_565], %get3A_563 {strides = array<i32>} : memref<64x128xf32, #tpu.memory_space<vmem>>, vector<1x128xf32>,
    %get3A_567 = arith.constant 0 : index
    %get3A_568 = arith.constant 0 : index
    %get3A_569 = vector.load %arg1[%get3A_567, %get3A_568] : memref<80x128xi32, #tpu.memory_space<vmem>>, vector<80x128xi32>
    %lt3A_570 = arith.constant 23 : i32
    %lt3A_571 = vector.broadcast %lt3A_570 : i32 to vector<80x128xi32>
    %lt3A_572 = arith.cmpi slt, %get3A_569, %lt3A_571 : vector<80x128xi32>
    %jit3A_573 = arith.constant 1 : i32
    %jit3A_574 = arith.constant 0 : i32
    %broadcast_in_dim3A_575 = vector.broadcast %jit3A_573 : i32 to vector<80x128xi32>
    %broadcast_in_dim3A_576 = vector.broadcast %jit3A_574 : i32 to vector<80x128xi32>
    %select_n3A_577 = arith.select %lt3A_572, %broadcast_in_dim3A_575, %broadcast_in_dim3A_576 : vector<80x128xi1>, vector<80x128xi32>
    %reduce_sum3A_578 = vector.shape_cast %select_n3A_577 : vector<80x128xi32> to vector<1x80x128xi32>
    %reduce_sum3A_579 = arith.constant dense<0> : vector<1xi32>
    %reduce_sum3A_580 = vector.multi_reduction <add>, %reduce_sum3A_578, %reduce_sum3A_579 [1, 2] : vector<1x80x128xi32> to vector<1xi32>
    %reduce_sum3A_581 = vector.shape_cast %reduce_sum3A_580 : vector<1xi32> to vector<1x1x1xi32>
    %reduce_sum3A_582 = vector.extract %reduce_sum3A_581[0, 0, 0] : i32 from vector<1x1x1xi32>
    %get3A_583 = arith.constant 23 : index
    %get3A_584 = memref.load %arg2[%get3A_583] : memref<64xi32, #tpu.memory_space<smem>>
    %add3A_585 = arith.addi %get3A_584, %reduce_sum3A_582 : i32
    %get3A_586 = arith.index_cast %add3A_585 : i32 to index
    %get3A_587 = arith.constant 0 : index
    %get3A_588 = vector.load %arg0[%get3A_586, %get3A_587] : memref<10240x128xf32, #tpu.memory_space<vmem>>, vector<1x128xf32>
    %swap3A_589 = arith.constant 23 : index
    %swap3A_590 = arith.constant 0 : index
    %swap3A_591 = vector.load %arg6[%swap3A_589, %swap3A_590] : memref<64x128xf32, #tpu.memory_space<vmem>>, vector<1x128xf32>
    tpu.vector_store %arg6[%swap3A_589, %swap3A_590], %get3A_588 {strides = array<i32>} : memref<64x128xf32, #tpu.memory_space<vmem>>, vector<1x128xf32>,
    %get3A_592 = arith.constant 0 : index
    %get3A_593 = arith.constant 0 : index
    %get3A_594 = vector.load %arg1[%get3A_592, %get3A_593] : memref<80x128xi32, #tpu.memory_space<vmem>>, vector<80x128xi32>
    %lt3A_595 = arith.constant 24 : i32
    %lt3A_596 = vector.broadcast %lt3A_595 : i32 to vector<80x128xi32>
    %lt3A_597 = arith.cmpi slt, %get3A_594, %lt3A_596 : vector<80x128xi32>
    %jit3A_598 = arith.constant 1 : i32
    %jit3A_599 = arith.constant 0 : i32
    %broadcast_in_dim3A_600 = vector.broadcast %jit3A_598 : i32 to vector<80x128xi32>
    %broadcast_in_dim3A_601 = vector.broadcast %jit3A_599 : i32 to vector<80x128xi32>
    %select_n3A_602 = arith.select %lt3A_597, %broadcast_in_dim3A_600, %broadcast_in_dim3A_601 : vector<80x128xi1>, vector<80x128xi32>
    %reduce_sum3A_603 = vector.shape_cast %select_n3A_602 : vector<80x128xi32> to vector<1x80x128xi32>
    %reduce_sum3A_604 = arith.constant dense<0> : vector<1xi32>
    %reduce_sum3A_605 = vector.multi_reduction <add>, %reduce_sum3A_603, %reduce_sum3A_604 [1, 2] : vector<1x80x128xi32> to vector<1xi32>
    %reduce_sum3A_606 = vector.shape_cast %reduce_sum3A_605 : vector<1xi32> to vector<1x1x1xi32>
    %reduce_sum3A_607 = vector.extract %reduce_sum3A_606[0, 0, 0] : i32 from vector<1x1x1xi32>
    %get3A_608 = arith.constant 24 : index
    %get3A_609 = memref.load %arg2[%get3A_608] : memref<64xi32, #tpu.memory_space<smem>>
    %add3A_610 = arith.addi %get3A_609, %reduce_sum3A_607 : i32
    %get3A_611 = arith.index_cast %add3A_610 : i32 to index
    %get3A_612 = arith.constant 0 : index
    %get3A_613 = vector.load %arg0[%get3A_611, %get3A_612] : memref<10240x128xf32, #tpu.memory_space<vmem>>, vector<1x128xf32>
    %swap3A_614 = arith.constant 24 : index
    %swap3A_615 = arith.constant 0 : index
    %swap3A_616 = vector.load %arg6[%swap3A_614, %swap3A_615] : memref<64x128xf32, #tpu.memory_space<vmem>>, vector<1x128xf32>
    tpu.vector_store %arg6[%swap3A_614, %swap3A_615], %get3A_613 {strides = array<i32>} : memref<64x128xf32, #tpu.memory_space<vmem>>, vector<1x128xf32>,
    %get3A_617 = arith.constant 0 : index
    %get3A_618 = arith.constant 0 : index
    %get3A_619 = vector.load %arg1[%get3A_617, %get3A_618] : memref<80x128xi32, #tpu.memory_space<vmem>>, vector<80x128xi32>
    %lt3A_620 = arith.constant 25 : i32
    %lt3A_621 = vector.broadcast %lt3A_620 : i32 to vector<80x128xi32>
    %lt3A_622 = arith.cmpi slt, %get3A_619, %lt3A_621 : vector<80x128xi32>
    %jit3A_623 = arith.constant 1 : i32
    %jit3A_624 = arith.constant 0 : i32
    %broadcast_in_dim3A_625 = vector.broadcast %jit3A_623 : i32 to vector<80x128xi32>
    %broadcast_in_dim3A_626 = vector.broadcast %jit3A_624 : i32 to vector<80x128xi32>
    %select_n3A_627 = arith.select %lt3A_622, %broadcast_in_dim3A_625, %broadcast_in_dim3A_626 : vector<80x128xi1>, vector<80x128xi32>
    %reduce_sum3A_628 = vector.shape_cast %select_n3A_627 : vector<80x128xi32> to vector<1x80x128xi32>
    %reduce_sum3A_629 = arith.constant dense<0> : vector<1xi32>
    %reduce_sum3A_630 = vector.multi_reduction <add>, %reduce_sum3A_628, %reduce_sum3A_629 [1, 2] : vector<1x80x128xi32> to vector<1xi32>
    %reduce_sum3A_631 = vector.shape_cast %reduce_sum3A_630 : vector<1xi32> to vector<1x1x1xi32>
    %reduce_sum3A_632 = vector.extract %reduce_sum3A_631[0, 0, 0] : i32 from vector<1x1x1xi32>
    %get3A_633 = arith.constant 25 : index
    %get3A_634 = memref.load %arg2[%get3A_633] : memref<64xi32, #tpu.memory_space<smem>>
    %add3A_635 = arith.addi %get3A_634, %reduce_sum3A_632 : i32
    %get3A_636 = arith.index_cast %add3A_635 : i32 to index
    %get3A_637 = arith.constant 0 : index
    %get3A_638 = vector.load %arg0[%get3A_636, %get3A_637] : memref<10240x128xf32, #tpu.memory_space<vmem>>, vector<1x128xf32>
    %swap3A_639 = arith.constant 25 : index
    %swap3A_640 = arith.constant 0 : index
    %swap3A_641 = vector.load %arg6[%swap3A_639, %swap3A_640] : memref<64x128xf32, #tpu.memory_space<vmem>>, vector<1x128xf32>
    tpu.vector_store %arg6[%swap3A_639, %swap3A_640], %get3A_638 {strides = array<i32>} : memref<64x128xf32, #tpu.memory_space<vmem>>, vector<1x128xf32>,
    %get3A_642 = arith.constant 0 : index
    %get3A_643 = arith.constant 0 : index
    %get3A_644 = vector.load %arg1[%get3A_642, %get3A_643] : memref<80x128xi32, #tpu.memory_space<vmem>>, vector<80x128xi32>
    %lt3A_645 = arith.constant 26 : i32
    %lt3A_646 = vector.broadcast %lt3A_645 : i32 to vector<80x128xi32>
    %lt3A_647 = arith.cmpi slt, %get3A_644, %lt3A_646 : vector<80x128xi32>
    %jit3A_648 = arith.constant 1 : i32
    %jit3A_649 = arith.constant 0 : i32
    %broadcast_in_dim3A_650 = vector.broadcast %jit3A_648 : i32 to vector<80x128xi32>
    %broadcast_in_dim3A_651 = vector.broadcast %jit3A_649 : i32 to vector<80x128xi32>
    %select_n3A_652 = arith.select %lt3A_647, %broadcast_in_dim3A_650, %broadcast_in_dim3A_651 : vector<80x128xi1>, vector<80x128xi32>
    %reduce_sum3A_653 = vector.shape_cast %select_n3A_652 : vector<80x128xi32> to vector<1x80x128xi32>
    %reduce_sum3A_654 = arith.constant dense<0> : vector<1xi32>
    %reduce_sum3A_655 = vector.multi_reduction <add>, %reduce_sum3A_653, %reduce_sum3A_654 [1, 2] : vector<1x80x128xi32> to vector<1xi32>
    %reduce_sum3A_656 = vector.shape_cast %reduce_sum3A_655 : vector<1xi32> to vector<1x1x1xi32>
    %reduce_sum3A_657 = vector.extract %reduce_sum3A_656[0, 0, 0] : i32 from vector<1x1x1xi32>
    %get3A_658 = arith.constant 26 : index
    %get3A_659 = memref.load %arg2[%get3A_658] : memref<64xi32, #tpu.memory_space<smem>>
    %add3A_660 = arith.addi %get3A_659, %reduce_sum3A_657 : i32
    %get3A_661 = arith.index_cast %add3A_660 : i32 to index
    %get3A_662 = arith.constant 0 : index
    %get3A_663 = vector.load %arg0[%get3A_661, %get3A_662] : memref<10240x128xf32, #tpu.memory_space<vmem>>, vector<1x128xf32>
    %swap3A_664 = arith.constant 26 : index
    %swap3A_665 = arith.constant 0 : index
    %swap3A_666 = vector.load %arg6[%swap3A_664, %swap3A_665] : memref<64x128xf32, #tpu.memory_space<vmem>>, vector<1x128xf32>
    tpu.vector_store %arg6[%swap3A_664, %swap3A_665], %get3A_663 {strides = array<i32>} : memref<64x128xf32, #tpu.memory_space<vmem>>, vector<1x128xf32>,
    %get3A_667 = arith.constant 0 : index
    %get3A_668 = arith.constant 0 : index
    %get3A_669 = vector.load %arg1[%get3A_667, %get3A_668] : memref<80x128xi32, #tpu.memory_space<vmem>>, vector<80x128xi32>
    %lt3A_670 = arith.constant 27 : i32
    %lt3A_671 = vector.broadcast %lt3A_670 : i32 to vector<80x128xi32>
    %lt3A_672 = arith.cmpi slt, %get3A_669, %lt3A_671 : vector<80x128xi32>
    %jit3A_673 = arith.constant 1 : i32
    %jit3A_674 = arith.constant 0 : i32
    %broadcast_in_dim3A_675 = vector.broadcast %jit3A_673 : i32 to vector<80x128xi32>
    %broadcast_in_dim3A_676 = vector.broadcast %jit3A_674 : i32 to vector<80x128xi32>
    %select_n3A_677 = arith.select %lt3A_672, %broadcast_in_dim3A_675, %broadcast_in_dim3A_676 : vector<80x128xi1>, vector<80x128xi32>
    %reduce_sum3A_678 = vector.shape_cast %select_n3A_677 : vector<80x128xi32> to vector<1x80x128xi32>
    %reduce_sum3A_679 = arith.constant dense<0> : vector<1xi32>
    %reduce_sum3A_680 = vector.multi_reduction <add>, %reduce_sum3A_678, %reduce_sum3A_679 [1, 2] : vector<1x80x128xi32> to vector<1xi32>
    %reduce_sum3A_681 = vector.shape_cast %reduce_sum3A_680 : vector<1xi32> to vector<1x1x1xi32>
    %reduce_sum3A_682 = vector.extract %reduce_sum3A_681[0, 0, 0] : i32 from vector<1x1x1xi32>
    %get3A_683 = arith.constant 27 : index
    %get3A_684 = memref.load %arg2[%get3A_683] : memref<64xi32, #tpu.memory_space<smem>>
    %add3A_685 = arith.addi %get3A_684, %reduce_sum3A_682 : i32
    %get3A_686 = arith.index_cast %add3A_685 : i32 to index
    %get3A_687 = arith.constant 0 : index
    %get3A_688 = vector.load %arg0[%get3A_686, %get3A_687] : memref<10240x128xf32, #tpu.memory_space<vmem>>, vector<1x128xf32>
    %swap3A_689 = arith.constant 27 : index
    %swap3A_690 = arith.constant 0 : index
    %swap3A_691 = vector.load %arg6[%swap3A_689, %swap3A_690] : memref<64x128xf32, #tpu.memory_space<vmem>>, vector<1x128xf32>
    tpu.vector_store %arg6[%swap3A_689, %swap3A_690], %get3A_688 {strides = array<i32>} : memref<64x128xf32, #tpu.memory_space<vmem>>, vector<1x128xf32>,
    %get3A_692 = arith.constant 0 : index
    %get3A_693 = arith.constant 0 : index
    %get3A_694 = vector.load %arg1[%get3A_692, %get3A_693] : memref<80x128xi32, #tpu.memory_space<vmem>>, vector<80x128xi32>
    %lt3A_695 = arith.constant 28 : i32
    %lt3A_696 = vector.broadcast %lt3A_695 : i32 to vector<80x128xi32>
    %lt3A_697 = arith.cmpi slt, %get3A_694, %lt3A_696 : vector<80x128xi32>
    %jit3A_698 = arith.constant 1 : i32
    %jit3A_699 = arith.constant 0 : i32
    %broadcast_in_dim3A_700 = vector.broadcast %jit3A_698 : i32 to vector<80x128xi32>
    %broadcast_in_dim3A_701 = vector.broadcast %jit3A_699 : i32 to vector<80x128xi32>
    %select_n3A_702 = arith.select %lt3A_697, %broadcast_in_dim3A_700, %broadcast_in_dim3A_701 : vector<80x128xi1>, vector<80x128xi32>
    %reduce_sum3A_703 = vector.shape_cast %select_n3A_702 : vector<80x128xi32> to vector<1x80x128xi32>
    %reduce_sum3A_704 = arith.constant dense<0> : vector<1xi32>
    %reduce_sum3A_705 = vector.multi_reduction <add>, %reduce_sum3A_703, %reduce_sum3A_704 [1, 2] : vector<1x80x128xi32> to vector<1xi32>
    %reduce_sum3A_706 = vector.shape_cast %reduce_sum3A_705 : vector<1xi32> to vector<1x1x1xi32>
    %reduce_sum3A_707 = vector.extract %reduce_sum3A_706[0, 0, 0] : i32 from vector<1x1x1xi32>
    %get3A_708 = arith.constant 28 : index
    %get3A_709 = memref.load %arg2[%get3A_708] : memref<64xi32, #tpu.memory_space<smem>>
    %add3A_710 = arith.addi %get3A_709, %reduce_sum3A_707 : i32
    %get3A_711 = arith.index_cast %add3A_710 : i32 to index
    %get3A_712 = arith.constant 0 : index
    %get3A_713 = vector.load %arg0[%get3A_711, %get3A_712] : memref<10240x128xf32, #tpu.memory_space<vmem>>, vector<1x128xf32>
    %swap3A_714 = arith.constant 28 : index
    %swap3A_715 = arith.constant 0 : index
    %swap3A_716 = vector.load %arg6[%swap3A_714, %swap3A_715] : memref<64x128xf32, #tpu.memory_space<vmem>>, vector<1x128xf32>
    tpu.vector_store %arg6[%swap3A_714, %swap3A_715], %get3A_713 {strides = array<i32>} : memref<64x128xf32, #tpu.memory_space<vmem>>, vector<1x128xf32>,
    %get3A_717 = arith.constant 0 : index
    %get3A_718 = arith.constant 0 : index
    %get3A_719 = vector.load %arg1[%get3A_717, %get3A_718] : memref<80x128xi32, #tpu.memory_space<vmem>>, vector<80x128xi32>
    %lt3A_720 = arith.constant 29 : i32
    %lt3A_721 = vector.broadcast %lt3A_720 : i32 to vector<80x128xi32>
    %lt3A_722 = arith.cmpi slt, %get3A_719, %lt3A_721 : vector<80x128xi32>
    %jit3A_723 = arith.constant 1 : i32
    %jit3A_724 = arith.constant 0 : i32
    %broadcast_in_dim3A_725 = vector.broadcast %jit3A_723 : i32 to vector<80x128xi32>
    %broadcast_in_dim3A_726 = vector.broadcast %jit3A_724 : i32 to vector<80x128xi32>
    %select_n3A_727 = arith.select %lt3A_722, %broadcast_in_dim3A_725, %broadcast_in_dim3A_726 : vector<80x128xi1>, vector<80x128xi32>
    %reduce_sum3A_728 = vector.shape_cast %select_n3A_727 : vector<80x128xi32> to vector<1x80x128xi32>
    %reduce_sum3A_729 = arith.constant dense<0> : vector<1xi32>
    %reduce_sum3A_730 = vector.multi_reduction <add>, %reduce_sum3A_728, %reduce_sum3A_729 [1, 2] : vector<1x80x128xi32> to vector<1xi32>
    %reduce_sum3A_731 = vector.shape_cast %reduce_sum3A_730 : vector<1xi32> to vector<1x1x1xi32>
    %reduce_sum3A_732 = vector.extract %reduce_sum3A_731[0, 0, 0] : i32 from vector<1x1x1xi32>
    %get3A_733 = arith.constant 29 : index
    %get3A_734 = memref.load %arg2[%get3A_733] : memref<64xi32, #tpu.memory_space<smem>>
    %add3A_735 = arith.addi %get3A_734, %reduce_sum3A_732 : i32
    %get3A_736 = arith.index_cast %add3A_735 : i32 to index
    %get3A_737 = arith.constant 0 : index
    %get3A_738 = vector.load %arg0[%get3A_736, %get3A_737] : memref<10240x128xf32, #tpu.memory_space<vmem>>, vector<1x128xf32>
    %swap3A_739 = arith.constant 29 : index
    %swap3A_740 = arith.constant 0 : index
    %swap3A_741 = vector.load %arg6[%swap3A_739, %swap3A_740] : memref<64x128xf32, #tpu.memory_space<vmem>>, vector<1x128xf32>
    tpu.vector_store %arg6[%swap3A_739, %swap3A_740], %get3A_738 {strides = array<i32>} : memref<64x128xf32, #tpu.memory_space<vmem>>, vector<1x128xf32>,
    %get3A_742 = arith.constant 0 : index
    %get3A_743 = arith.constant 0 : index
    %get3A_744 = vector.load %arg1[%get3A_742, %get3A_743] : memref<80x128xi32, #tpu.memory_space<vmem>>, vector<80x128xi32>
    %lt3A_745 = arith.constant 30 : i32
    %lt3A_746 = vector.broadcast %lt3A_745 : i32 to vector<80x128xi32>
    %lt3A_747 = arith.cmpi slt, %get3A_744, %lt3A_746 : vector<80x128xi32>
    %jit3A_748 = arith.constant 1 : i32
    %jit3A_749 = arith.constant 0 : i32
    %broadcast_in_dim3A_750 = vector.broadcast %jit3A_748 : i32 to vector<80x128xi32>
    %broadcast_in_dim3A_751 = vector.broadcast %jit3A_749 : i32 to vector<80x128xi32>
    %select_n3A_752 = arith.select %lt3A_747, %broadcast_in_dim3A_750, %broadcast_in_dim3A_751 : vector<80x128xi1>, vector<80x128xi32>
    %reduce_sum3A_753 = vector.shape_cast %select_n3A_752 : vector<80x128xi32> to vector<1x80x128xi32>
    %reduce_sum3A_754 = arith.constant dense<0> : vector<1xi32>
    %reduce_sum3A_755 = vector.multi_reduction <add>, %reduce_sum3A_753, %reduce_sum3A_754 [1, 2] : vector<1x80x128xi32> to vector<1xi32>
    %reduce_sum3A_756 = vector.shape_cast %reduce_sum3A_755 : vector<1xi32> to vector<1x1x1xi32>
    %reduce_sum3A_757 = vector.extract %reduce_sum3A_756[0, 0, 0] : i32 from vector<1x1x1xi32>
    %get3A_758 = arith.constant 30 : index
    %get3A_759 = memref.load %arg2[%get3A_758] : memref<64xi32, #tpu.memory_space<smem>>
    %add3A_760 = arith.addi %get3A_759, %reduce_sum3A_757 : i32
    %get3A_761 = arith.index_cast %add3A_760 : i32 to index
    %get3A_762 = arith.constant 0 : index
    %get3A_763 = vector.load %arg0[%get3A_761, %get3A_762] : memref<10240x128xf32, #tpu.memory_space<vmem>>, vector<1x128xf32>
    %swap3A_764 = arith.constant 30 : index
    %swap3A_765 = arith.constant 0 : index
    %swap3A_766 = vector.load %arg6[%swap3A_764, %swap3A_765] : memref<64x128xf32, #tpu.memory_space<vmem>>, vector<1x128xf32>
    tpu.vector_store %arg6[%swap3A_764, %swap3A_765], %get3A_763 {strides = array<i32>} : memref<64x128xf32, #tpu.memory_space<vmem>>, vector<1x128xf32>,
    %get3A_767 = arith.constant 0 : index
    %get3A_768 = arith.constant 0 : index
    %get3A_769 = vector.load %arg1[%get3A_767, %get3A_768] : memref<80x128xi32, #tpu.memory_space<vmem>>, vector<80x128xi32>
    %lt3A_770 = arith.constant 31 : i32
    %lt3A_771 = vector.broadcast %lt3A_770 : i32 to vector<80x128xi32>
    %lt3A_772 = arith.cmpi slt, %get3A_769, %lt3A_771 : vector<80x128xi32>
    %jit3A_773 = arith.constant 1 : i32
    %jit3A_774 = arith.constant 0 : i32
    %broadcast_in_dim3A_775 = vector.broadcast %jit3A_773 : i32 to vector<80x128xi32>
    %broadcast_in_dim3A_776 = vector.broadcast %jit3A_774 : i32 to vector<80x128xi32>
    %select_n3A_777 = arith.select %lt3A_772, %broadcast_in_dim3A_775, %broadcast_in_dim3A_776 : vector<80x128xi1>, vector<80x128xi32>
    %reduce_sum3A_778 = vector.shape_cast %select_n3A_777 : vector<80x128xi32> to vector<1x80x128xi32>
    %reduce_sum3A_779 = arith.constant dense<0> : vector<1xi32>
    %reduce_sum3A_780 = vector.multi_reduction <add>, %reduce_sum3A_778, %reduce_sum3A_779 [1, 2] : vector<1x80x128xi32> to vector<1xi32>
    %reduce_sum3A_781 = vector.shape_cast %reduce_sum3A_780 : vector<1xi32> to vector<1x1x1xi32>
    %reduce_sum3A_782 = vector.extract %reduce_sum3A_781[0, 0, 0] : i32 from vector<1x1x1xi32>
    %get3A_783 = arith.constant 31 : index
    %get3A_784 = memref.load %arg2[%get3A_783] : memref<64xi32, #tpu.memory_space<smem>>
    %add3A_785 = arith.addi %get3A_784, %reduce_sum3A_782 : i32
    %get3A_786 = arith.index_cast %add3A_785 : i32 to index
    %get3A_787 = arith.constant 0 : index
    %get3A_788 = vector.load %arg0[%get3A_786, %get3A_787] : memref<10240x128xf32, #tpu.memory_space<vmem>>, vector<1x128xf32>
    %swap3A_789 = arith.constant 31 : index
    %swap3A_790 = arith.constant 0 : index
    %swap3A_791 = vector.load %arg6[%swap3A_789, %swap3A_790] : memref<64x128xf32, #tpu.memory_space<vmem>>, vector<1x128xf32>
    tpu.vector_store %arg6[%swap3A_789, %swap3A_790], %get3A_788 {strides = array<i32>} : memref<64x128xf32, #tpu.memory_space<vmem>>, vector<1x128xf32>,
    %get3A_792 = arith.constant 0 : index
    %get3A_793 = arith.constant 0 : index
    %get3A_794 = vector.load %arg1[%get3A_792, %get3A_793] : memref<80x128xi32, #tpu.memory_space<vmem>>, vector<80x128xi32>
    %lt3A_795 = arith.constant 32 : i32
    %lt3A_796 = vector.broadcast %lt3A_795 : i32 to vector<80x128xi32>
    %lt3A_797 = arith.cmpi slt, %get3A_794, %lt3A_796 : vector<80x128xi32>
    %jit3A_798 = arith.constant 1 : i32
    %jit3A_799 = arith.constant 0 : i32
    %broadcast_in_dim3A_800 = vector.broadcast %jit3A_798 : i32 to vector<80x128xi32>
    %broadcast_in_dim3A_801 = vector.broadcast %jit3A_799 : i32 to vector<80x128xi32>
    %select_n3A_802 = arith.select %lt3A_797, %broadcast_in_dim3A_800, %broadcast_in_dim3A_801 : vector<80x128xi1>, vector<80x128xi32>
    %reduce_sum3A_803 = vector.shape_cast %select_n3A_802 : vector<80x128xi32> to vector<1x80x128xi32>
    %reduce_sum3A_804 = arith.constant dense<0> : vector<1xi32>
    %reduce_sum3A_805 = vector.multi_reduction <add>, %reduce_sum3A_803, %reduce_sum3A_804 [1, 2] : vector<1x80x128xi32> to vector<1xi32>
    %reduce_sum3A_806 = vector.shape_cast %reduce_sum3A_805 : vector<1xi32> to vector<1x1x1xi32>
    %reduce_sum3A_807 = vector.extract %reduce_sum3A_806[0, 0, 0] : i32 from vector<1x1x1xi32>
    %get3A_808 = arith.constant 32 : index
    %get3A_809 = memref.load %arg2[%get3A_808] : memref<64xi32, #tpu.memory_space<smem>>
    %add3A_810 = arith.addi %get3A_809, %reduce_sum3A_807 : i32
    %get3A_811 = arith.index_cast %add3A_810 : i32 to index
    %get3A_812 = arith.constant 0 : index
    %get3A_813 = vector.load %arg0[%get3A_811, %get3A_812] : memref<10240x128xf32, #tpu.memory_space<vmem>>, vector<1x128xf32>
    %swap3A_814 = arith.constant 32 : index
    %swap3A_815 = arith.constant 0 : index
    %swap3A_816 = vector.load %arg6[%swap3A_814, %swap3A_815] : memref<64x128xf32, #tpu.memory_space<vmem>>, vector<1x128xf32>
    tpu.vector_store %arg6[%swap3A_814, %swap3A_815], %get3A_813 {strides = array<i32>} : memref<64x128xf32, #tpu.memory_space<vmem>>, vector<1x128xf32>,
    %get3A_817 = arith.constant 0 : index
    %get3A_818 = arith.constant 0 : index
    %get3A_819 = vector.load %arg1[%get3A_817, %get3A_818] : memref<80x128xi32, #tpu.memory_space<vmem>>, vector<80x128xi32>
    %lt3A_820 = arith.constant 33 : i32
    %lt3A_821 = vector.broadcast %lt3A_820 : i32 to vector<80x128xi32>
    %lt3A_822 = arith.cmpi slt, %get3A_819, %lt3A_821 : vector<80x128xi32>
    %jit3A_823 = arith.constant 1 : i32
    %jit3A_824 = arith.constant 0 : i32
    %broadcast_in_dim3A_825 = vector.broadcast %jit3A_823 : i32 to vector<80x128xi32>
    %broadcast_in_dim3A_826 = vector.broadcast %jit3A_824 : i32 to vector<80x128xi32>
    %select_n3A_827 = arith.select %lt3A_822, %broadcast_in_dim3A_825, %broadcast_in_dim3A_826 : vector<80x128xi1>, vector<80x128xi32>
    %reduce_sum3A_828 = vector.shape_cast %select_n3A_827 : vector<80x128xi32> to vector<1x80x128xi32>
    %reduce_sum3A_829 = arith.constant dense<0> : vector<1xi32>
    %reduce_sum3A_830 = vector.multi_reduction <add>, %reduce_sum3A_828, %reduce_sum3A_829 [1, 2] : vector<1x80x128xi32> to vector<1xi32>
    %reduce_sum3A_831 = vector.shape_cast %reduce_sum3A_830 : vector<1xi32> to vector<1x1x1xi32>
    %reduce_sum3A_832 = vector.extract %reduce_sum3A_831[0, 0, 0] : i32 from vector<1x1x1xi32>
    %get3A_833 = arith.constant 33 : index
    %get3A_834 = memref.load %arg2[%get3A_833] : memref<64xi32, #tpu.memory_space<smem>>
    %add3A_835 = arith.addi %get3A_834, %reduce_sum3A_832 : i32
    %get3A_836 = arith.index_cast %add3A_835 : i32 to index
    %get3A_837 = arith.constant 0 : index
    %get3A_838 = vector.load %arg0[%get3A_836, %get3A_837] : memref<10240x128xf32, #tpu.memory_space<vmem>>, vector<1x128xf32>
    %swap3A_839 = arith.constant 33 : index
    %swap3A_840 = arith.constant 0 : index
    %swap3A_841 = vector.load %arg6[%swap3A_839, %swap3A_840] : memref<64x128xf32, #tpu.memory_space<vmem>>, vector<1x128xf32>
    tpu.vector_store %arg6[%swap3A_839, %swap3A_840], %get3A_838 {strides = array<i32>} : memref<64x128xf32, #tpu.memory_space<vmem>>, vector<1x128xf32>,
    %get3A_842 = arith.constant 0 : index
    %get3A_843 = arith.constant 0 : index
    %get3A_844 = vector.load %arg1[%get3A_842, %get3A_843] : memref<80x128xi32, #tpu.memory_space<vmem>>, vector<80x128xi32>
    %lt3A_845 = arith.constant 34 : i32
    %lt3A_846 = vector.broadcast %lt3A_845 : i32 to vector<80x128xi32>
    %lt3A_847 = arith.cmpi slt, %get3A_844, %lt3A_846 : vector<80x128xi32>
    %jit3A_848 = arith.constant 1 : i32
    %jit3A_849 = arith.constant 0 : i32
    %broadcast_in_dim3A_850 = vector.broadcast %jit3A_848 : i32 to vector<80x128xi32>
    %broadcast_in_dim3A_851 = vector.broadcast %jit3A_849 : i32 to vector<80x128xi32>
    %select_n3A_852 = arith.select %lt3A_847, %broadcast_in_dim3A_850, %broadcast_in_dim3A_851 : vector<80x128xi1>, vector<80x128xi32>
    %reduce_sum3A_853 = vector.shape_cast %select_n3A_852 : vector<80x128xi32> to vector<1x80x128xi32>
    %reduce_sum3A_854 = arith.constant dense<0> : vector<1xi32>
    %reduce_sum3A_855 = vector.multi_reduction <add>, %reduce_sum3A_853, %reduce_sum3A_854 [1, 2] : vector<1x80x128xi32> to vector<1xi32>
    %reduce_sum3A_856 = vector.shape_cast %reduce_sum3A_855 : vector<1xi32> to vector<1x1x1xi32>
    %reduce_sum3A_857 = vector.extract %reduce_sum3A_856[0, 0, 0] : i32 from vector<1x1x1xi32>
    %get3A_858 = arith.constant 34 : index
    %get3A_859 = memref.load %arg2[%get3A_858] : memref<64xi32, #tpu.memory_space<smem>>
    %add3A_860 = arith.addi %get3A_859, %reduce_sum3A_857 : i32
    %get3A_861 = arith.index_cast %add3A_860 : i32 to index
    %get3A_862 = arith.constant 0 : index
    %get3A_863 = vector.load %arg0[%get3A_861, %get3A_862] : memref<10240x128xf32, #tpu.memory_space<vmem>>, vector<1x128xf32>
    %swap3A_864 = arith.constant 34 : index
    %swap3A_865 = arith.constant 0 : index
    %swap3A_866 = vector.load %arg6[%swap3A_864, %swap3A_865] : memref<64x128xf32, #tpu.memory_space<vmem>>, vector<1x128xf32>
    tpu.vector_store %arg6[%swap3A_864, %swap3A_865], %get3A_863 {strides = array<i32>} : memref<64x128xf32, #tpu.memory_space<vmem>>, vector<1x128xf32>,
    %get3A_867 = arith.constant 0 : index
    %get3A_868 = arith.constant 0 : index
    %get3A_869 = vector.load %arg1[%get3A_867, %get3A_868] : memref<80x128xi32, #tpu.memory_space<vmem>>, vector<80x128xi32>
    %lt3A_870 = arith.constant 35 : i32
    %lt3A_871 = vector.broadcast %lt3A_870 : i32 to vector<80x128xi32>
    %lt3A_872 = arith.cmpi slt, %get3A_869, %lt3A_871 : vector<80x128xi32>
    %jit3A_873 = arith.constant 1 : i32
    %jit3A_874 = arith.constant 0 : i32
    %broadcast_in_dim3A_875 = vector.broadcast %jit3A_873 : i32 to vector<80x128xi32>
    %broadcast_in_dim3A_876 = vector.broadcast %jit3A_874 : i32 to vector<80x128xi32>
    %select_n3A_877 = arith.select %lt3A_872, %broadcast_in_dim3A_875, %broadcast_in_dim3A_876 : vector<80x128xi1>, vector<80x128xi32>
    %reduce_sum3A_878 = vector.shape_cast %select_n3A_877 : vector<80x128xi32> to vector<1x80x128xi32>
    %reduce_sum3A_879 = arith.constant dense<0> : vector<1xi32>
    %reduce_sum3A_880 = vector.multi_reduction <add>, %reduce_sum3A_878, %reduce_sum3A_879 [1, 2] : vector<1x80x128xi32> to vector<1xi32>
    %reduce_sum3A_881 = vector.shape_cast %reduce_sum3A_880 : vector<1xi32> to vector<1x1x1xi32>
    %reduce_sum3A_882 = vector.extract %reduce_sum3A_881[0, 0, 0] : i32 from vector<1x1x1xi32>
    %get3A_883 = arith.constant 35 : index
    %get3A_884 = memref.load %arg2[%get3A_883] : memref<64xi32, #tpu.memory_space<smem>>
    %add3A_885 = arith.addi %get3A_884, %reduce_sum3A_882 : i32
    %get3A_886 = arith.index_cast %add3A_885 : i32 to index
    %get3A_887 = arith.constant 0 : index
    %get3A_888 = vector.load %arg0[%get3A_886, %get3A_887] : memref<10240x128xf32, #tpu.memory_space<vmem>>, vector<1x128xf32>
    %swap3A_889 = arith.constant 35 : index
    %swap3A_890 = arith.constant 0 : index
    %swap3A_891 = vector.load %arg6[%swap3A_889, %swap3A_890] : memref<64x128xf32, #tpu.memory_space<vmem>>, vector<1x128xf32>
    tpu.vector_store %arg6[%swap3A_889, %swap3A_890], %get3A_888 {strides = array<i32>} : memref<64x128xf32, #tpu.memory_space<vmem>>, vector<1x128xf32>,
    %get3A_892 = arith.constant 0 : index
    %get3A_893 = arith.constant 0 : index
    %get3A_894 = vector.load %arg1[%get3A_892, %get3A_893] : memref<80x128xi32, #tpu.memory_space<vmem>>, vector<80x128xi32>
    %lt3A_895 = arith.constant 36 : i32
    %lt3A_896 = vector.broadcast %lt3A_895 : i32 to vector<80x128xi32>
    %lt3A_897 = arith.cmpi slt, %get3A_894, %lt3A_896 : vector<80x128xi32>
    %jit3A_898 = arith.constant 1 : i32
    %jit3A_899 = arith.constant 0 : i32
    %broadcast_in_dim3A_900 = vector.broadcast %jit3A_898 : i32 to vector<80x128xi32>
    %broadcast_in_dim3A_901 = vector.broadcast %jit3A_899 : i32 to vector<80x128xi32>
    %select_n3A_902 = arith.select %lt3A_897, %broadcast_in_dim3A_900, %broadcast_in_dim3A_901 : vector<80x128xi1>, vector<80x128xi32>
    %reduce_sum3A_903 = vector.shape_cast %select_n3A_902 : vector<80x128xi32> to vector<1x80x128xi32>
    %reduce_sum3A_904 = arith.constant dense<0> : vector<1xi32>
    %reduce_sum3A_905 = vector.multi_reduction <add>, %reduce_sum3A_903, %reduce_sum3A_904 [1, 2] : vector<1x80x128xi32> to vector<1xi32>
    %reduce_sum3A_906 = vector.shape_cast %reduce_sum3A_905 : vector<1xi32> to vector<1x1x1xi32>
    %reduce_sum3A_907 = vector.extract %reduce_sum3A_906[0, 0, 0] : i32 from vector<1x1x1xi32>
    %get3A_908 = arith.constant 36 : index
    %get3A_909 = memref.load %arg2[%get3A_908] : memref<64xi32, #tpu.memory_space<smem>>
    %add3A_910 = arith.addi %get3A_909, %reduce_sum3A_907 : i32
    %get3A_911 = arith.index_cast %add3A_910 : i32 to index
    %get3A_912 = arith.constant 0 : index
    %get3A_913 = vector.load %arg0[%get3A_911, %get3A_912] : memref<10240x128xf32, #tpu.memory_space<vmem>>, vector<1x128xf32>
    %swap3A_914 = arith.constant 36 : index
    %swap3A_915 = arith.constant 0 : index
    %swap3A_916 = vector.load %arg6[%swap3A_914, %swap3A_915] : memref<64x128xf32, #tpu.memory_space<vmem>>, vector<1x128xf32>
    tpu.vector_store %arg6[%swap3A_914, %swap3A_915], %get3A_913 {strides = array<i32>} : memref<64x128xf32, #tpu.memory_space<vmem>>, vector<1x128xf32>,
    %get3A_917 = arith.constant 0 : index
    %get3A_918 = arith.constant 0 : index
    %get3A_919 = vector.load %arg1[%get3A_917, %get3A_918] : memref<80x128xi32, #tpu.memory_space<vmem>>, vector<80x128xi32>
    %lt3A_920 = arith.constant 37 : i32
    %lt3A_921 = vector.broadcast %lt3A_920 : i32 to vector<80x128xi32>
    %lt3A_922 = arith.cmpi slt, %get3A_919, %lt3A_921 : vector<80x128xi32>
    %jit3A_923 = arith.constant 1 : i32
    %jit3A_924 = arith.constant 0 : i32
    %broadcast_in_dim3A_925 = vector.broadcast %jit3A_923 : i32 to vector<80x128xi32>
    %broadcast_in_dim3A_926 = vector.broadcast %jit3A_924 : i32 to vector<80x128xi32>
    %select_n3A_927 = arith.select %lt3A_922, %broadcast_in_dim3A_925, %broadcast_in_dim3A_926 : vector<80x128xi1>, vector<80x128xi32>
    %reduce_sum3A_928 = vector.shape_cast %select_n3A_927 : vector<80x128xi32> to vector<1x80x128xi32>
    %reduce_sum3A_929 = arith.constant dense<0> : vector<1xi32>
    %reduce_sum3A_930 = vector.multi_reduction <add>, %reduce_sum3A_928, %reduce_sum3A_929 [1, 2] : vector<1x80x128xi32> to vector<1xi32>
    %reduce_sum3A_931 = vector.shape_cast %reduce_sum3A_930 : vector<1xi32> to vector<1x1x1xi32>
    %reduce_sum3A_932 = vector.extract %reduce_sum3A_931[0, 0, 0] : i32 from vector<1x1x1xi32>
    %get3A_933 = arith.constant 37 : index
    %get3A_934 = memref.load %arg2[%get3A_933] : memref<64xi32, #tpu.memory_space<smem>>
    %add3A_935 = arith.addi %get3A_934, %reduce_sum3A_932 : i32
    %get3A_936 = arith.index_cast %add3A_935 : i32 to index
    %get3A_937 = arith.constant 0 : index
    %get3A_938 = vector.load %arg0[%get3A_936, %get3A_937] : memref<10240x128xf32, #tpu.memory_space<vmem>>, vector<1x128xf32>
    %swap3A_939 = arith.constant 37 : index
    %swap3A_940 = arith.constant 0 : index
    %swap3A_941 = vector.load %arg6[%swap3A_939, %swap3A_940] : memref<64x128xf32, #tpu.memory_space<vmem>>, vector<1x128xf32>
    tpu.vector_store %arg6[%swap3A_939, %swap3A_940], %get3A_938 {strides = array<i32>} : memref<64x128xf32, #tpu.memory_space<vmem>>, vector<1x128xf32>,
    %get3A_942 = arith.constant 0 : index
    %get3A_943 = arith.constant 0 : index
    %get3A_944 = vector.load %arg1[%get3A_942, %get3A_943] : memref<80x128xi32, #tpu.memory_space<vmem>>, vector<80x128xi32>
    %lt3A_945 = arith.constant 38 : i32
    %lt3A_946 = vector.broadcast %lt3A_945 : i32 to vector<80x128xi32>
    %lt3A_947 = arith.cmpi slt, %get3A_944, %lt3A_946 : vector<80x128xi32>
    %jit3A_948 = arith.constant 1 : i32
    %jit3A_949 = arith.constant 0 : i32
    %broadcast_in_dim3A_950 = vector.broadcast %jit3A_948 : i32 to vector<80x128xi32>
    %broadcast_in_dim3A_951 = vector.broadcast %jit3A_949 : i32 to vector<80x128xi32>
    %select_n3A_952 = arith.select %lt3A_947, %broadcast_in_dim3A_950, %broadcast_in_dim3A_951 : vector<80x128xi1>, vector<80x128xi32>
    %reduce_sum3A_953 = vector.shape_cast %select_n3A_952 : vector<80x128xi32> to vector<1x80x128xi32>
    %reduce_sum3A_954 = arith.constant dense<0> : vector<1xi32>
    %reduce_sum3A_955 = vector.multi_reduction <add>, %reduce_sum3A_953, %reduce_sum3A_954 [1, 2] : vector<1x80x128xi32> to vector<1xi32>
    %reduce_sum3A_956 = vector.shape_cast %reduce_sum3A_955 : vector<1xi32> to vector<1x1x1xi32>
    %reduce_sum3A_957 = vector.extract %reduce_sum3A_956[0, 0, 0] : i32 from vector<1x1x1xi32>
    %get3A_958 = arith.constant 38 : index
    %get3A_959 = memref.load %arg2[%get3A_958] : memref<64xi32, #tpu.memory_space<smem>>
    %add3A_960 = arith.addi %get3A_959, %reduce_sum3A_957 : i32
    %get3A_961 = arith.index_cast %add3A_960 : i32 to index
    %get3A_962 = arith.constant 0 : index
    %get3A_963 = vector.load %arg0[%get3A_961, %get3A_962] : memref<10240x128xf32, #tpu.memory_space<vmem>>, vector<1x128xf32>
    %swap3A_964 = arith.constant 38 : index
    %swap3A_965 = arith.constant 0 : index
    %swap3A_966 = vector.load %arg6[%swap3A_964, %swap3A_965] : memref<64x128xf32, #tpu.memory_space<vmem>>, vector<1x128xf32>
    tpu.vector_store %arg6[%swap3A_964, %swap3A_965], %get3A_963 {strides = array<i32>} : memref<64x128xf32, #tpu.memory_space<vmem>>, vector<1x128xf32>,
    %get3A_967 = arith.constant 0 : index
    %get3A_968 = arith.constant 0 : index
    %get3A_969 = vector.load %arg1[%get3A_967, %get3A_968] : memref<80x128xi32, #tpu.memory_space<vmem>>, vector<80x128xi32>
    %lt3A_970 = arith.constant 39 : i32
    %lt3A_971 = vector.broadcast %lt3A_970 : i32 to vector<80x128xi32>
    %lt3A_972 = arith.cmpi slt, %get3A_969, %lt3A_971 : vector<80x128xi32>
    %jit3A_973 = arith.constant 1 : i32
    %jit3A_974 = arith.constant 0 : i32
    %broadcast_in_dim3A_975 = vector.broadcast %jit3A_973 : i32 to vector<80x128xi32>
    %broadcast_in_dim3A_976 = vector.broadcast %jit3A_974 : i32 to vector<80x128xi32>
    %select_n3A_977 = arith.select %lt3A_972, %broadcast_in_dim3A_975, %broadcast_in_dim3A_976 : vector<80x128xi1>, vector<80x128xi32>
    %reduce_sum3A_978 = vector.shape_cast %select_n3A_977 : vector<80x128xi32> to vector<1x80x128xi32>
    %reduce_sum3A_979 = arith.constant dense<0> : vector<1xi32>
    %reduce_sum3A_980 = vector.multi_reduction <add>, %reduce_sum3A_978, %reduce_sum3A_979 [1, 2] : vector<1x80x128xi32> to vector<1xi32>
    %reduce_sum3A_981 = vector.shape_cast %reduce_sum3A_980 : vector<1xi32> to vector<1x1x1xi32>
    %reduce_sum3A_982 = vector.extract %reduce_sum3A_981[0, 0, 0] : i32 from vector<1x1x1xi32>
    %get3A_983 = arith.constant 39 : index
    %get3A_984 = memref.load %arg2[%get3A_983] : memref<64xi32, #tpu.memory_space<smem>>
    %add3A_985 = arith.addi %get3A_984, %reduce_sum3A_982 : i32
    %get3A_986 = arith.index_cast %add3A_985 : i32 to index
    %get3A_987 = arith.constant 0 : index
    %get3A_988 = vector.load %arg0[%get3A_986, %get3A_987] : memref<10240x128xf32, #tpu.memory_space<vmem>>, vector<1x128xf32>
    %swap3A_989 = arith.constant 39 : index
    %swap3A_990 = arith.constant 0 : index
    %swap3A_991 = vector.load %arg6[%swap3A_989, %swap3A_990] : memref<64x128xf32, #tpu.memory_space<vmem>>, vector<1x128xf32>
    tpu.vector_store %arg6[%swap3A_989, %swap3A_990], %get3A_988 {strides = array<i32>} : memref<64x128xf32, #tpu.memory_space<vmem>>, vector<1x128xf32>,
    %get3A_992 = arith.constant 0 : index
    %get3A_993 = arith.constant 0 : index
    %get3A_994 = vector.load %arg1[%get3A_992, %get3A_993] : memref<80x128xi32, #tpu.memory_space<vmem>>, vector<80x128xi32>
    %lt3A_995 = arith.constant 40 : i32
    %lt3A_996 = vector.broadcast %lt3A_995 : i32 to vector<80x128xi32>
    %lt3A_997 = arith.cmpi slt, %get3A_994, %lt3A_996 : vector<80x128xi32>
    %jit3A_998 = arith.constant 1 : i32
    %jit3A_999 = arith.constant 0 : i32
    %broadcast_in_dim3A_1000 = vector.broadcast %jit3A_998 : i32 to vector<80x128xi32>
    %broadcast_in_dim3A_1001 = vector.broadcast %jit3A_999 : i32 to vector<80x128xi32>
    %select_n3A_1002 = arith.select %lt3A_997, %broadcast_in_dim3A_1000, %broadcast_in_dim3A_1001 : vector<80x128xi1>, vector<80x128xi32>
    %reduce_sum3A_1003 = vector.shape_cast %select_n3A_1002 : vector<80x128xi32> to vector<1x80x128xi32>
    %reduce_sum3A_1004 = arith.constant dense<0> : vector<1xi32>
    %reduce_sum3A_1005 = vector.multi_reduction <add>, %reduce_sum3A_1003, %reduce_sum3A_1004 [1, 2] : vector<1x80x128xi32> to vector<1xi32>
    %reduce_sum3A_1006 = vector.shape_cast %reduce_sum3A_1005 : vector<1xi32> to vector<1x1x1xi32>
    %reduce_sum3A_1007 = vector.extract %reduce_sum3A_1006[0, 0, 0] : i32 from vector<1x1x1xi32>
    %get3A_1008 = arith.constant 40 : index
    %get3A_1009 = memref.load %arg2[%get3A_1008] : memref<64xi32, #tpu.memory_space<smem>>
    %add3A_1010 = arith.addi %get3A_1009, %reduce_sum3A_1007 : i32
    %get3A_1011 = arith.index_cast %add3A_1010 : i32 to index
    %get3A_1012 = arith.constant 0 : index
    %get3A_1013 = vector.load %arg0[%get3A_1011, %get3A_1012] : memref<10240x128xf32, #tpu.memory_space<vmem>>, vector<1x128xf32>
    %swap3A_1014 = arith.constant 40 : index
    %swap3A_1015 = arith.constant 0 : index
    %swap3A_1016 = vector.load %arg6[%swap3A_1014, %swap3A_1015] : memref<64x128xf32, #tpu.memory_space<vmem>>, vector<1x128xf32>
    tpu.vector_store %arg6[%swap3A_1014, %swap3A_1015], %get3A_1013 {strides = array<i32>} : memref<64x128xf32, #tpu.memory_space<vmem>>, vector<1x128xf32>,
    %get3A_1017 = arith.constant 0 : index
    %get3A_1018 = arith.constant 0 : index
    %get3A_1019 = vector.load %arg1[%get3A_1017, %get3A_1018] : memref<80x128xi32, #tpu.memory_space<vmem>>, vector<80x128xi32>
    %lt3A_1020 = arith.constant 41 : i32
    %lt3A_1021 = vector.broadcast %lt3A_1020 : i32 to vector<80x128xi32>
    %lt3A_1022 = arith.cmpi slt, %get3A_1019, %lt3A_1021 : vector<80x128xi32>
    %jit3A_1023 = arith.constant 1 : i32
    %jit3A_1024 = arith.constant 0 : i32
    %broadcast_in_dim3A_1025 = vector.broadcast %jit3A_1023 : i32 to vector<80x128xi32>
    %broadcast_in_dim3A_1026 = vector.broadcast %jit3A_1024 : i32 to vector<80x128xi32>
    %select_n3A_1027 = arith.select %lt3A_1022, %broadcast_in_dim3A_1025, %broadcast_in_dim3A_1026 : vector<80x128xi1>, vector<80x128xi32>
    %reduce_sum3A_1028 = vector.shape_cast %select_n3A_1027 : vector<80x128xi32> to vector<1x80x128xi32>
    %reduce_sum3A_1029 = arith.constant dense<0> : vector<1xi32>
    %reduce_sum3A_1030 = vector.multi_reduction <add>, %reduce_sum3A_1028, %reduce_sum3A_1029 [1, 2] : vector<1x80x128xi32> to vector<1xi32>
    %reduce_sum3A_1031 = vector.shape_cast %reduce_sum3A_1030 : vector<1xi32> to vector<1x1x1xi32>
    %reduce_sum3A_1032 = vector.extract %reduce_sum3A_1031[0, 0, 0] : i32 from vector<1x1x1xi32>
    %get3A_1033 = arith.constant 41 : index
    %get3A_1034 = memref.load %arg2[%get3A_1033] : memref<64xi32, #tpu.memory_space<smem>>
    %add3A_1035 = arith.addi %get3A_1034, %reduce_sum3A_1032 : i32
    %get3A_1036 = arith.index_cast %add3A_1035 : i32 to index
    %get3A_1037 = arith.constant 0 : index
    %get3A_1038 = vector.load %arg0[%get3A_1036, %get3A_1037] : memref<10240x128xf32, #tpu.memory_space<vmem>>, vector<1x128xf32>
    %swap3A_1039 = arith.constant 41 : index
    %swap3A_1040 = arith.constant 0 : index
    %swap3A_1041 = vector.load %arg6[%swap3A_1039, %swap3A_1040] : memref<64x128xf32, #tpu.memory_space<vmem>>, vector<1x128xf32>
    tpu.vector_store %arg6[%swap3A_1039, %swap3A_1040], %get3A_1038 {strides = array<i32>} : memref<64x128xf32, #tpu.memory_space<vmem>>, vector<1x128xf32>,
    %get3A_1042 = arith.constant 0 : index
    %get3A_1043 = arith.constant 0 : index
    %get3A_1044 = vector.load %arg1[%get3A_1042, %get3A_1043] : memref<80x128xi32, #tpu.memory_space<vmem>>, vector<80x128xi32>
    %lt3A_1045 = arith.constant 42 : i32
    %lt3A_1046 = vector.broadcast %lt3A_1045 : i32 to vector<80x128xi32>
    %lt3A_1047 = arith.cmpi slt, %get3A_1044, %lt3A_1046 : vector<80x128xi32>
    %jit3A_1048 = arith.constant 1 : i32
    %jit3A_1049 = arith.constant 0 : i32
    %broadcast_in_dim3A_1050 = vector.broadcast %jit3A_1048 : i32 to vector<80x128xi32>
    %broadcast_in_dim3A_1051 = vector.broadcast %jit3A_1049 : i32 to vector<80x128xi32>
    %select_n3A_1052 = arith.select %lt3A_1047, %broadcast_in_dim3A_1050, %broadcast_in_dim3A_1051 : vector<80x128xi1>, vector<80x128xi32>
    %reduce_sum3A_1053 = vector.shape_cast %select_n3A_1052 : vector<80x128xi32> to vector<1x80x128xi32>
    %reduce_sum3A_1054 = arith.constant dense<0> : vector<1xi32>
    %reduce_sum3A_1055 = vector.multi_reduction <add>, %reduce_sum3A_1053, %reduce_sum3A_1054 [1, 2] : vector<1x80x128xi32> to vector<1xi32>
    %reduce_sum3A_1056 = vector.shape_cast %reduce_sum3A_1055 : vector<1xi32> to vector<1x1x1xi32>
    %reduce_sum3A_1057 = vector.extract %reduce_sum3A_1056[0, 0, 0] : i32 from vector<1x1x1xi32>
    %get3A_1058 = arith.constant 42 : index
    %get3A_1059 = memref.load %arg2[%get3A_1058] : memref<64xi32, #tpu.memory_space<smem>>
    %add3A_1060 = arith.addi %get3A_1059, %reduce_sum3A_1057 : i32
    %get3A_1061 = arith.index_cast %add3A_1060 : i32 to index
    %get3A_1062 = arith.constant 0 : index
    %get3A_1063 = vector.load %arg0[%get3A_1061, %get3A_1062] : memref<10240x128xf32, #tpu.memory_space<vmem>>, vector<1x128xf32>
    %swap3A_1064 = arith.constant 42 : index
    %swap3A_1065 = arith.constant 0 : index
    %swap3A_1066 = vector.load %arg6[%swap3A_1064, %swap3A_1065] : memref<64x128xf32, #tpu.memory_space<vmem>>, vector<1x128xf32>
    tpu.vector_store %arg6[%swap3A_1064, %swap3A_1065], %get3A_1063 {strides = array<i32>} : memref<64x128xf32, #tpu.memory_space<vmem>>, vector<1x128xf32>,
    %get3A_1067 = arith.constant 0 : index
    %get3A_1068 = arith.constant 0 : index
    %get3A_1069 = vector.load %arg1[%get3A_1067, %get3A_1068] : memref<80x128xi32, #tpu.memory_space<vmem>>, vector<80x128xi32>
    %lt3A_1070 = arith.constant 43 : i32
    %lt3A_1071 = vector.broadcast %lt3A_1070 : i32 to vector<80x128xi32>
    %lt3A_1072 = arith.cmpi slt, %get3A_1069, %lt3A_1071 : vector<80x128xi32>
    %jit3A_1073 = arith.constant 1 : i32
    %jit3A_1074 = arith.constant 0 : i32
    %broadcast_in_dim3A_1075 = vector.broadcast %jit3A_1073 : i32 to vector<80x128xi32>
    %broadcast_in_dim3A_1076 = vector.broadcast %jit3A_1074 : i32 to vector<80x128xi32>
    %select_n3A_1077 = arith.select %lt3A_1072, %broadcast_in_dim3A_1075, %broadcast_in_dim3A_1076 : vector<80x128xi1>, vector<80x128xi32>
    %reduce_sum3A_1078 = vector.shape_cast %select_n3A_1077 : vector<80x128xi32> to vector<1x80x128xi32>
    %reduce_sum3A_1079 = arith.constant dense<0> : vector<1xi32>
    %reduce_sum3A_1080 = vector.multi_reduction <add>, %reduce_sum3A_1078, %reduce_sum3A_1079 [1, 2] : vector<1x80x128xi32> to vector<1xi32>
    %reduce_sum3A_1081 = vector.shape_cast %reduce_sum3A_1080 : vector<1xi32> to vector<1x1x1xi32>
    %reduce_sum3A_1082 = vector.extract %reduce_sum3A_1081[0, 0, 0] : i32 from vector<1x1x1xi32>
    %get3A_1083 = arith.constant 43 : index
    %get3A_1084 = memref.load %arg2[%get3A_1083] : memref<64xi32, #tpu.memory_space<smem>>
    %add3A_1085 = arith.addi %get3A_1084, %reduce_sum3A_1082 : i32
    %get3A_1086 = arith.index_cast %add3A_1085 : i32 to index
    %get3A_1087 = arith.constant 0 : index
    %get3A_1088 = vector.load %arg0[%get3A_1086, %get3A_1087] : memref<10240x128xf32, #tpu.memory_space<vmem>>, vector<1x128xf32>
    %swap3A_1089 = arith.constant 43 : index
    %swap3A_1090 = arith.constant 0 : index
    %swap3A_1091 = vector.load %arg6[%swap3A_1089, %swap3A_1090] : memref<64x128xf32, #tpu.memory_space<vmem>>, vector<1x128xf32>
    tpu.vector_store %arg6[%swap3A_1089, %swap3A_1090], %get3A_1088 {strides = array<i32>} : memref<64x128xf32, #tpu.memory_space<vmem>>, vector<1x128xf32>,
    %get3A_1092 = arith.constant 0 : index
    %get3A_1093 = arith.constant 0 : index
    %get3A_1094 = vector.load %arg1[%get3A_1092, %get3A_1093] : memref<80x128xi32, #tpu.memory_space<vmem>>, vector<80x128xi32>
    %lt3A_1095 = arith.constant 44 : i32
    %lt3A_1096 = vector.broadcast %lt3A_1095 : i32 to vector<80x128xi32>
    %lt3A_1097 = arith.cmpi slt, %get3A_1094, %lt3A_1096 : vector<80x128xi32>
    %jit3A_1098 = arith.constant 1 : i32
    %jit3A_1099 = arith.constant 0 : i32
    %broadcast_in_dim3A_1100 = vector.broadcast %jit3A_1098 : i32 to vector<80x128xi32>
    %broadcast_in_dim3A_1101 = vector.broadcast %jit3A_1099 : i32 to vector<80x128xi32>
    %select_n3A_1102 = arith.select %lt3A_1097, %broadcast_in_dim3A_1100, %broadcast_in_dim3A_1101 : vector<80x128xi1>, vector<80x128xi32>
    %reduce_sum3A_1103 = vector.shape_cast %select_n3A_1102 : vector<80x128xi32> to vector<1x80x128xi32>
    %reduce_sum3A_1104 = arith.constant dense<0> : vector<1xi32>
    %reduce_sum3A_1105 = vector.multi_reduction <add>, %reduce_sum3A_1103, %reduce_sum3A_1104 [1, 2] : vector<1x80x128xi32> to vector<1xi32>
    %reduce_sum3A_1106 = vector.shape_cast %reduce_sum3A_1105 : vector<1xi32> to vector<1x1x1xi32>
    %reduce_sum3A_1107 = vector.extract %reduce_sum3A_1106[0, 0, 0] : i32 from vector<1x1x1xi32>
    %get3A_1108 = arith.constant 44 : index
    %get3A_1109 = memref.load %arg2[%get3A_1108] : memref<64xi32, #tpu.memory_space<smem>>
    %add3A_1110 = arith.addi %get3A_1109, %reduce_sum3A_1107 : i32
    %get3A_1111 = arith.index_cast %add3A_1110 : i32 to index
    %get3A_1112 = arith.constant 0 : index
    %get3A_1113 = vector.load %arg0[%get3A_1111, %get3A_1112] : memref<10240x128xf32, #tpu.memory_space<vmem>>, vector<1x128xf32>
    %swap3A_1114 = arith.constant 44 : index
    %swap3A_1115 = arith.constant 0 : index
    %swap3A_1116 = vector.load %arg6[%swap3A_1114, %swap3A_1115] : memref<64x128xf32, #tpu.memory_space<vmem>>, vector<1x128xf32>
    tpu.vector_store %arg6[%swap3A_1114, %swap3A_1115], %get3A_1113 {strides = array<i32>} : memref<64x128xf32, #tpu.memory_space<vmem>>, vector<1x128xf32>,
    %get3A_1117 = arith.constant 0 : index
    %get3A_1118 = arith.constant 0 : index
    %get3A_1119 = vector.load %arg1[%get3A_1117, %get3A_1118] : memref<80x128xi32, #tpu.memory_space<vmem>>, vector<80x128xi32>
    %lt3A_1120 = arith.constant 45 : i32
    %lt3A_1121 = vector.broadcast %lt3A_1120 : i32 to vector<80x128xi32>
    %lt3A_1122 = arith.cmpi slt, %get3A_1119, %lt3A_1121 : vector<80x128xi32>
    %jit3A_1123 = arith.constant 1 : i32
    %jit3A_1124 = arith.constant 0 : i32
    %broadcast_in_dim3A_1125 = vector.broadcast %jit3A_1123 : i32 to vector<80x128xi32>
    %broadcast_in_dim3A_1126 = vector.broadcast %jit3A_1124 : i32 to vector<80x128xi32>
    %select_n3A_1127 = arith.select %lt3A_1122, %broadcast_in_dim3A_1125, %broadcast_in_dim3A_1126 : vector<80x128xi1>, vector<80x128xi32>
    %reduce_sum3A_1128 = vector.shape_cast %select_n3A_1127 : vector<80x128xi32> to vector<1x80x128xi32>
    %reduce_sum3A_1129 = arith.constant dense<0> : vector<1xi32>
    %reduce_sum3A_1130 = vector.multi_reduction <add>, %reduce_sum3A_1128, %reduce_sum3A_1129 [1, 2] : vector<1x80x128xi32> to vector<1xi32>
    %reduce_sum3A_1131 = vector.shape_cast %reduce_sum3A_1130 : vector<1xi32> to vector<1x1x1xi32>
    %reduce_sum3A_1132 = vector.extract %reduce_sum3A_1131[0, 0, 0] : i32 from vector<1x1x1xi32>
    %get3A_1133 = arith.constant 45 : index
    %get3A_1134 = memref.load %arg2[%get3A_1133] : memref<64xi32, #tpu.memory_space<smem>>
    %add3A_1135 = arith.addi %get3A_1134, %reduce_sum3A_1132 : i32
    %get3A_1136 = arith.index_cast %add3A_1135 : i32 to index
    %get3A_1137 = arith.constant 0 : index
    %get3A_1138 = vector.load %arg0[%get3A_1136, %get3A_1137] : memref<10240x128xf32, #tpu.memory_space<vmem>>, vector<1x128xf32>
    %swap3A_1139 = arith.constant 45 : index
    %swap3A_1140 = arith.constant 0 : index
    %swap3A_1141 = vector.load %arg6[%swap3A_1139, %swap3A_1140] : memref<64x128xf32, #tpu.memory_space<vmem>>, vector<1x128xf32>
    tpu.vector_store %arg6[%swap3A_1139, %swap3A_1140], %get3A_1138 {strides = array<i32>} : memref<64x128xf32, #tpu.memory_space<vmem>>, vector<1x128xf32>,
    %get3A_1142 = arith.constant 0 : index
    %get3A_1143 = arith.constant 0 : index
    %get3A_1144 = vector.load %arg1[%get3A_1142, %get3A_1143] : memref<80x128xi32, #tpu.memory_space<vmem>>, vector<80x128xi32>
    %lt3A_1145 = arith.constant 46 : i32
    %lt3A_1146 = vector.broadcast %lt3A_1145 : i32 to vector<80x128xi32>
    %lt3A_1147 = arith.cmpi slt, %get3A_1144, %lt3A_1146 : vector<80x128xi32>
    %jit3A_1148 = arith.constant 1 : i32
    %jit3A_1149 = arith.constant 0 : i32
    %broadcast_in_dim3A_1150 = vector.broadcast %jit3A_1148 : i32 to vector<80x128xi32>
    %broadcast_in_dim3A_1151 = vector.broadcast %jit3A_1149 : i32 to vector<80x128xi32>
    %select_n3A_1152 = arith.select %lt3A_1147, %broadcast_in_dim3A_1150, %broadcast_in_dim3A_1151 : vector<80x128xi1>, vector<80x128xi32>
    %reduce_sum3A_1153 = vector.shape_cast %select_n3A_1152 : vector<80x128xi32> to vector<1x80x128xi32>
    %reduce_sum3A_1154 = arith.constant dense<0> : vector<1xi32>
    %reduce_sum3A_1155 = vector.multi_reduction <add>, %reduce_sum3A_1153, %reduce_sum3A_1154 [1, 2] : vector<1x80x128xi32> to vector<1xi32>
    %reduce_sum3A_1156 = vector.shape_cast %reduce_sum3A_1155 : vector<1xi32> to vector<1x1x1xi32>
    %reduce_sum3A_1157 = vector.extract %reduce_sum3A_1156[0, 0, 0] : i32 from vector<1x1x1xi32>
    %get3A_1158 = arith.constant 46 : index
    %get3A_1159 = memref.load %arg2[%get3A_1158] : memref<64xi32, #tpu.memory_space<smem>>
    %add3A_1160 = arith.addi %get3A_1159, %reduce_sum3A_1157 : i32
    %get3A_1161 = arith.index_cast %add3A_1160 : i32 to index
    %get3A_1162 = arith.constant 0 : index
    %get3A_1163 = vector.load %arg0[%get3A_1161, %get3A_1162] : memref<10240x128xf32, #tpu.memory_space<vmem>>, vector<1x128xf32>
    %swap3A_1164 = arith.constant 46 : index
    %swap3A_1165 = arith.constant 0 : index
    %swap3A_1166 = vector.load %arg6[%swap3A_1164, %swap3A_1165] : memref<64x128xf32, #tpu.memory_space<vmem>>, vector<1x128xf32>
    tpu.vector_store %arg6[%swap3A_1164, %swap3A_1165], %get3A_1163 {strides = array<i32>} : memref<64x128xf32, #tpu.memory_space<vmem>>, vector<1x128xf32>,
    %get3A_1167 = arith.constant 0 : index
    %get3A_1168 = arith.constant 0 : index
    %get3A_1169 = vector.load %arg1[%get3A_1167, %get3A_1168] : memref<80x128xi32, #tpu.memory_space<vmem>>, vector<80x128xi32>
    %lt3A_1170 = arith.constant 47 : i32
    %lt3A_1171 = vector.broadcast %lt3A_1170 : i32 to vector<80x128xi32>
    %lt3A_1172 = arith.cmpi slt, %get3A_1169, %lt3A_1171 : vector<80x128xi32>
    %jit3A_1173 = arith.constant 1 : i32
    %jit3A_1174 = arith.constant 0 : i32
    %broadcast_in_dim3A_1175 = vector.broadcast %jit3A_1173 : i32 to vector<80x128xi32>
    %broadcast_in_dim3A_1176 = vector.broadcast %jit3A_1174 : i32 to vector<80x128xi32>
    %select_n3A_1177 = arith.select %lt3A_1172, %broadcast_in_dim3A_1175, %broadcast_in_dim3A_1176 : vector<80x128xi1>, vector<80x128xi32>
    %reduce_sum3A_1178 = vector.shape_cast %select_n3A_1177 : vector<80x128xi32> to vector<1x80x128xi32>
    %reduce_sum3A_1179 = arith.constant dense<0> : vector<1xi32>
    %reduce_sum3A_1180 = vector.multi_reduction <add>, %reduce_sum3A_1178, %reduce_sum3A_1179 [1, 2] : vector<1x80x128xi32> to vector<1xi32>
    %reduce_sum3A_1181 = vector.shape_cast %reduce_sum3A_1180 : vector<1xi32> to vector<1x1x1xi32>
    %reduce_sum3A_1182 = vector.extract %reduce_sum3A_1181[0, 0, 0] : i32 from vector<1x1x1xi32>
    %get3A_1183 = arith.constant 47 : index
    %get3A_1184 = memref.load %arg2[%get3A_1183] : memref<64xi32, #tpu.memory_space<smem>>
    %add3A_1185 = arith.addi %get3A_1184, %reduce_sum3A_1182 : i32
    %get3A_1186 = arith.index_cast %add3A_1185 : i32 to index
    %get3A_1187 = arith.constant 0 : index
    %get3A_1188 = vector.load %arg0[%get3A_1186, %get3A_1187] : memref<10240x128xf32, #tpu.memory_space<vmem>>, vector<1x128xf32>
    %swap3A_1189 = arith.constant 47 : index
    %swap3A_1190 = arith.constant 0 : index
    %swap3A_1191 = vector.load %arg6[%swap3A_1189, %swap3A_1190] : memref<64x128xf32, #tpu.memory_space<vmem>>, vector<1x128xf32>
    tpu.vector_store %arg6[%swap3A_1189, %swap3A_1190], %get3A_1188 {strides = array<i32>} : memref<64x128xf32, #tpu.memory_space<vmem>>, vector<1x128xf32>,
    %get3A_1192 = arith.constant 0 : index
    %get3A_1193 = arith.constant 0 : index
    %get3A_1194 = vector.load %arg1[%get3A_1192, %get3A_1193] : memref<80x128xi32, #tpu.memory_space<vmem>>, vector<80x128xi32>
    %lt3A_1195 = arith.constant 48 : i32
    %lt3A_1196 = vector.broadcast %lt3A_1195 : i32 to vector<80x128xi32>
    %lt3A_1197 = arith.cmpi slt, %get3A_1194, %lt3A_1196 : vector<80x128xi32>
    %jit3A_1198 = arith.constant 1 : i32
    %jit3A_1199 = arith.constant 0 : i32
    %broadcast_in_dim3A_1200 = vector.broadcast %jit3A_1198 : i32 to vector<80x128xi32>
    %broadcast_in_dim3A_1201 = vector.broadcast %jit3A_1199 : i32 to vector<80x128xi32>
    %select_n3A_1202 = arith.select %lt3A_1197, %broadcast_in_dim3A_1200, %broadcast_in_dim3A_1201 : vector<80x128xi1>, vector<80x128xi32>
    %reduce_sum3A_1203 = vector.shape_cast %select_n3A_1202 : vector<80x128xi32> to vector<1x80x128xi32>
    %reduce_sum3A_1204 = arith.constant dense<0> : vector<1xi32>
    %reduce_sum3A_1205 = vector.multi_reduction <add>, %reduce_sum3A_1203, %reduce_sum3A_1204 [1, 2] : vector<1x80x128xi32> to vector<1xi32>
    %reduce_sum3A_1206 = vector.shape_cast %reduce_sum3A_1205 : vector<1xi32> to vector<1x1x1xi32>
    %reduce_sum3A_1207 = vector.extract %reduce_sum3A_1206[0, 0, 0] : i32 from vector<1x1x1xi32>
    %get3A_1208 = arith.constant 48 : index
    %get3A_1209 = memref.load %arg2[%get3A_1208] : memref<64xi32, #tpu.memory_space<smem>>
    %add3A_1210 = arith.addi %get3A_1209, %reduce_sum3A_1207 : i32
    %get3A_1211 = arith.index_cast %add3A_1210 : i32 to index
    %get3A_1212 = arith.constant 0 : index
    %get3A_1213 = vector.load %arg0[%get3A_1211, %get3A_1212] : memref<10240x128xf32, #tpu.memory_space<vmem>>, vector<1x128xf32>
    %swap3A_1214 = arith.constant 48 : index
    %swap3A_1215 = arith.constant 0 : index
    %swap3A_1216 = vector.load %arg6[%swap3A_1214, %swap3A_1215] : memref<64x128xf32, #tpu.memory_space<vmem>>, vector<1x128xf32>
    tpu.vector_store %arg6[%swap3A_1214, %swap3A_1215], %get3A_1213 {strides = array<i32>} : memref<64x128xf32, #tpu.memory_space<vmem>>, vector<1x128xf32>,
    %get3A_1217 = arith.constant 0 : index
    %get3A_1218 = arith.constant 0 : index
    %get3A_1219 = vector.load %arg1[%get3A_1217, %get3A_1218] : memref<80x128xi32, #tpu.memory_space<vmem>>, vector<80x128xi32>
    %lt3A_1220 = arith.constant 49 : i32
    %lt3A_1221 = vector.broadcast %lt3A_1220 : i32 to vector<80x128xi32>
    %lt3A_1222 = arith.cmpi slt, %get3A_1219, %lt3A_1221 : vector<80x128xi32>
    %jit3A_1223 = arith.constant 1 : i32
    %jit3A_1224 = arith.constant 0 : i32
    %broadcast_in_dim3A_1225 = vector.broadcast %jit3A_1223 : i32 to vector<80x128xi32>
    %broadcast_in_dim3A_1226 = vector.broadcast %jit3A_1224 : i32 to vector<80x128xi32>
    %select_n3A_1227 = arith.select %lt3A_1222, %broadcast_in_dim3A_1225, %broadcast_in_dim3A_1226 : vector<80x128xi1>, vector<80x128xi32>
    %reduce_sum3A_1228 = vector.shape_cast %select_n3A_1227 : vector<80x128xi32> to vector<1x80x128xi32>
    %reduce_sum3A_1229 = arith.constant dense<0> : vector<1xi32>
    %reduce_sum3A_1230 = vector.multi_reduction <add>, %reduce_sum3A_1228, %reduce_sum3A_1229 [1, 2] : vector<1x80x128xi32> to vector<1xi32>
    %reduce_sum3A_1231 = vector.shape_cast %reduce_sum3A_1230 : vector<1xi32> to vector<1x1x1xi32>
    %reduce_sum3A_1232 = vector.extract %reduce_sum3A_1231[0, 0, 0] : i32 from vector<1x1x1xi32>
    %get3A_1233 = arith.constant 49 : index
    %get3A_1234 = memref.load %arg2[%get3A_1233] : memref<64xi32, #tpu.memory_space<smem>>
    %add3A_1235 = arith.addi %get3A_1234, %reduce_sum3A_1232 : i32
    %get3A_1236 = arith.index_cast %add3A_1235 : i32 to index
    %get3A_1237 = arith.constant 0 : index
    %get3A_1238 = vector.load %arg0[%get3A_1236, %get3A_1237] : memref<10240x128xf32, #tpu.memory_space<vmem>>, vector<1x128xf32>
    %swap3A_1239 = arith.constant 49 : index
    %swap3A_1240 = arith.constant 0 : index
    %swap3A_1241 = vector.load %arg6[%swap3A_1239, %swap3A_1240] : memref<64x128xf32, #tpu.memory_space<vmem>>, vector<1x128xf32>
    tpu.vector_store %arg6[%swap3A_1239, %swap3A_1240], %get3A_1238 {strides = array<i32>} : memref<64x128xf32, #tpu.memory_space<vmem>>, vector<1x128xf32>,
    %get3A_1242 = arith.constant 0 : index
    %get3A_1243 = arith.constant 0 : index
    %get3A_1244 = vector.load %arg1[%get3A_1242, %get3A_1243] : memref<80x128xi32, #tpu.memory_space<vmem>>, vector<80x128xi32>
    %lt3A_1245 = arith.constant 50 : i32
    %lt3A_1246 = vector.broadcast %lt3A_1245 : i32 to vector<80x128xi32>
    %lt3A_1247 = arith.cmpi slt, %get3A_1244, %lt3A_1246 : vector<80x128xi32>
    %jit3A_1248 = arith.constant 1 : i32
    %jit3A_1249 = arith.constant 0 : i32
    %broadcast_in_dim3A_1250 = vector.broadcast %jit3A_1248 : i32 to vector<80x128xi32>
    %broadcast_in_dim3A_1251 = vector.broadcast %jit3A_1249 : i32 to vector<80x128xi32>
    %select_n3A_1252 = arith.select %lt3A_1247, %broadcast_in_dim3A_1250, %broadcast_in_dim3A_1251 : vector<80x128xi1>, vector<80x128xi32>
    %reduce_sum3A_1253 = vector.shape_cast %select_n3A_1252 : vector<80x128xi32> to vector<1x80x128xi32>
    %reduce_sum3A_1254 = arith.constant dense<0> : vector<1xi32>
    %reduce_sum3A_1255 = vector.multi_reduction <add>, %reduce_sum3A_1253, %reduce_sum3A_1254 [1, 2] : vector<1x80x128xi32> to vector<1xi32>
    %reduce_sum3A_1256 = vector.shape_cast %reduce_sum3A_1255 : vector<1xi32> to vector<1x1x1xi32>
    %reduce_sum3A_1257 = vector.extract %reduce_sum3A_1256[0, 0, 0] : i32 from vector<1x1x1xi32>
    %get3A_1258 = arith.constant 50 : index
    %get3A_1259 = memref.load %arg2[%get3A_1258] : memref<64xi32, #tpu.memory_space<smem>>
    %add3A_1260 = arith.addi %get3A_1259, %reduce_sum3A_1257 : i32
    %get3A_1261 = arith.index_cast %add3A_1260 : i32 to index
    %get3A_1262 = arith.constant 0 : index
    %get3A_1263 = vector.load %arg0[%get3A_1261, %get3A_1262] : memref<10240x128xf32, #tpu.memory_space<vmem>>, vector<1x128xf32>
    %swap3A_1264 = arith.constant 50 : index
    %swap3A_1265 = arith.constant 0 : index
    %swap3A_1266 = vector.load %arg6[%swap3A_1264, %swap3A_1265] : memref<64x128xf32, #tpu.memory_space<vmem>>, vector<1x128xf32>
    tpu.vector_store %arg6[%swap3A_1264, %swap3A_1265], %get3A_1263 {strides = array<i32>} : memref<64x128xf32, #tpu.memory_space<vmem>>, vector<1x128xf32>,
    %get3A_1267 = arith.constant 0 : index
    %get3A_1268 = arith.constant 0 : index
    %get3A_1269 = vector.load %arg1[%get3A_1267, %get3A_1268] : memref<80x128xi32, #tpu.memory_space<vmem>>, vector<80x128xi32>
    %lt3A_1270 = arith.constant 51 : i32
    %lt3A_1271 = vector.broadcast %lt3A_1270 : i32 to vector<80x128xi32>
    %lt3A_1272 = arith.cmpi slt, %get3A_1269, %lt3A_1271 : vector<80x128xi32>
    %jit3A_1273 = arith.constant 1 : i32
    %jit3A_1274 = arith.constant 0 : i32
    %broadcast_in_dim3A_1275 = vector.broadcast %jit3A_1273 : i32 to vector<80x128xi32>
    %broadcast_in_dim3A_1276 = vector.broadcast %jit3A_1274 : i32 to vector<80x128xi32>
    %select_n3A_1277 = arith.select %lt3A_1272, %broadcast_in_dim3A_1275, %broadcast_in_dim3A_1276 : vector<80x128xi1>, vector<80x128xi32>
    %reduce_sum3A_1278 = vector.shape_cast %select_n3A_1277 : vector<80x128xi32> to vector<1x80x128xi32>
    %reduce_sum3A_1279 = arith.constant dense<0> : vector<1xi32>
    %reduce_sum3A_1280 = vector.multi_reduction <add>, %reduce_sum3A_1278, %reduce_sum3A_1279 [1, 2] : vector<1x80x128xi32> to vector<1xi32>
    %reduce_sum3A_1281 = vector.shape_cast %reduce_sum3A_1280 : vector<1xi32> to vector<1x1x1xi32>
    %reduce_sum3A_1282 = vector.extract %reduce_sum3A_1281[0, 0, 0] : i32 from vector<1x1x1xi32>
    %get3A_1283 = arith.constant 51 : index
    %get3A_1284 = memref.load %arg2[%get3A_1283] : memref<64xi32, #tpu.memory_space<smem>>
    %add3A_1285 = arith.addi %get3A_1284, %reduce_sum3A_1282 : i32
    %get3A_1286 = arith.index_cast %add3A_1285 : i32 to index
    %get3A_1287 = arith.constant 0 : index
    %get3A_1288 = vector.load %arg0[%get3A_1286, %get3A_1287] : memref<10240x128xf32, #tpu.memory_space<vmem>>, vector<1x128xf32>
    %swap3A_1289 = arith.constant 51 : index
    %swap3A_1290 = arith.constant 0 : index
    %swap3A_1291 = vector.load %arg6[%swap3A_1289, %swap3A_1290] : memref<64x128xf32, #tpu.memory_space<vmem>>, vector<1x128xf32>
    tpu.vector_store %arg6[%swap3A_1289, %swap3A_1290], %get3A_1288 {strides = array<i32>} : memref<64x128xf32, #tpu.memory_space<vmem>>, vector<1x128xf32>,
    %get3A_1292 = arith.constant 0 : index
    %get3A_1293 = arith.constant 0 : index
    %get3A_1294 = vector.load %arg1[%get3A_1292, %get3A_1293] : memref<80x128xi32, #tpu.memory_space<vmem>>, vector<80x128xi32>
    %lt3A_1295 = arith.constant 52 : i32
    %lt3A_1296 = vector.broadcast %lt3A_1295 : i32 to vector<80x128xi32>
    %lt3A_1297 = arith.cmpi slt, %get3A_1294, %lt3A_1296 : vector<80x128xi32>
    %jit3A_1298 = arith.constant 1 : i32
    %jit3A_1299 = arith.constant 0 : i32
    %broadcast_in_dim3A_1300 = vector.broadcast %jit3A_1298 : i32 to vector<80x128xi32>
    %broadcast_in_dim3A_1301 = vector.broadcast %jit3A_1299 : i32 to vector<80x128xi32>
    %select_n3A_1302 = arith.select %lt3A_1297, %broadcast_in_dim3A_1300, %broadcast_in_dim3A_1301 : vector<80x128xi1>, vector<80x128xi32>
    %reduce_sum3A_1303 = vector.shape_cast %select_n3A_1302 : vector<80x128xi32> to vector<1x80x128xi32>
    %reduce_sum3A_1304 = arith.constant dense<0> : vector<1xi32>
    %reduce_sum3A_1305 = vector.multi_reduction <add>, %reduce_sum3A_1303, %reduce_sum3A_1304 [1, 2] : vector<1x80x128xi32> to vector<1xi32>
    %reduce_sum3A_1306 = vector.shape_cast %reduce_sum3A_1305 : vector<1xi32> to vector<1x1x1xi32>
    %reduce_sum3A_1307 = vector.extract %reduce_sum3A_1306[0, 0, 0] : i32 from vector<1x1x1xi32>
    %get3A_1308 = arith.constant 52 : index
    %get3A_1309 = memref.load %arg2[%get3A_1308] : memref<64xi32, #tpu.memory_space<smem>>
    %add3A_1310 = arith.addi %get3A_1309, %reduce_sum3A_1307 : i32
    %get3A_1311 = arith.index_cast %add3A_1310 : i32 to index
    %get3A_1312 = arith.constant 0 : index
    %get3A_1313 = vector.load %arg0[%get3A_1311, %get3A_1312] : memref<10240x128xf32, #tpu.memory_space<vmem>>, vector<1x128xf32>
    %swap3A_1314 = arith.constant 52 : index
    %swap3A_1315 = arith.constant 0 : index
    %swap3A_1316 = vector.load %arg6[%swap3A_1314, %swap3A_1315] : memref<64x128xf32, #tpu.memory_space<vmem>>, vector<1x128xf32>
    tpu.vector_store %arg6[%swap3A_1314, %swap3A_1315], %get3A_1313 {strides = array<i32>} : memref<64x128xf32, #tpu.memory_space<vmem>>, vector<1x128xf32>,
    %get3A_1317 = arith.constant 0 : index
    %get3A_1318 = arith.constant 0 : index
    %get3A_1319 = vector.load %arg1[%get3A_1317, %get3A_1318] : memref<80x128xi32, #tpu.memory_space<vmem>>, vector<80x128xi32>
    %lt3A_1320 = arith.constant 53 : i32
    %lt3A_1321 = vector.broadcast %lt3A_1320 : i32 to vector<80x128xi32>
    %lt3A_1322 = arith.cmpi slt, %get3A_1319, %lt3A_1321 : vector<80x128xi32>
    %jit3A_1323 = arith.constant 1 : i32
    %jit3A_1324 = arith.constant 0 : i32
    %broadcast_in_dim3A_1325 = vector.broadcast %jit3A_1323 : i32 to vector<80x128xi32>
    %broadcast_in_dim3A_1326 = vector.broadcast %jit3A_1324 : i32 to vector<80x128xi32>
    %select_n3A_1327 = arith.select %lt3A_1322, %broadcast_in_dim3A_1325, %broadcast_in_dim3A_1326 : vector<80x128xi1>, vector<80x128xi32>
    %reduce_sum3A_1328 = vector.shape_cast %select_n3A_1327 : vector<80x128xi32> to vector<1x80x128xi32>
    %reduce_sum3A_1329 = arith.constant dense<0> : vector<1xi32>
    %reduce_sum3A_1330 = vector.multi_reduction <add>, %reduce_sum3A_1328, %reduce_sum3A_1329 [1, 2] : vector<1x80x128xi32> to vector<1xi32>
    %reduce_sum3A_1331 = vector.shape_cast %reduce_sum3A_1330 : vector<1xi32> to vector<1x1x1xi32>
    %reduce_sum3A_1332 = vector.extract %reduce_sum3A_1331[0, 0, 0] : i32 from vector<1x1x1xi32>
    %get3A_1333 = arith.constant 53 : index
    %get3A_1334 = memref.load %arg2[%get3A_1333] : memref<64xi32, #tpu.memory_space<smem>>
    %add3A_1335 = arith.addi %get3A_1334, %reduce_sum3A_1332 : i32
    %get3A_1336 = arith.index_cast %add3A_1335 : i32 to index
    %get3A_1337 = arith.constant 0 : index
    %get3A_1338 = vector.load %arg0[%get3A_1336, %get3A_1337] : memref<10240x128xf32, #tpu.memory_space<vmem>>, vector<1x128xf32>
    %swap3A_1339 = arith.constant 53 : index
    %swap3A_1340 = arith.constant 0 : index
    %swap3A_1341 = vector.load %arg6[%swap3A_1339, %swap3A_1340] : memref<64x128xf32, #tpu.memory_space<vmem>>, vector<1x128xf32>
    tpu.vector_store %arg6[%swap3A_1339, %swap3A_1340], %get3A_1338 {strides = array<i32>} : memref<64x128xf32, #tpu.memory_space<vmem>>, vector<1x128xf32>,
    %get3A_1342 = arith.constant 0 : index
    %get3A_1343 = arith.constant 0 : index
    %get3A_1344 = vector.load %arg1[%get3A_1342, %get3A_1343] : memref<80x128xi32, #tpu.memory_space<vmem>>, vector<80x128xi32>
    %lt3A_1345 = arith.constant 54 : i32
    %lt3A_1346 = vector.broadcast %lt3A_1345 : i32 to vector<80x128xi32>
    %lt3A_1347 = arith.cmpi slt, %get3A_1344, %lt3A_1346 : vector<80x128xi32>
    %jit3A_1348 = arith.constant 1 : i32
    %jit3A_1349 = arith.constant 0 : i32
    %broadcast_in_dim3A_1350 = vector.broadcast %jit3A_1348 : i32 to vector<80x128xi32>
    %broadcast_in_dim3A_1351 = vector.broadcast %jit3A_1349 : i32 to vector<80x128xi32>
    %select_n3A_1352 = arith.select %lt3A_1347, %broadcast_in_dim3A_1350, %broadcast_in_dim3A_1351 : vector<80x128xi1>, vector<80x128xi32>
    %reduce_sum3A_1353 = vector.shape_cast %select_n3A_1352 : vector<80x128xi32> to vector<1x80x128xi32>
    %reduce_sum3A_1354 = arith.constant dense<0> : vector<1xi32>
    %reduce_sum3A_1355 = vector.multi_reduction <add>, %reduce_sum3A_1353, %reduce_sum3A_1354 [1, 2] : vector<1x80x128xi32> to vector<1xi32>
    %reduce_sum3A_1356 = vector.shape_cast %reduce_sum3A_1355 : vector<1xi32> to vector<1x1x1xi32>
    %reduce_sum3A_1357 = vector.extract %reduce_sum3A_1356[0, 0, 0] : i32 from vector<1x1x1xi32>
    %get3A_1358 = arith.constant 54 : index
    %get3A_1359 = memref.load %arg2[%get3A_1358] : memref<64xi32, #tpu.memory_space<smem>>
    %add3A_1360 = arith.addi %get3A_1359, %reduce_sum3A_1357 : i32
    %get3A_1361 = arith.index_cast %add3A_1360 : i32 to index
    %get3A_1362 = arith.constant 0 : index
    %get3A_1363 = vector.load %arg0[%get3A_1361, %get3A_1362] : memref<10240x128xf32, #tpu.memory_space<vmem>>, vector<1x128xf32>
    %swap3A_1364 = arith.constant 54 : index
    %swap3A_1365 = arith.constant 0 : index
    %swap3A_1366 = vector.load %arg6[%swap3A_1364, %swap3A_1365] : memref<64x128xf32, #tpu.memory_space<vmem>>, vector<1x128xf32>
    tpu.vector_store %arg6[%swap3A_1364, %swap3A_1365], %get3A_1363 {strides = array<i32>} : memref<64x128xf32, #tpu.memory_space<vmem>>, vector<1x128xf32>,
    %get3A_1367 = arith.constant 0 : index
    %get3A_1368 = arith.constant 0 : index
    %get3A_1369 = vector.load %arg1[%get3A_1367, %get3A_1368] : memref<80x128xi32, #tpu.memory_space<vmem>>, vector<80x128xi32>
    %lt3A_1370 = arith.constant 55 : i32
    %lt3A_1371 = vector.broadcast %lt3A_1370 : i32 to vector<80x128xi32>
    %lt3A_1372 = arith.cmpi slt, %get3A_1369, %lt3A_1371 : vector<80x128xi32>
    %jit3A_1373 = arith.constant 1 : i32
    %jit3A_1374 = arith.constant 0 : i32
    %broadcast_in_dim3A_1375 = vector.broadcast %jit3A_1373 : i32 to vector<80x128xi32>
    %broadcast_in_dim3A_1376 = vector.broadcast %jit3A_1374 : i32 to vector<80x128xi32>
    %select_n3A_1377 = arith.select %lt3A_1372, %broadcast_in_dim3A_1375, %broadcast_in_dim3A_1376 : vector<80x128xi1>, vector<80x128xi32>
    %reduce_sum3A_1378 = vector.shape_cast %select_n3A_1377 : vector<80x128xi32> to vector<1x80x128xi32>
    %reduce_sum3A_1379 = arith.constant dense<0> : vector<1xi32>
    %reduce_sum3A_1380 = vector.multi_reduction <add>, %reduce_sum3A_1378, %reduce_sum3A_1379 [1, 2] : vector<1x80x128xi32> to vector<1xi32>
    %reduce_sum3A_1381 = vector.shape_cast %reduce_sum3A_1380 : vector<1xi32> to vector<1x1x1xi32>
    %reduce_sum3A_1382 = vector.extract %reduce_sum3A_1381[0, 0, 0] : i32 from vector<1x1x1xi32>
    %get3A_1383 = arith.constant 55 : index
    %get3A_1384 = memref.load %arg2[%get3A_1383] : memref<64xi32, #tpu.memory_space<smem>>
    %add3A_1385 = arith.addi %get3A_1384, %reduce_sum3A_1382 : i32
    %get3A_1386 = arith.index_cast %add3A_1385 : i32 to index
    %get3A_1387 = arith.constant 0 : index
    %get3A_1388 = vector.load %arg0[%get3A_1386, %get3A_1387] : memref<10240x128xf32, #tpu.memory_space<vmem>>, vector<1x128xf32>
    %swap3A_1389 = arith.constant 55 : index
    %swap3A_1390 = arith.constant 0 : index
    %swap3A_1391 = vector.load %arg6[%swap3A_1389, %swap3A_1390] : memref<64x128xf32, #tpu.memory_space<vmem>>, vector<1x128xf32>
    tpu.vector_store %arg6[%swap3A_1389, %swap3A_1390], %get3A_1388 {strides = array<i32>} : memref<64x128xf32, #tpu.memory_space<vmem>>, vector<1x128xf32>,
    %get3A_1392 = arith.constant 0 : index
    %get3A_1393 = arith.constant 0 : index
    %get3A_1394 = vector.load %arg1[%get3A_1392, %get3A_1393] : memref<80x128xi32, #tpu.memory_space<vmem>>, vector<80x128xi32>
    %lt3A_1395 = arith.constant 56 : i32
    %lt3A_1396 = vector.broadcast %lt3A_1395 : i32 to vector<80x128xi32>
    %lt3A_1397 = arith.cmpi slt, %get3A_1394, %lt3A_1396 : vector<80x128xi32>
    %jit3A_1398 = arith.constant 1 : i32
    %jit3A_1399 = arith.constant 0 : i32
    %broadcast_in_dim3A_1400 = vector.broadcast %jit3A_1398 : i32 to vector<80x128xi32>
    %broadcast_in_dim3A_1401 = vector.broadcast %jit3A_1399 : i32 to vector<80x128xi32>
    %select_n3A_1402 = arith.select %lt3A_1397, %broadcast_in_dim3A_1400, %broadcast_in_dim3A_1401 : vector<80x128xi1>, vector<80x128xi32>
    %reduce_sum3A_1403 = vector.shape_cast %select_n3A_1402 : vector<80x128xi32> to vector<1x80x128xi32>
    %reduce_sum3A_1404 = arith.constant dense<0> : vector<1xi32>
    %reduce_sum3A_1405 = vector.multi_reduction <add>, %reduce_sum3A_1403, %reduce_sum3A_1404 [1, 2] : vector<1x80x128xi32> to vector<1xi32>
    %reduce_sum3A_1406 = vector.shape_cast %reduce_sum3A_1405 : vector<1xi32> to vector<1x1x1xi32>
    %reduce_sum3A_1407 = vector.extract %reduce_sum3A_1406[0, 0, 0] : i32 from vector<1x1x1xi32>
    %get3A_1408 = arith.constant 56 : index
    %get3A_1409 = memref.load %arg2[%get3A_1408] : memref<64xi32, #tpu.memory_space<smem>>
    %add3A_1410 = arith.addi %get3A_1409, %reduce_sum3A_1407 : i32
    %get3A_1411 = arith.index_cast %add3A_1410 : i32 to index
    %get3A_1412 = arith.constant 0 : index
    %get3A_1413 = vector.load %arg0[%get3A_1411, %get3A_1412] : memref<10240x128xf32, #tpu.memory_space<vmem>>, vector<1x128xf32>
    %swap3A_1414 = arith.constant 56 : index
    %swap3A_1415 = arith.constant 0 : index
    %swap3A_1416 = vector.load %arg6[%swap3A_1414, %swap3A_1415] : memref<64x128xf32, #tpu.memory_space<vmem>>, vector<1x128xf32>
    tpu.vector_store %arg6[%swap3A_1414, %swap3A_1415], %get3A_1413 {strides = array<i32>} : memref<64x128xf32, #tpu.memory_space<vmem>>, vector<1x128xf32>,
    %get3A_1417 = arith.constant 0 : index
    %get3A_1418 = arith.constant 0 : index
    %get3A_1419 = vector.load %arg1[%get3A_1417, %get3A_1418] : memref<80x128xi32, #tpu.memory_space<vmem>>, vector<80x128xi32>
    %lt3A_1420 = arith.constant 57 : i32
    %lt3A_1421 = vector.broadcast %lt3A_1420 : i32 to vector<80x128xi32>
    %lt3A_1422 = arith.cmpi slt, %get3A_1419, %lt3A_1421 : vector<80x128xi32>
    %jit3A_1423 = arith.constant 1 : i32
    %jit3A_1424 = arith.constant 0 : i32
    %broadcast_in_dim3A_1425 = vector.broadcast %jit3A_1423 : i32 to vector<80x128xi32>
    %broadcast_in_dim3A_1426 = vector.broadcast %jit3A_1424 : i32 to vector<80x128xi32>
    %select_n3A_1427 = arith.select %lt3A_1422, %broadcast_in_dim3A_1425, %broadcast_in_dim3A_1426 : vector<80x128xi1>, vector<80x128xi32>
    %reduce_sum3A_1428 = vector.shape_cast %select_n3A_1427 : vector<80x128xi32> to vector<1x80x128xi32>
    %reduce_sum3A_1429 = arith.constant dense<0> : vector<1xi32>
    %reduce_sum3A_1430 = vector.multi_reduction <add>, %reduce_sum3A_1428, %reduce_sum3A_1429 [1, 2] : vector<1x80x128xi32> to vector<1xi32>
    %reduce_sum3A_1431 = vector.shape_cast %reduce_sum3A_1430 : vector<1xi32> to vector<1x1x1xi32>
    %reduce_sum3A_1432 = vector.extract %reduce_sum3A_1431[0, 0, 0] : i32 from vector<1x1x1xi32>
    %get3A_1433 = arith.constant 57 : index
    %get3A_1434 = memref.load %arg2[%get3A_1433] : memref<64xi32, #tpu.memory_space<smem>>
    %add3A_1435 = arith.addi %get3A_1434, %reduce_sum3A_1432 : i32
    %get3A_1436 = arith.index_cast %add3A_1435 : i32 to index
    %get3A_1437 = arith.constant 0 : index
    %get3A_1438 = vector.load %arg0[%get3A_1436, %get3A_1437] : memref<10240x128xf32, #tpu.memory_space<vmem>>, vector<1x128xf32>
    %swap3A_1439 = arith.constant 57 : index
    %swap3A_1440 = arith.constant 0 : index
    %swap3A_1441 = vector.load %arg6[%swap3A_1439, %swap3A_1440] : memref<64x128xf32, #tpu.memory_space<vmem>>, vector<1x128xf32>
    tpu.vector_store %arg6[%swap3A_1439, %swap3A_1440], %get3A_1438 {strides = array<i32>} : memref<64x128xf32, #tpu.memory_space<vmem>>, vector<1x128xf32>,
    %get3A_1442 = arith.constant 0 : index
    %get3A_1443 = arith.constant 0 : index
    %get3A_1444 = vector.load %arg1[%get3A_1442, %get3A_1443] : memref<80x128xi32, #tpu.memory_space<vmem>>, vector<80x128xi32>
    %lt3A_1445 = arith.constant 58 : i32
    %lt3A_1446 = vector.broadcast %lt3A_1445 : i32 to vector<80x128xi32>
    %lt3A_1447 = arith.cmpi slt, %get3A_1444, %lt3A_1446 : vector<80x128xi32>
    %jit3A_1448 = arith.constant 1 : i32
    %jit3A_1449 = arith.constant 0 : i32
    %broadcast_in_dim3A_1450 = vector.broadcast %jit3A_1448 : i32 to vector<80x128xi32>
    %broadcast_in_dim3A_1451 = vector.broadcast %jit3A_1449 : i32 to vector<80x128xi32>
    %select_n3A_1452 = arith.select %lt3A_1447, %broadcast_in_dim3A_1450, %broadcast_in_dim3A_1451 : vector<80x128xi1>, vector<80x128xi32>
    %reduce_sum3A_1453 = vector.shape_cast %select_n3A_1452 : vector<80x128xi32> to vector<1x80x128xi32>
    %reduce_sum3A_1454 = arith.constant dense<0> : vector<1xi32>
    %reduce_sum3A_1455 = vector.multi_reduction <add>, %reduce_sum3A_1453, %reduce_sum3A_1454 [1, 2] : vector<1x80x128xi32> to vector<1xi32>
    %reduce_sum3A_1456 = vector.shape_cast %reduce_sum3A_1455 : vector<1xi32> to vector<1x1x1xi32>
    %reduce_sum3A_1457 = vector.extract %reduce_sum3A_1456[0, 0, 0] : i32 from vector<1x1x1xi32>
    %get3A_1458 = arith.constant 58 : index
    %get3A_1459 = memref.load %arg2[%get3A_1458] : memref<64xi32, #tpu.memory_space<smem>>
    %add3A_1460 = arith.addi %get3A_1459, %reduce_sum3A_1457 : i32
    %get3A_1461 = arith.index_cast %add3A_1460 : i32 to index
    %get3A_1462 = arith.constant 0 : index
    %get3A_1463 = vector.load %arg0[%get3A_1461, %get3A_1462] : memref<10240x128xf32, #tpu.memory_space<vmem>>, vector<1x128xf32>
    %swap3A_1464 = arith.constant 58 : index
    %swap3A_1465 = arith.constant 0 : index
    %swap3A_1466 = vector.load %arg6[%swap3A_1464, %swap3A_1465] : memref<64x128xf32, #tpu.memory_space<vmem>>, vector<1x128xf32>
    tpu.vector_store %arg6[%swap3A_1464, %swap3A_1465], %get3A_1463 {strides = array<i32>} : memref<64x128xf32, #tpu.memory_space<vmem>>, vector<1x128xf32>,
    %get3A_1467 = arith.constant 0 : index
    %get3A_1468 = arith.constant 0 : index
    %get3A_1469 = vector.load %arg1[%get3A_1467, %get3A_1468] : memref<80x128xi32, #tpu.memory_space<vmem>>, vector<80x128xi32>
    %lt3A_1470 = arith.constant 59 : i32
    %lt3A_1471 = vector.broadcast %lt3A_1470 : i32 to vector<80x128xi32>
    %lt3A_1472 = arith.cmpi slt, %get3A_1469, %lt3A_1471 : vector<80x128xi32>
    %jit3A_1473 = arith.constant 1 : i32
    %jit3A_1474 = arith.constant 0 : i32
    %broadcast_in_dim3A_1475 = vector.broadcast %jit3A_1473 : i32 to vector<80x128xi32>
    %broadcast_in_dim3A_1476 = vector.broadcast %jit3A_1474 : i32 to vector<80x128xi32>
    %select_n3A_1477 = arith.select %lt3A_1472, %broadcast_in_dim3A_1475, %broadcast_in_dim3A_1476 : vector<80x128xi1>, vector<80x128xi32>
    %reduce_sum3A_1478 = vector.shape_cast %select_n3A_1477 : vector<80x128xi32> to vector<1x80x128xi32>
    %reduce_sum3A_1479 = arith.constant dense<0> : vector<1xi32>
    %reduce_sum3A_1480 = vector.multi_reduction <add>, %reduce_sum3A_1478, %reduce_sum3A_1479 [1, 2] : vector<1x80x128xi32> to vector<1xi32>
    %reduce_sum3A_1481 = vector.shape_cast %reduce_sum3A_1480 : vector<1xi32> to vector<1x1x1xi32>
    %reduce_sum3A_1482 = vector.extract %reduce_sum3A_1481[0, 0, 0] : i32 from vector<1x1x1xi32>
    %get3A_1483 = arith.constant 59 : index
    %get3A_1484 = memref.load %arg2[%get3A_1483] : memref<64xi32, #tpu.memory_space<smem>>
    %add3A_1485 = arith.addi %get3A_1484, %reduce_sum3A_1482 : i32
    %get3A_1486 = arith.index_cast %add3A_1485 : i32 to index
    %get3A_1487 = arith.constant 0 : index
    %get3A_1488 = vector.load %arg0[%get3A_1486, %get3A_1487] : memref<10240x128xf32, #tpu.memory_space<vmem>>, vector<1x128xf32>
    %swap3A_1489 = arith.constant 59 : index
    %swap3A_1490 = arith.constant 0 : index
    %swap3A_1491 = vector.load %arg6[%swap3A_1489, %swap3A_1490] : memref<64x128xf32, #tpu.memory_space<vmem>>, vector<1x128xf32>
    tpu.vector_store %arg6[%swap3A_1489, %swap3A_1490], %get3A_1488 {strides = array<i32>} : memref<64x128xf32, #tpu.memory_space<vmem>>, vector<1x128xf32>,
    %get3A_1492 = arith.constant 0 : index
    %get3A_1493 = arith.constant 0 : index
    %get3A_1494 = vector.load %arg1[%get3A_1492, %get3A_1493] : memref<80x128xi32, #tpu.memory_space<vmem>>, vector<80x128xi32>
    %lt3A_1495 = arith.constant 60 : i32
    %lt3A_1496 = vector.broadcast %lt3A_1495 : i32 to vector<80x128xi32>
    %lt3A_1497 = arith.cmpi slt, %get3A_1494, %lt3A_1496 : vector<80x128xi32>
    %jit3A_1498 = arith.constant 1 : i32
    %jit3A_1499 = arith.constant 0 : i32
    %broadcast_in_dim3A_1500 = vector.broadcast %jit3A_1498 : i32 to vector<80x128xi32>
    %broadcast_in_dim3A_1501 = vector.broadcast %jit3A_1499 : i32 to vector<80x128xi32>
    %select_n3A_1502 = arith.select %lt3A_1497, %broadcast_in_dim3A_1500, %broadcast_in_dim3A_1501 : vector<80x128xi1>, vector<80x128xi32>
    %reduce_sum3A_1503 = vector.shape_cast %select_n3A_1502 : vector<80x128xi32> to vector<1x80x128xi32>
    %reduce_sum3A_1504 = arith.constant dense<0> : vector<1xi32>
    %reduce_sum3A_1505 = vector.multi_reduction <add>, %reduce_sum3A_1503, %reduce_sum3A_1504 [1, 2] : vector<1x80x128xi32> to vector<1xi32>
    %reduce_sum3A_1506 = vector.shape_cast %reduce_sum3A_1505 : vector<1xi32> to vector<1x1x1xi32>
    %reduce_sum3A_1507 = vector.extract %reduce_sum3A_1506[0, 0, 0] : i32 from vector<1x1x1xi32>
    %get3A_1508 = arith.constant 60 : index
    %get3A_1509 = memref.load %arg2[%get3A_1508] : memref<64xi32, #tpu.memory_space<smem>>
    %add3A_1510 = arith.addi %get3A_1509, %reduce_sum3A_1507 : i32
    %get3A_1511 = arith.index_cast %add3A_1510 : i32 to index
    %get3A_1512 = arith.constant 0 : index
    %get3A_1513 = vector.load %arg0[%get3A_1511, %get3A_1512] : memref<10240x128xf32, #tpu.memory_space<vmem>>, vector<1x128xf32>
    %swap3A_1514 = arith.constant 60 : index
    %swap3A_1515 = arith.constant 0 : index
    %swap3A_1516 = vector.load %arg6[%swap3A_1514, %swap3A_1515] : memref<64x128xf32, #tpu.memory_space<vmem>>, vector<1x128xf32>
    tpu.vector_store %arg6[%swap3A_1514, %swap3A_1515], %get3A_1513 {strides = array<i32>} : memref<64x128xf32, #tpu.memory_space<vmem>>, vector<1x128xf32>,
    %get3A_1517 = arith.constant 0 : index
    %get3A_1518 = arith.constant 0 : index
    %get3A_1519 = vector.load %arg1[%get3A_1517, %get3A_1518] : memref<80x128xi32, #tpu.memory_space<vmem>>, vector<80x128xi32>
    %lt3A_1520 = arith.constant 61 : i32
    %lt3A_1521 = vector.broadcast %lt3A_1520 : i32 to vector<80x128xi32>
    %lt3A_1522 = arith.cmpi slt, %get3A_1519, %lt3A_1521 : vector<80x128xi32>
    %jit3A_1523 = arith.constant 1 : i32
    %jit3A_1524 = arith.constant 0 : i32
    %broadcast_in_dim3A_1525 = vector.broadcast %jit3A_1523 : i32 to vector<80x128xi32>
    %broadcast_in_dim3A_1526 = vector.broadcast %jit3A_1524 : i32 to vector<80x128xi32>
    %select_n3A_1527 = arith.select %lt3A_1522, %broadcast_in_dim3A_1525, %broadcast_in_dim3A_1526 : vector<80x128xi1>, vector<80x128xi32>
    %reduce_sum3A_1528 = vector.shape_cast %select_n3A_1527 : vector<80x128xi32> to vector<1x80x128xi32>
    %reduce_sum3A_1529 = arith.constant dense<0> : vector<1xi32>
    %reduce_sum3A_1530 = vector.multi_reduction <add>, %reduce_sum3A_1528, %reduce_sum3A_1529 [1, 2] : vector<1x80x128xi32> to vector<1xi32>
    %reduce_sum3A_1531 = vector.shape_cast %reduce_sum3A_1530 : vector<1xi32> to vector<1x1x1xi32>
    %reduce_sum3A_1532 = vector.extract %reduce_sum3A_1531[0, 0, 0] : i32 from vector<1x1x1xi32>
    %get3A_1533 = arith.constant 61 : index
    %get3A_1534 = memref.load %arg2[%get3A_1533] : memref<64xi32, #tpu.memory_space<smem>>
    %add3A_1535 = arith.addi %get3A_1534, %reduce_sum3A_1532 : i32
    %get3A_1536 = arith.index_cast %add3A_1535 : i32 to index
    %get3A_1537 = arith.constant 0 : index
    %get3A_1538 = vector.load %arg0[%get3A_1536, %get3A_1537] : memref<10240x128xf32, #tpu.memory_space<vmem>>, vector<1x128xf32>
    %swap3A_1539 = arith.constant 61 : index
    %swap3A_1540 = arith.constant 0 : index
    %swap3A_1541 = vector.load %arg6[%swap3A_1539, %swap3A_1540] : memref<64x128xf32, #tpu.memory_space<vmem>>, vector<1x128xf32>
    tpu.vector_store %arg6[%swap3A_1539, %swap3A_1540], %get3A_1538 {strides = array<i32>} : memref<64x128xf32, #tpu.memory_space<vmem>>, vector<1x128xf32>,
    %get3A_1542 = arith.constant 0 : index
    %get3A_1543 = arith.constant 0 : index
    %get3A_1544 = vector.load %arg1[%get3A_1542, %get3A_1543] : memref<80x128xi32, #tpu.memory_space<vmem>>, vector<80x128xi32>
    %lt3A_1545 = arith.constant 62 : i32
    %lt3A_1546 = vector.broadcast %lt3A_1545 : i32 to vector<80x128xi32>
    %lt3A_1547 = arith.cmpi slt, %get3A_1544, %lt3A_1546 : vector<80x128xi32>
    %jit3A_1548 = arith.constant 1 : i32
    %jit3A_1549 = arith.constant 0 : i32
    %broadcast_in_dim3A_1550 = vector.broadcast %jit3A_1548 : i32 to vector<80x128xi32>
    %broadcast_in_dim3A_1551 = vector.broadcast %jit3A_1549 : i32 to vector<80x128xi32>
    %select_n3A_1552 = arith.select %lt3A_1547, %broadcast_in_dim3A_1550, %broadcast_in_dim3A_1551 : vector<80x128xi1>, vector<80x128xi32>
    %reduce_sum3A_1553 = vector.shape_cast %select_n3A_1552 : vector<80x128xi32> to vector<1x80x128xi32>
    %reduce_sum3A_1554 = arith.constant dense<0> : vector<1xi32>
    %reduce_sum3A_1555 = vector.multi_reduction <add>, %reduce_sum3A_1553, %reduce_sum3A_1554 [1, 2] : vector<1x80x128xi32> to vector<1xi32>
    %reduce_sum3A_1556 = vector.shape_cast %reduce_sum3A_1555 : vector<1xi32> to vector<1x1x1xi32>
    %reduce_sum3A_1557 = vector.extract %reduce_sum3A_1556[0, 0, 0] : i32 from vector<1x1x1xi32>
    %get3A_1558 = arith.constant 62 : index
    %get3A_1559 = memref.load %arg2[%get3A_1558] : memref<64xi32, #tpu.memory_space<smem>>
    %add3A_1560 = arith.addi %get3A_1559, %reduce_sum3A_1557 : i32
    %get3A_1561 = arith.index_cast %add3A_1560 : i32 to index
    %get3A_1562 = arith.constant 0 : index
    %get3A_1563 = vector.load %arg0[%get3A_1561, %get3A_1562] : memref<10240x128xf32, #tpu.memory_space<vmem>>, vector<1x128xf32>
    %swap3A_1564 = arith.constant 62 : index
    %swap3A_1565 = arith.constant 0 : index
    %swap3A_1566 = vector.load %arg6[%swap3A_1564, %swap3A_1565] : memref<64x128xf32, #tpu.memory_space<vmem>>, vector<1x128xf32>
    tpu.vector_store %arg6[%swap3A_1564, %swap3A_1565], %get3A_1563 {strides = array<i32>} : memref<64x128xf32, #tpu.memory_space<vmem>>, vector<1x128xf32>,
    %get3A_1567 = arith.constant 0 : index
    %get3A_1568 = arith.constant 0 : index
    %get3A_1569 = vector.load %arg1[%get3A_1567, %get3A_1568] : memref<80x128xi32, #tpu.memory_space<vmem>>, vector<80x128xi32>
    %lt3A_1570 = arith.constant 63 : i32
    %lt3A_1571 = vector.broadcast %lt3A_1570 : i32 to vector<80x128xi32>
    %lt3A_1572 = arith.cmpi slt, %get3A_1569, %lt3A_1571 : vector<80x128xi32>
    %jit3A_1573 = arith.constant 1 : i32
    %jit3A_1574 = arith.constant 0 : i32
    %broadcast_in_dim3A_1575 = vector.broadcast %jit3A_1573 : i32 to vector<80x128xi32>
    %broadcast_in_dim3A_1576 = vector.broadcast %jit3A_1574 : i32 to vector<80x128xi32>
    %select_n3A_1577 = arith.select %lt3A_1572, %broadcast_in_dim3A_1575, %broadcast_in_dim3A_1576 : vector<80x128xi1>, vector<80x128xi32>
    %reduce_sum3A_1578 = vector.shape_cast %select_n3A_1577 : vector<80x128xi32> to vector<1x80x128xi32>
    %reduce_sum3A_1579 = arith.constant dense<0> : vector<1xi32>
    %reduce_sum3A_1580 = vector.multi_reduction <add>, %reduce_sum3A_1578, %reduce_sum3A_1579 [1, 2] : vector<1x80x128xi32> to vector<1xi32>
    %reduce_sum3A_1581 = vector.shape_cast %reduce_sum3A_1580 : vector<1xi32> to vector<1x1x1xi32>
    %reduce_sum3A_1582 = vector.extract %reduce_sum3A_1581[0, 0, 0] : i32 from vector<1x1x1xi32>
    %get3A_1583 = arith.constant 63 : index
    %get3A_1584 = memref.load %arg2[%get3A_1583] : memref<64xi32, #tpu.memory_space<smem>>
    %add3A_1585 = arith.addi %get3A_1584, %reduce_sum3A_1582 : i32
    %get3A_1586 = arith.index_cast %add3A_1585 : i32 to index
    %get3A_1587 = arith.constant 0 : index
    %get3A_1588 = vector.load %arg0[%get3A_1586, %get3A_1587] : memref<10240x128xf32, #tpu.memory_space<vmem>>, vector<1x128xf32>
    %swap3A_1589 = arith.constant 63 : index
    %swap3A_1590 = arith.constant 0 : index
    %swap3A_1591 = vector.load %arg6[%swap3A_1589, %swap3A_1590] : memref<64x128xf32, #tpu.memory_space<vmem>>, vector<1x128xf32>
    tpu.vector_store %arg6[%swap3A_1589, %swap3A_1590], %get3A_1588 {strides = array<i32>} : memref<64x128xf32, #tpu.memory_space<vmem>>, vector<1x128xf32>,
    %get3A_1592 = arith.constant 0 : index
    %get3A_1593 = arith.constant 0 : index
    %get3A_1594 = vector.load %arg6[%get3A_1592, %get3A_1593] : memref<64x128xf32, #tpu.memory_space<vmem>>, vector<64x128xf32>
    %get3A_1595 = arith.constant 0 : index
    %get3A_1596 = arith.constant 0 : index
    %get3A_1597 = vector.load %arg3[%get3A_1595, %get3A_1596] : memref<128x128xf32, #tpu.memory_space<vmem>>, vector<128x128xf32>
    %dot_general3A = arith.constant dense<0.000000e+00> : vector<64x128xf32>
    %dot_general3A_1598 = tpu.matmul %get3A_1594, %get3A_1597, %dot_general3A {dimension_numbers = #tpu.dot_dimension_numbers<[1], [0], [0], [1], [0, 0, 1, 1], [], []>, transpose_lhs_hint = false} : vector<64x128xf32>, vector<128x128xf32>, vector<64x128xf32> -> vector<64x128xf32>
    %get3A_1599 = arith.constant 0 : index
    %get3A_1600 = arith.constant 0 : index
    %get3A_1601 = vector.load %arg4[%get3A_1599, %get3A_1600] : memref<1x128xf32, #tpu.memory_space<vmem>>, vector<1x128xf32>
    %add3A_1602 = vector.broadcast %get3A_1601 : vector<1x128xf32> to vector<64x128xf32>
    %add3A_1603 = arith.addf %dot_general3A_1598, %add3A_1602 : vector<64x128xf32>
    %gt3A = arith.constant 0.000000e+00 : f32
    %gt3A_1604 = vector.broadcast %gt3A : f32 to vector<64x128xf32>
    %gt3A_1605 = arith.cmpf ogt, %add3A_1603, %gt3A_1604 : vector<64x128xf32>
    %mul3A = arith.constant 1.000000e-01 : f32
    %mul3A_1606 = vector.broadcast %mul3A : f32 to vector<64x128xf32>
    %mul3A_1607 = arith.mulf %mul3A_1606, %add3A_1603 : vector<64x128xf32>
    %select_n3A_1608 = arith.select %gt3A_1605, %add3A_1603, %mul3A_1607 : vector<64x128xi1>, vector<64x128xf32>
    %swap3A_1609 = arith.constant 0 : index
    %swap3A_1610 = arith.constant 0 : index
    %swap3A_1611 = vector.load %arg5[%swap3A_1609, %swap3A_1610] : memref<64x128xf32, #tpu.memory_space<vmem>>, vector<64x128xf32>
    tpu.vector_store %arg5[%swap3A_1609, %swap3A_1610], %select_n3A_1608 {strides = array<i32>} : memref<64x128xf32, #tpu.memory_space<vmem>>, vector<64x128xf32>,
    return
  }
}

</mosaic_0001>

<sc_bundles>
// kernel: kernel.13.cloned.1.call-start
scs
__scs_entry_jumppad:
0x0: {  	(pc) =	sbr.rel $0x88, $3  }
0x1: {  	(tag) =	ssettag $0x0;
	lr =	simm.s32 $0x1  }
0x2: {  	[smem:$0x3F95] =	sst lr;
	_ =	strace $0xD0000000  }
0x3: {  	_ = 	snop  }
0x4: {  	_ = 	snop  }
0x5: {  	_ = 	snop  }
0x6: {  	_ = 	snop  }
0x7: {  	_ = 	snop  }
__scs_overlays_trampoline_lowered:
0x8: {  	[smem:$0x3FA4] =	sst s0  }
0x9: {  	[smem:$0x3FA5] =	sst s1  }
0xa: {  	[smem:$0x3FA6] =	sst s2  }
0xb: {  	[smem:$0x3FA7] =	sst s3  }
0xc: {  	[smem:$0x3FA8] =	sst s4  }
0xd: {  	[smem:$0x3FA9] =	sst s5  }
0xe: {  	[smem:$0x3FAA] =	sst s6  }
0xf: {  	[smem:$0x3FAB] =	sst s7  }
0x10: {  	[smem:$0x3FAC] =	sst s8  }
0x11: {  	[smem:$0x3FAD] =	sst s9;
	s0 =	simm.s32 @!p0 $0x0  }
0x12: {  	s1 =	sld [smem:$0x3F93];
	s0 =	simm.s32 @p0 $0x1  }
0x13: {  	[smem:$0x3FAE] =	sst s0;
	s0 =	simm.s32 @!p1 $0x0  }
0x14: {  	s2 =	sld [smem:$0x3F92];
	s0 =	simm.s32 @p1 $0x1  }
0x15: {  	[smem:$0x3FAF] =	sst s0;
	s0 =	simm.s32 @!p2 $0x0  }
0x16: {  	s3 =	sld [smem:$0x3FDB];
	s0 =	simm.s32 @p2 $0x1  }
0x17: {  	s4 =	simm.s32 $0x1BF5;
	[smem:$0x3FB1] =	sst s0  }
0x18: {  	s0 =	sld [smem:$0x3F94];
	_ =	swait.ge [sflag:s4], $0x0  }
0x19: {  	s7 =	sld [smem:$0x3F95]  }
0x1a: {  	s8 =	sadd.s32 $0xFFFFE003, lr  }
0x1b: {  	s9 =	sadd.s32 $0xFFFFFEF7, lr;
	s5 =	simm.s32 $0xFFFFFFFF;
	p2 =	slt.u32 s8, $0xFFFFF086  }
0x1c: {  	p1 =	slt.u32 s9, $0xF7A;
	s5 =	simm.s32 @!p2 $0x0  }
0x1d: {  	s5 =	simm.s32 @p1 $0x1;
	p0 =	seq.s32 s7, s2  }
0x1e: {  	s7 =	smul.u32 @!p0 $0xF7A, s2;
	p2 =	seq.s32 @!p0 s5, $0x0  }
0x1f: {  	s9 =	smul.u32 $0xF7A, s1;
	s8 =	simm.s32 @!p0 $0x1BF5;
	p2 =	por !p2, p0  }
0x20: {  	[sflag:s8] =	ssyncset.s32 @!p0 $0xFFFFF086;
	s6 =	sadd.s32 @!p0 s3, s7;
	s7 =	simm.s32 @!p0 $0x108  }
0x21: {  	s3 =	sadd.s32 s3, s9;
	s6 =	sadd.s32 @!p0 $0x88, s6;
	s7 =	simm.s32 @p2 $0x1082  }
0x22: {  	[simem:s7], [sflag:s8] =	dma.local @!p0 [hbm:s6], $0xF7A  }
0x23: {  	s9 =	sor.u32 $0xD0000000, s2;
	s6 =	simm.s32 $0x108;
	_ =	swait.ge @!p0 [sflag:s8], $0x0  }
0x24: {  	s3 =	sadd.s32 $0x88, s3;
	s6 =	simm.s32 @!p1 $0x1082;
	[sflag:s4] =	ssyncset.s32 $0xFFFFF086  }
0x25: {  	[simem:s6], [sflag:s4] =	dma.local [hbm:s3], $0xF7A  }
0x26: {  	[smem:$0x3F95] =	sst s1;
	(tag) =	ssettag s2;
	_ =	strace s9  }
0x27: {  	s1 =	sld [smem:$0x3FA5]  }
0x28: {  	s2 =	sld [smem:$0x3FA6]  }
0x29: {  	s4 =	sld [smem:$0x3FA8]  }
0x2a: {  	p0 =	seq.s32 s5, $0x0;
	s5 =	sld [smem:$0x3FA9]  }
0x2b: {  	s6 =	sld [smem:$0x3FAA]  }
0x2c: {  	s7 =	sld [smem:$0x3FAB]  }
0x2d: {  	s3 =	simm.s32 $0x108;
	s8 =	sld [smem:$0x3FAC]  }
0x2e: {  	s3 =	simm.s32 @!p0 $0x1082;
	s9 =	sld [smem:$0x3FAD]  }
0x2f: {  	lr =	sadd.s32 s0, s3;
	s0 =	sld [smem:$0x3FA4]  }
0x30: {  	s3 =	sld [smem:$0x3FA7]  }
0x31: {  	[smem:$0x3FB0] =	sst s10  }
0x32: {  	s10 =	sld [smem:$0x3FAE];
	_ =	sdelay $0x3  }
0x33: {  	p0 =	seq.s32 s10, $0x1;
	s10 =	sld [smem:$0x3FB0];
	_ =	sdelay $0x3  }
0x34: {  	[smem:$0x3FB0] =	sst s10  }
0x35: {  	s10 =	sld [smem:$0x3FAF];
	_ =	sdelay $0x3  }
0x36: {  	p1 =	seq.s32 s10, $0x1;
	s10 =	sld [smem:$0x3FB0];
	_ =	sdelay $0x3  }
0x37: {  	[smem:$0x3FB0] =	sst s10  }
0x38: {  	s10 =	sld [smem:$0x3FB1]  }
0x39: {  	_ = 	snop;
	(pc) =	sbr.ind lr, $3  }
0x3a: {  	_ = 	snop  }
0x3b: {  	_ = 	snop  }
0x3c: {  	p2 =	seq.s32 s10, $0x1;
	s10 =	sld [smem:$0x3FB0]  }
0x3d: {  	_ =	shalt  }
0x3e: {  	_ =	shalt  }
0x3f: {  	_ =	shalt  }
0x40: {  	_ =	shalt  }
0x41: {  	_ =	shalt  }
0x42: {  	_ =	shalt  }
0x43: {  	_ =	shalt  }
0x44: {  	_ =	shalt  }
0x45: {  	_ =	shalt  }
0x46: {  	_ =	shalt  }
0x47: {  	_ =	shalt  }
0x48: {  	_ =	shalt  }
0x49: {  	_ =	shalt  }
0x4a: {  	_ =	shalt  }
0x4b: {  	_ =	shalt  }
0x4c: {  	_ =	shalt  }
0x4d: {  	_ =	shalt  }
0x4e: {  	_ =	shalt  }
0x4f: {  	_ =	shalt  }
0x50: {  	_ =	shalt  }
0x51: {  	_ =	shalt  }
0x52: {  	_ =	shalt  }
0x53: {  	_ =	shalt  }
0x54: {  	_ =	shalt  }
0x55: {  	_ =	shalt  }
0x56: {  	_ =	shalt  }
0x57: {  	_ =	shalt  }
0x58: {  	_ =	shalt  }
0x59: {  	_ =	shalt  }
0x5a: {  	_ =	shalt  }
0x5b: {  	_ =	shalt  }
0x5c: {  	_ =	shalt  }
0x5d: {  	_ =	shalt  }
0x5e: {  	_ =	shalt  }
0x5f: {  	_ =	shalt  }
0x60: {  	_ =	shalt  }
0x61: {  	_ =	shalt  }
0x62: {  	_ =	shalt  }
0x63: {  	_ =	shalt  }
0x64: {  	_ =	shalt  }
0x65: {  	_ =	shalt  }
0x66: {  	_ =	shalt  }
0x67: {  	_ =	shalt  }
0x68: {  	_ =	shalt  }
0x69: {  	_ =	shalt  }
0x6a: {  	_ =	shalt  }
0x6b: {  	_ =	shalt  }
0x6c: {  	_ =	shalt  }
0x6d: {  	_ =	shalt  }
0x6e: {  	_ =	shalt  }
0x6f: {  	_ =	shalt  }
0x70: {  	_ =	shalt  }
0x71: {  	_ =	shalt  }
0x72: {  	_ =	shalt  }
0x73: {  	_ =	shalt  }
0x74: {  	_ =	shalt  }
0x75: {  	_ =	shalt  }
0x76: {  	_ =	shalt  }
0x77: {  	_ =	shalt  }
0x78: {  	_ =	shalt  }
0x79: {  	_ =	shalt  }
0x7a: {  	_ =	shalt  }
0x7b: {  	_ =	shalt  }
0x7c: {  	_ =	shalt  }
0x7d: {  	_ =	shalt  }
0x7e: {  	_ =	shalt  }
0x7f: {  	_ =	shalt  }
0x80: {  	_ =	shalt  }
0x81: {  	_ =	shalt  }
0x82: {  	_ =	shalt  }
0x83: {  	_ =	shalt  }
0x84: {  	_ =	shalt  }
0x85: {  	_ =	shalt  }
0x86: {  	_ =	shalt  }
0x87: {  	_ =	shalt  }
.Lfunc_end0:
.L_simem_size_0:
called_computation_lowered:
.L_overlay_start_0:
0x88: {  	s2 =	sld [smem:$0x3FD9]  }
0x89: {  	s3 =	sld [smem:$0x3FFE];
	_ =	sdelay $0x1  }
0x8a: {  	s1 =	srdreg.scid  }
0x8b: {  	s0 =	sand.u32 $0x1, s1  }
0x8c: {  	s16 =	sshll.u32 s0, $0xA;
	s2 =	sadd.s32 s3, s2  }
0x8d: {  	s2 =	sadd.s32 s2, s16  }
0x8e: {  	[smem:$0x3FBC] =	sst s2  }
0x8f: {  	_ = 	snop  }
0x90: {  	(tm) =	ssettm $0x1  }
0x91: {  	s17 =	sld [smem:$0x3FFB];
	_ =	sdelay $0x3  }
0x92: {  	_ =	strace s17  }
0x93: {  	s2 =	sld [smem:$0x3FFC];
	_ =	sdelay $0x3  }
0x94: {  	_ =	strace s2  }
0x95: {  	s2 =	sld [smem:$0x3FFD];
	_ =	sdelay $0x3  }
0x96: {  	_ =	strace s2  }
0x97: {  	_ =	strace $0x8FFFFFFF  }
0x98: {  	s18 =	sld [smem:$0x3FDB];
	_ =	sdelay $0x1  }
0x99: {  	s19 =	simm.s32 $_scs_section_size  }
0x9a: {  	s4 =	simm.s32 $_size__tile_overlayer_lowered;
	s5 =	simm.s32 $_tile_overlayer_lowered  }
0x9b: {  	s22 =	simm.s32 $0x1BFF;
	s21 =	sshll.u32 s5, $0x1;
	s2 =	sadd.s32 s19, s18  }
0x9c: {  	s6 =	simm.s32 $0x0;
	s20 =	sshll.u32 s4, $0x1;
	s4 =	sadd.s32 s21, s2  }
0x9d: {  	[timem:s6], [sflag:s22] =	dma.local [hbm:s4], s20  }
0x9e: {  	_ =	swait.ge [sflag:s22], s20  }
0x9f: {  	s3 =	ssub.s32 $0x0, s20;
	[sflag:s22] =	ssyncset.done $0x0  }
0xa0: {  	[sflag:s22] =	ssyncadd.s32 s3;
	_ =	sdelay $0x1  }
0xa1: {  	s23 =	simm.s32 $0x1B8B  }
0xa2: {  	_ =	swait.ge [sflag:s23], $0x1  }
0xa3: {  	[sflag:s23] =	ssyncset.done $0x0  }
0xa4: {  	s25 =	simm.s32 $0x1B8E;
	s24 =	sld [smem:$0x3FFE];
	[sflag:s23] =	ssyncadd.s32 $0xFFFFFFFF  }
0xa5: {  	s26 =	simm.s32 $execute0_lowered;
	[smem:$0x3FD2] =	sst s25  }
0xa6: {  	s4 =	sshll.u32 s26, $0x1;
	_ =	strace $0x80000046;
	[dreg:$0x1] =	wrdreg $0xFFFFFFFF  }
0xa7: {  	s28 =	simm.s32 $_size_execute0_lowered;
	s2 =	sadd.s32 s2, s4;
	[dreg:$0x0] =	wrdreg $0x0  }
0xa8: {  	s4 =	sshll.u32 s28, $0x1;
	[dreg:$0x2] =	wrdreg s2  }
0xa9: {  	[dreg:$0x3] =	wrdreg s4  }
0xaa: {  	[dreg:$0x4] =	wrdreg $0xC0  }
0xab: {  	_ =	task [dreg:s6], $0x5FFFF  }
0xac: {  	[dreg:$0x1] =	wrdreg $0xFFFFFFFF  }
0xad: {  	[dreg:$0x0] =	wrdreg $0x60  }
0xae: {  	[dreg:$0x2] =	wrdreg s24  }
0xaf: {  	[dreg:$0x3] =	wrdreg $0x68000  }
0xb0: {  	[dreg:$0x4] =	wrdreg $0x9  }
0xb1: {  	_ =	task.clear_ibuf [dreg:s6], $0x5FFFF;
	_ =	strace $0x90000046  }
0xb2: {  	s29 =	simm.s32 $0x9;
	_ =	strace $0x80000048  }
0xb3: {  	_ =	swait.ge [sflag:s29], $0x1  }
0xb4: {  	[sflag:s29] =	ssyncadd.s32 $0xFFFFFFFF  }
0xb5: {  	_ =	strace $0x90000048  }
0xb6: {  	_ =	sfence  }
0xb7: {  	s30 =	sld [smem:$0x0];
	_ =	sdelay $0x2  }
0xb8: {  	s31 =	sshll.u32 s1, $0xD;
	s1 =	sshrl.u32 s1, $0x2  }
0xb9: {  	s3 =	sand.u32 $0x4000, s31;
	s1 =	sadd.s32 s1, s30  }
0xba: {  	s0 =	sor.u32 s3, s0;
	s1 =	sshll.u32 s1, $0x11  }
0xbb: {  	s0 =	sor.u32 s1, s0  }
0xbc: {  	s0 =	sadd.s32 $0x8F2B, s0  }
0xbd: {  	[sflag:s0] =	ssyncadd.remote.s32 $0x1  }
0xbe: {  	_ =	sfence.sel $0xFFFF  }
0xbf: {  	[dreg:$0x0] =	wrdreg $0xFFFFFFFF;
	(pc) =	sbr.abs _section_cstart, $3  }
0xc0: {  	[dreg:$0x1] =	wrdreg $0xFFFFFFFF  }
0xc1: {  	_ =	task.clear_ibuf [dreg:s6], $0x2FFFF;
	_ =	strace $0x9FFFFFFF  }
0xc2: {  	(tm) =	ssettm $0x7FFFFFFF  }
0xc3: {  	_ =	shalt  }
tec
execute0_lowered:
.L_overlay_start_1:
0x0: {  	(tag) =	ssettag $0x1  }
0x1: {  	s0 =	srdreg.scid;
	s5 =	rddreg [dreg:$0x0]  }
0x2: {  	s2 =	rddreg [dreg:$0x1];
	s4 =	sand.u32 $0x1, s0;
	s0 =	stileid.u32  }
0x3: {  	s3 =	simm.s32 $0x0;
	s14 =	simm.s32 $0x0;
	s7 =	smul.u32 $0x14000, s0  }
0x4: {  	[smem:$0x7FF] =	sst s3;
	s1 =	sshll.u32 s4, $0x4;
	s9 =	smul.u32 $0x140000, s4  }
0x5: {  	s28 =	ssub.s32 $0x2, s4;
	s29 =	smul.u32 $0x50000, s0;
	s4 =	sadd.s32 $0x38600, s5  }
0x6: {  	s31 =	sshll.u32 s0, $0x6;
	s6 =	sor.u32 s0, s1;
	s1 =	rddreg [dreg:$0x2]  }
0x7: {  	_ =	strace $0x80000047;
	s11 =	sshrl.u32 s28, $0x1;
	s6 =	smul.u32 $0x500, s6  }
0x8: {  	s8 =	sshrl.u32 s7, $0x3;
	s7 =	sadd.s32 s7, s9;
	s11 =	ssub.s32 s28, s11  }
0x9: {  	s30 =	sshrl.u32 s29, $0x2;
	s26 =	sadd.s32 s8, s5;
	s7 =	sshrl.u32 s7, $0x3  }
0xa: {  	s13 =	sadd.s32 s30, s2;
	s9 =	smax.u32 s11, $0x1;
	s11 =	simm.s32 $0x1  }
0xb: {  	s10 =	sadd.s32 s6, s5;
	s12 =	sadd.s32 s7, s5;
	s5 =	sadd.s32 $0x10600, s26  }
0xc: {  	s6 =	sor.u32 $0x1C01, s31;
	s7 =	sadd.s32 $0x6600, s10;
	s8 =	sadd.s32 $0x38E00, s12  }
0xd: {  	s10 =	sshrl.u32 s13, $0x3;
	s12 =	simm.s32 $0x2800;
	s13 =	simm.s32 $0x80  }
.LBB2_1:
0xe: {  	[spmem:s10], [sflag:s6] =	dma.local [hbm:s5], $0x2800  }
0xf: {  	_ =	swait.ge [sflag:s11], $0x2800  }
0x10: {  	[sflag:s11] =	ssyncset.done $0x0  }
0x11: {  	[sflag:s11] =	ssyncadd.s32 $0xFFFFD800  }
0x12: {  	[tilespmem:s3], [sflag:$0x1] =	stream.linear.gather [hbm4b:s7+s3], $0x2780, $0x38;
	[tilespmem:$0x1A800] =	vst v63  }
0x13: {  	_ =	swait.ge [sflag:s11], $0x2780  }
0x14: {  	[sflag:s11] =	ssyncset.done $0x0  }
0x15: {  	[sflag:s11] =	ssyncadd.s32 $0xFFFFD880  }
0x16: {  	[tilespmem:s12], [sflag:$0x1] =	stream.linear.gather [hbm4b:s4+s3], $0x4000, $0x38;
	[tilespmem:$0x1A800] =	vst v63  }
0x17: {  	_ =	swait.ge [sflag:s11], $0x4000  }
0x18: {  	[sflag:s11] =	ssyncset.done $0x0  }
0x19: {  	[sflag:s11] =	ssyncadd.s32 $0xFFFFC000  }
0x1a: {  	s15 =	simm.s32 $0x0;
	[bflag:$0x0] =	sbarrier.arrive $0xFFFF  }
0x1b: {  	[spmem:s2] =	stream.indirect.scatter.add.f32 [tilespmem:s12], [sflag:$0x1], $0x80, s15, s13, $0xb8;
	[tilespmem:$0x1A800] =	vst v63  }
0x1c: {  	_ =	swait.ge [sflag:s11], $0x4000  }
0x1d: {  	s15 =	simm.s32 $0x200;
	[sflag:s11] =	ssyncset.done $0x0  }
.LBB2_2:
0x1e: {  	s16 =	sshra.s32 s15, $0x2;
	[sflag:s11] =	ssyncadd.s32 $0xFFFFC000;
	p0 =	sne.s32 s15, $0x9C00  }
0x1f: {  	[spmem:s2] =	stream.indirect.scatter.add.f32 [tilespmem:s12], [sflag:$0x1], $0x80, s16, s13, $0xb8;
	[tilespmem:$0x1A800] =	vst v63  }
.Ltmp0:
0x20: {  	_ = 	snop;
	(pc) =	sbr.rel @p0 .LBB2_2-.Ltmp0, $4  }
0x21: {  	_ = 	snop  }
0x22: {  	s15 =	sadd.s32 $0x200, s15  }
0x23: {  	_ =	swait.ge [sflag:s11], $0x4000  }
0x24: {  	[sflag:s11] =	ssyncset.done $0x0  }
0x25: {  	s14 =	sadd.s32 $0x1, s14  }
0x26: {  	[sflag:s11] =	ssyncadd.s32 $0xFFFFC000;
	p0 =	sne.s32 s14, s9  }
.Ltmp1:
0x27: {  	[bflag:$0x0] =	sbarrier.arrive $0xFFFF;
	(pc) =	sbr.rel @p0 .LBB2_1-.Ltmp1, $4  }
0x28: {  	[hbm:s8], [sflag:s6] =	dma.local [spmem:s10], $0x2800  }
0x29: {  	_ =	swait.ge [sflag:s11], $0x2800  }
0x2a: {  	[sflag:s11] =	ssyncset.done $0x0  }
0x2b: {  	[sflag:s11] =	ssyncadd.s32 $0xFFFFD800  }
0x2c: {  	_ =	sfence.sel $0x180000  }
0x2d: {  	[bflag:$0x0] =	sbarrier.arrive $0xFFFF  }
0x2e: {  	p0 =	sne.s32 s0, $0x0;
	_ =	strace $0x90000047  }
0x2f: {  	s0 =	sadd.s32 @!p0 $0x100000, s1;
	[bflag:$0x2] =	sbarrier.arrive $0xFFFF  }
0x30: {  	[sflag:s0] =	ssyncadd.tile.s32 @!p0 $0x1;
	_ =	shalt  }
.Lfunc_end2:
_tile_overlayer_lowered:
.L_overlay_start_2:
0x31: {  	(tag) =	ssettag $0x2  }
0x32: {  	s0 =	rddreg [dreg:$0x0];
	s2 =	stileid.u32  }
0x33: {  	s1 =	rddreg [dreg:$0x1];
	p0 =	sne.s32 s2, $0x0  }
0x34: {  	s3 =	rddreg [dreg:$0x2];
	[bflag:$0x3] =	sbarrier.arrive $0xFFFF;
	s2 =	simm.s32 @!p0 $0x1C01  }
0x35: {  	[timem:s3], [sflag:s2] =	dma.local @!p0 [hbm:s0], s1  }
0x36: {  	s0 =	simm.s32 @!p0 $0x1  }
0x37: {  	_ =	swait.ge @!p0 [sflag:s0], s1  }
0x38: {  	s1 =	ssub.s32 @!p0 $0x0, s1;
	[sflag:s0] =	ssyncset.done @!p0 $0x0  }
0x39: {  	[sflag:s0] =	ssyncadd.s32 @!p0 s1  }
0x3a: {  	[bflag:$0x3] =	sbarrier.arrive $0xFFFF  }
0x3b: {  	_ =	shalt  }

// kernel: kernel.16.cloned.1.call-start
scs
__scs_entry_jumppad:
0x0: {  	(pc) =	sbr.rel $0x88, $3  }
0x1: {  	(tag) =	ssettag $0x0;
	lr =	simm.s32 $0x1  }
0x2: {  	[smem:$0x3F95] =	sst lr;
	_ =	strace $0xD0000000  }
0x3: {  	_ = 	snop  }
0x4: {  	_ = 	snop  }
0x5: {  	_ = 	snop  }
0x6: {  	_ = 	snop  }
0x7: {  	_ = 	snop  }
__scs_overlays_trampoline_lowered:
0x8: {  	[smem:$0x3FA4] =	sst s0  }
0x9: {  	[smem:$0x3FA5] =	sst s1  }
0xa: {  	[smem:$0x3FA6] =	sst s2  }
0xb: {  	[smem:$0x3FA7] =	sst s3  }
0xc: {  	[smem:$0x3FA8] =	sst s4  }
0xd: {  	[smem:$0x3FA9] =	sst s5  }
0xe: {  	[smem:$0x3FAA] =	sst s6  }
0xf: {  	[smem:$0x3FAB] =	sst s7  }
0x10: {  	[smem:$0x3FAC] =	sst s8  }
0x11: {  	[smem:$0x3FAD] =	sst s9;
	s0 =	simm.s32 @!p0 $0x0  }
0x12: {  	s1 =	sld [smem:$0x3F93];
	s0 =	simm.s32 @p0 $0x1  }
0x13: {  	[smem:$0x3FAE] =	sst s0;
	s0 =	simm.s32 @!p1 $0x0  }
0x14: {  	s2 =	sld [smem:$0x3F92];
	s0 =	simm.s32 @p1 $0x1  }
0x15: {  	[smem:$0x3FAF] =	sst s0;
	s0 =	simm.s32 @!p2 $0x0  }
0x16: {  	s3 =	sld [smem:$0x3FDB];
	s0 =	simm.s32 @p2 $0x1  }
0x17: {  	s4 =	simm.s32 $0x1BF5;
	[smem:$0x3FB1] =	sst s0  }
0x18: {  	s0 =	sld [smem:$0x3F94];
	_ =	swait.ge [sflag:s4], $0x0  }
0x19: {  	s7 =	sld [smem:$0x3F95]  }
0x1a: {  	s8 =	sadd.s32 $0xFFFFE003, lr  }
0x1b: {  	s9 =	sadd.s32 $0xFFFFFEF7, lr;
	s5 =	simm.s32 $0xFFFFFFFF;
	p2 =	slt.u32 s8, $0xFFFFF086  }
0x1c: {  	p1 =	slt.u32 s9, $0xF7A;
	s5 =	simm.s32 @!p2 $0x0  }
0x1d: {  	s5 =	simm.s32 @p1 $0x1;
	p0 =	seq.s32 s7, s2  }
0x1e: {  	s7 =	smul.u32 @!p0 $0xF7A, s2;
	p2 =	seq.s32 @!p0 s5, $0x0  }
0x1f: {  	s9 =	smul.u32 $0xF7A, s1;
	s8 =	simm.s32 @!p0 $0x1BF5;
	p2 =	por !p2, p0  }
0x20: {  	[sflag:s8] =	ssyncset.s32 @!p0 $0xFFFFF086;
	s6 =	sadd.s32 @!p0 s3, s7;
	s7 =	simm.s32 @!p0 $0x108  }
0x21: {  	s3 =	sadd.s32 s3, s9;
	s6 =	sadd.s32 @!p0 $0x88, s6;
	s7 =	simm.s32 @p2 $0x1082  }
0x22: {  	[simem:s7], [sflag:s8] =	dma.local @!p0 [hbm:s6], $0xF7A  }
0x23: {  	s9 =	sor.u32 $0xD0000000, s2;
	s6 =	simm.s32 $0x108;
	_ =	swait.ge @!p0 [sflag:s8], $0x0  }
0x24: {  	s3 =	sadd.s32 $0x88, s3;
	s6 =	simm.s32 @!p1 $0x1082;
	[sflag:s4] =	ssyncset.s32 $0xFFFFF086  }
0x25: {  	[simem:s6], [sflag:s4] =	dma.local [hbm:s3], $0xF7A  }
0x26: {  	[smem:$0x3F95] =	sst s1;
	(tag) =	ssettag s2;
	_ =	strace s9  }
0x27: {  	s1 =	sld [smem:$0x3FA5]  }
0x28: {  	s2 =	sld [smem:$0x3FA6]  }
0x29: {  	s4 =	sld [smem:$0x3FA8]  }
0x2a: {  	p0 =	seq.s32 s5, $0x0;
	s5 =	sld [smem:$0x3FA9]  }
0x2b: {  	s6 =	sld [smem:$0x3FAA]  }
0x2c: {  	s7 =	sld [smem:$0x3FAB]  }
0x2d: {  	s3 =	simm.s32 $0x108;
	s8 =	sld [smem:$0x3FAC]  }
0x2e: {  	s3 =	simm.s32 @!p0 $0x1082;
	s9 =	sld [smem:$0x3FAD]  }
0x2f: {  	lr =	sadd.s32 s0, s3;
	s0 =	sld [smem:$0x3FA4]  }
0x30: {  	s3 =	sld [smem:$0x3FA7]  }
0x31: {  	[smem:$0x3FB0] =	sst s10  }
0x32: {  	s10 =	sld [smem:$0x3FAE];
	_ =	sdelay $0x3  }
0x33: {  	p0 =	seq.s32 s10, $0x1;
	s10 =	sld [smem:$0x3FB0];
	_ =	sdelay $0x3  }
0x34: {  	[smem:$0x3FB0] =	sst s10  }
0x35: {  	s10 =	sld [smem:$0x3FAF];
	_ =	sdelay $0x3  }
0x36: {  	p1 =	seq.s32 s10, $0x1;
	s10 =	sld [smem:$0x3FB0];
	_ =	sdelay $0x3  }
0x37: {  	[smem:$0x3FB0] =	sst s10  }
0x38: {  	s10 =	sld [smem:$0x3FB1]  }
0x39: {  	_ = 	snop;
	(pc) =	sbr.ind lr, $3  }
0x3a: {  	_ = 	snop  }
0x3b: {  	_ = 	snop  }
0x3c: {  	p2 =	seq.s32 s10, $0x1;
	s10 =	sld [smem:$0x3FB0]  }
0x3d: {  	_ =	shalt  }
0x3e: {  	_ =	shalt  }
0x3f: {  	_ =	shalt  }
0x40: {  	_ =	shalt  }
0x41: {  	_ =	shalt  }
0x42: {  	_ =	shalt  }
0x43: {  	_ =	shalt  }
0x44: {  	_ =	shalt  }
0x45: {  	_ =	shalt  }
0x46: {  	_ =	shalt  }
0x47: {  	_ =	shalt  }
0x48: {  	_ =	shalt  }
0x49: {  	_ =	shalt  }
0x4a: {  	_ =	shalt  }
0x4b: {  	_ =	shalt  }
0x4c: {  	_ =	shalt  }
0x4d: {  	_ =	shalt  }
0x4e: {  	_ =	shalt  }
0x4f: {  	_ =	shalt  }
0x50: {  	_ =	shalt  }
0x51: {  	_ =	shalt  }
0x52: {  	_ =	shalt  }
0x53: {  	_ =	shalt  }
0x54: {  	_ =	shalt  }
0x55: {  	_ =	shalt  }
0x56: {  	_ =	shalt  }
0x57: {  	_ =	shalt  }
0x58: {  	_ =	shalt  }
0x59: {  	_ =	shalt  }
0x5a: {  	_ =	shalt  }
0x5b: {  	_ =	shalt  }
0x5c: {  	_ =	shalt  }
0x5d: {  	_ =	shalt  }
0x5e: {  	_ =	shalt  }
0x5f: {  	_ =	shalt  }
0x60: {  	_ =	shalt  }
0x61: {  	_ =	shalt  }
0x62: {  	_ =	shalt  }
0x63: {  	_ =	shalt  }
0x64: {  	_ =	shalt  }
0x65: {  	_ =	shalt  }
0x66: {  	_ =	shalt  }
0x67: {  	_ =	shalt  }
0x68: {  	_ =	shalt  }
0x69: {  	_ =	shalt  }
0x6a: {  	_ =	shalt  }
0x6b: {  	_ =	shalt  }
0x6c: {  	_ =	shalt  }
0x6d: {  	_ =	shalt  }
0x6e: {  	_ =	shalt  }
0x6f: {  	_ =	shalt  }
0x70: {  	_ =	shalt  }
0x71: {  	_ =	shalt  }
0x72: {  	_ =	shalt  }
0x73: {  	_ =	shalt  }
0x74: {  	_ =	shalt  }
0x75: {  	_ =	shalt  }
0x76: {  	_ =	shalt  }
0x77: {  	_ =	shalt  }
0x78: {  	_ =	shalt  }
0x79: {  	_ =	shalt  }
0x7a: {  	_ =	shalt  }
0x7b: {  	_ =	shalt  }
0x7c: {  	_ =	shalt  }
0x7d: {  	_ =	shalt  }
0x7e: {  	_ =	shalt  }
0x7f: {  	_ =	shalt  }
0x80: {  	_ =	shalt  }
0x81: {  	_ =	shalt  }
0x82: {  	_ =	shalt  }
0x83: {  	_ =	shalt  }
0x84: {  	_ =	shalt  }
0x85: {  	_ =	shalt  }
0x86: {  	_ =	shalt  }
0x87: {  	_ =	shalt  }
.Lfunc_end0:
.L_simem_size_0:
called_computation.1_lowered:
.L_overlay_start_0:
0x88: {  	s2 =	sld [smem:$0x3FD9]  }
0x89: {  	s3 =	sld [smem:$0x3FFE];
	_ =	sdelay $0x1  }
0x8a: {  	s1 =	srdreg.scid  }
0x8b: {  	s0 =	sand.u32 $0x1, s1  }
0x8c: {  	s16 =	sshll.u32 s0, $0xA;
	s2 =	sadd.s32 s3, s2  }
0x8d: {  	s2 =	sadd.s32 s2, s16  }
0x8e: {  	[smem:$0x3FBC] =	sst s2  }
0x8f: {  	_ = 	snop  }
0x90: {  	(tm) =	ssettm $0x1  }
0x91: {  	s17 =	sld [smem:$0x3FFB];
	_ =	sdelay $0x3  }
0x92: {  	_ =	strace s17  }
0x93: {  	s2 =	sld [smem:$0x3FFC];
	_ =	sdelay $0x3  }
0x94: {  	_ =	strace s2  }
0x95: {  	s2 =	sld [smem:$0x3FFD];
	_ =	sdelay $0x3  }
0x96: {  	_ =	strace s2  }
0x97: {  	_ =	strace $0x8FFFFFFF  }
0x98: {  	s18 =	sld [smem:$0x3FDB];
	_ =	sdelay $0x1  }
0x99: {  	s19 =	simm.s32 $_scs_section_size  }
0x9a: {  	s4 =	simm.s32 $_size__tile_overlayer_lowered;
	s5 =	simm.s32 $_tile_overlayer_lowered  }
0x9b: {  	s22 =	simm.s32 $0x1BFF;
	s21 =	sshll.u32 s5, $0x1;
	s2 =	sadd.s32 s19, s18  }
0x9c: {  	s6 =	simm.s32 $0x0;
	s20 =	sshll.u32 s4, $0x1;
	s4 =	sadd.s32 s21, s2  }
0x9d: {  	[timem:s6], [sflag:s22] =	dma.local [hbm:s4], s20  }
0x9e: {  	_ =	swait.ge [sflag:s22], s20  }
0x9f: {  	s3 =	ssub.s32 $0x0, s20;
	[sflag:s22] =	ssyncset.done $0x0  }
0xa0: {  	[sflag:s22] =	ssyncadd.s32 s3;
	_ =	sdelay $0x1  }
0xa1: {  	s23 =	simm.s32 $0x1B8B  }
0xa2: {  	_ =	swait.ge [sflag:s23], $0x1  }
0xa3: {  	[sflag:s23] =	ssyncset.done $0x0  }
0xa4: {  	s25 =	simm.s32 $0x1B8E;
	s24 =	sld [smem:$0x3FFE];
	[sflag:s23] =	ssyncadd.s32 $0xFFFFFFFF  }
0xa5: {  	s26 =	simm.s32 $execute0_lowered;
	[smem:$0x3FD2] =	sst s25  }
0xa6: {  	s4 =	sshll.u32 s26, $0x1;
	_ =	strace $0x80000049;
	[dreg:$0x1] =	wrdreg $0xFFFFFFFF  }
0xa7: {  	s28 =	simm.s32 $_size_execute0_lowered;
	s2 =	sadd.s32 s2, s4;
	[dreg:$0x0] =	wrdreg $0x0  }
0xa8: {  	s4 =	sshll.u32 s28, $0x1;
	[dreg:$0x2] =	wrdreg s2  }
0xa9: {  	[dreg:$0x3] =	wrdreg s4  }
0xaa: {  	[dreg:$0x4] =	wrdreg $0xC0  }
0xab: {  	_ =	task [dreg:s6], $0x5FFFF  }
0xac: {  	[dreg:$0x1] =	wrdreg $0xFFFFFFFF  }
0xad: {  	[dreg:$0x0] =	wrdreg $0x60  }
0xae: {  	[dreg:$0x2] =	wrdreg s24  }
0xaf: {  	[dreg:$0x3] =	wrdreg $0x90000  }
0xb0: {  	[dreg:$0x4] =	wrdreg $0x9  }
0xb1: {  	_ =	task.clear_ibuf [dreg:s6], $0x5FFFF;
	_ =	strace $0x90000049  }
0xb2: {  	s29 =	simm.s32 $0x9;
	_ =	strace $0x8000004B  }
0xb3: {  	_ =	swait.ge [sflag:s29], $0x1  }
0xb4: {  	[sflag:s29] =	ssyncadd.s32 $0xFFFFFFFF  }
0xb5: {  	_ =	strace $0x9000004B  }
0xb6: {  	_ =	sfence  }
0xb7: {  	s30 =	sld [smem:$0x0];
	_ =	sdelay $0x2  }
0xb8: {  	s31 =	sshll.u32 s1, $0xD;
	s1 =	sshrl.u32 s1, $0x2  }
0xb9: {  	s3 =	sand.u32 $0x4000, s31;
	s1 =	sadd.s32 s1, s30  }
0xba: {  	s0 =	sor.u32 s3, s0;
	s1 =	sshll.u32 s1, $0x11  }
0xbb: {  	s0 =	sor.u32 s1, s0  }
0xbc: {  	s0 =	sadd.s32 $0x8F2B, s0  }
0xbd: {  	[sflag:s0] =	ssyncadd.remote.s32 $0x1  }
0xbe: {  	_ =	sfence.sel $0xFFFF  }
0xbf: {  	[dreg:$0x0] =	wrdreg $0xFFFFFFFF;
	(pc) =	sbr.abs _section_cstart, $3  }
0xc0: {  	[dreg:$0x1] =	wrdreg $0xFFFFFFFF  }
0xc1: {  	_ =	task.clear_ibuf [dreg:s6], $0x2FFFF;
	_ =	strace $0x9FFFFFFF  }
0xc2: {  	(tm) =	ssettm $0x7FFFFFFF  }
0xc3: {  	_ =	shalt  }
tec
execute0_lowered:
.L_overlay_start_1:
0x0: {  	(tag) =	ssettag $0x1  }
0x1: {  	s0 =	srdreg.scid;
	s6 =	rddreg [dreg:$0x0]  }
0x2: {  	s2 =	rddreg [dreg:$0x1];
	s3 =	simm.s32 $0x0;
	s14 =	simm.s32 $0x80  }
0x3: {  	s15 =	simm.s32 $0x5000;
	s5 =	sand.u32 $0x1, s0;
	s0 =	stileid.u32  }
0x4: {  	s16 =	simm.s32 $0x1;
	s17 =	simm.s32 $0x0;
	s8 =	smul.u32 $0x14000, s0  }
0x5: {  	[smem:$0x7FF] =	sst s3;
	s1 =	sshll.u32 s5, $0x4;
	s9 =	smul.u32 $0x140000, s5  }
0x6: {  	s5 =	ssub.s32 $0x2, s5;
	s29 =	smul.u32 $0x50000, s0;
	s31 =	sshll.u32 s0, $0x6  }
0x7: {  	s4 =	sor.u32 s0, s1;
	s1 =	rddreg [dreg:$0x2];
	_ =	strace $0x8000004A  }
0x8: {  	s11 =	sshrl.u32 s5, $0x1;
	s7 =	smul.u32 $0x500, s4;
	s4 =	sadd.s32 $0x38600, s6  }
0x9: {  	s28 =	sshrl.u32 s8, $0x3;
	s8 =	sadd.s32 s8, s9;
	s30 =	sshrl.u32 s29, $0x2  }
0xa: {  	s11 =	ssub.s32 s5, s11;
	s8 =	sshrl.u32 s8, $0x3;
	s13 =	sadd.s32 s30, s2  }
0xb: {  	s10 =	sadd.s32 s7, s6;
	s7 =	sadd.s32 s28, s6;
	s12 =	sadd.s32 s8, s6  }
0xc: {  	s6 =	sor.u32 $0x1C02, s31;
	s5 =	sadd.s32 $0x10600, s7;
	s7 =	sadd.s32 $0x88E00, s10  }
0xd: {  	s8 =	sadd.s32 $0x6600, s10;
	s9 =	sadd.s32 $0x92E00, s12;
	s10 =	smax.u32 s11, $0x1  }
0xe: {  	s11 =	sshrl.u32 s13, $0x3;
	s12 =	simm.s32 $0x2;
	s13 =	simm.s32 $0x2800  }
.LBB2_1:
0xf: {  	[spmem:s11], [sflag:s6] =	dma.local [hbm:s5], $0x2800  }
0x10: {  	_ =	swait.ge [sflag:s12], $0x2800  }
0x11: {  	[sflag:s12] =	ssyncset.done $0x0  }
0x12: {  	[sflag:s12] =	ssyncadd.s32 $0xFFFFD800  }
0x13: {  	[tilespmem:s3], [sflag:$0x2] =	stream.linear.gather [hbm4b:s7+s3], $0x2780, $0x38;
	[tilespmem:$0x1D000] =	vst v63  }
0x14: {  	_ =	swait.ge [sflag:s12], $0x2780  }
0x15: {  	[sflag:s12] =	ssyncset.done $0x0  }
0x16: {  	[sflag:s12] =	ssyncadd.s32 $0xFFFFD880  }
0x17: {  	[tilespmem:s13], [sflag:$0x2] =	stream.linear.gather [hbm4b:s8+s3], $0x2780, $0x38;
	[tilespmem:$0x1D000] =	vst v63  }
0x18: {  	_ =	swait.ge [sflag:s12], $0x2780  }
0x19: {  	[sflag:s12] =	ssyncset.done $0x0  }
0x1a: {  	[sflag:s12] =	ssyncadd.s32 $0xFFFFD880  }
0x1b: {  	s18 =	simm.s32 $0x0;
	[bflag:$0x0] =	sbarrier.arrive $0xFFFF  }
0x1c: {  	[tilespmem:s15], [sflag:$0x1] =	stream.indirect.gather [hbm4b:s4+s14], $0x80, s18, s14, $0xb8;
	[tilespmem:$0x1D000] =	vst v63  }
0x1d: {  	_ =	swait.ge [sflag:s16], $0x4000  }
0x1e: {  	[sflag:s16] =	ssyncset.done $0x0  }
0x1f: {  	s31 =	simm.s32 $0x2800;
	[sflag:s16] =	ssyncadd.s32 $0xFFFFC000  }
0x20: {  	[spmem:s2] =	stream.indirect.scatter.add.f32 [tilespmem:s15], [sflag:$0x2], $0x80, s31, s14, $0xb8;
	[tilespmem:$0x1D000] =	vst v63  }
0x21: {  	_ =	swait.ge [sflag:s12], $0x4000  }
0x22: {  	s19 =	simm.s32 $0x400;
	s18 =	simm.s32 $0x200;
	[sflag:s12] =	ssyncset.done $0x0  }
.LBB2_2:
0x23: {  	s20 =	sshra.s32 s18, $0x2  }
0x24: {  	[sflag:s12] =	ssyncadd.s32 $0xFFFFC000;
	s18 =	smov.u32 s19;
	s21 =	sadd.s32 $0x200, s19  }
0x25: {  	[tilespmem:s15], [sflag:$0x1] =	stream.indirect.gather [hbm4b:s4+s14], $0x80, s20, s14, $0xb8;
	[tilespmem:$0x1D000] =	vst v63  }
0x26: {  	p0 =	sne.s32 s19, $0x9C00;
	_ =	swait.ge [sflag:s16], $0x4000  }
.Ltmp0:
0x27: {  	[sflag:s16] =	ssyncset.done $0x0;
	(pc) =	sbr.rel @p0 .LBB2_2-.Ltmp0, $4  }
0x28: {  	s19 =	sadd.s32 $0x2800, s20;
	[sflag:s16] =	ssyncadd.s32 $0xFFFFC000  }
0x29: {  	[spmem:s2] =	stream.indirect.scatter.add.f32 [tilespmem:s15], [sflag:$0x2], $0x80, s19, s14, $0xb8;
	[tilespmem:$0x1D000] =	vst v63  }
0x2a: {  	_ =	swait.ge [sflag:s12], $0x4000  }
0x2b: {  	s19 =	smov.u32 s21;
	[sflag:s12] =	ssyncset.done $0x0  }
0x2c: {  	s18 =	sshra.s32 s18, $0x2;
	[sflag:s12] =	ssyncadd.s32 $0xFFFFC000  }
0x2d: {  	[tilespmem:s15], [sflag:$0x1] =	stream.indirect.gather [hbm4b:s4+s14], $0x80, s18, s14, $0xb8;
	[tilespmem:$0x1D000] =	vst v63  }
0x2e: {  	_ =	swait.ge [sflag:s16], $0x4000  }
0x2f: {  	[sflag:s16] =	ssyncset.done $0x0  }
0x30: {  	s18 =	sadd.s32 $0x2800, s18;
	[sflag:s16] =	ssyncadd.s32 $0xFFFFC000  }
0x31: {  	[spmem:s2] =	stream.indirect.scatter.add.f32 [tilespmem:s15], [sflag:$0x2], $0x80, s18, s14, $0xb8;
	[tilespmem:$0x1D000] =	vst v63  }
0x32: {  	_ =	swait.ge [sflag:s12], $0x4000  }
0x33: {  	s17 =	sadd.s32 $0x1, s17;
	[sflag:s12] =	ssyncset.done $0x0  }
0x34: {  	p0 =	sne.s32 s17, s10;
	[sflag:s12] =	ssyncadd.s32 $0xFFFFC000  }
.Ltmp1:
0x35: {  	[bflag:$0x0] =	sbarrier.arrive $0xFFFF;
	(pc) =	sbr.rel @p0 .LBB2_1-.Ltmp1, $4  }
0x36: {  	[hbm:s9], [sflag:s6] =	dma.local [spmem:s11], $0x2800  }
0x37: {  	_ =	swait.ge [sflag:s12], $0x2800  }
0x38: {  	[sflag:s12] =	ssyncset.done $0x0  }
0x39: {  	[sflag:s12] =	ssyncadd.s32 $0xFFFFD800  }
0x3a: {  	_ =	sfence.sel $0x180000  }
0x3b: {  	[bflag:$0x0] =	sbarrier.arrive $0xFFFF  }
0x3c: {  	p0 =	sne.s32 s0, $0x0;
	_ =	strace $0x9000004A  }
0x3d: {  	s0 =	sadd.s32 @!p0 $0x100000, s1;
	[bflag:$0x2] =	sbarrier.arrive $0xFFFF  }
0x3e: {  	[sflag:s0] =	ssyncadd.tile.s32 @!p0 $0x1;
	_ =	shalt  }
.Lfunc_end2:
_tile_overlayer_lowered:
.L_overlay_start_2:
0x3f: {  	(tag) =	ssettag $0x2  }
0x40: {  	s0 =	rddreg [dreg:$0x0];
	s2 =	stileid.u32  }
0x41: {  	s1 =	rddreg [dreg:$0x1];
	p0 =	sne.s32 s2, $0x0  }
0x42: {  	s3 =	rddreg [dreg:$0x2];
	[bflag:$0x3] =	sbarrier.arrive $0xFFFF;
	s2 =	simm.s32 @!p0 $0x1C02  }
0x43: {  	[timem:s3], [sflag:s2] =	dma.local @!p0 [hbm:s0], s1  }
0x44: {  	s0 =	simm.s32 @!p0 $0x2  }
0x45: {  	_ =	swait.ge @!p0 [sflag:s0], s1  }
0x46: {  	s1 =	ssub.s32 @!p0 $0x0, s1;
	[sflag:s0] =	ssyncset.done @!p0 $0x0  }
0x47: {  	[sflag:s0] =	ssyncadd.s32 @!p0 s1  }
0x48: {  	[bflag:$0x3] =	sbarrier.arrive $0xFFFF  }
0x49: {  	_ =	shalt  }

// kernel: kernel.19.cloned.1.call-start
scs
__scs_entry_jumppad:
0x0: {  	(pc) =	sbr.rel $0x88, $3  }
0x1: {  	(tag) =	ssettag $0x0;
	lr =	simm.s32 $0x1  }
0x2: {  	[smem:$0x3F95] =	sst lr;
	_ =	strace $0xD0000000  }
0x3: {  	_ = 	snop  }
0x4: {  	_ = 	snop  }
0x5: {  	_ = 	snop  }
0x6: {  	_ = 	snop  }
0x7: {  	_ = 	snop  }
__scs_overlays_trampoline_lowered:
0x8: {  	[smem:$0x3FA4] =	sst s0  }
0x9: {  	[smem:$0x3FA5] =	sst s1  }
0xa: {  	[smem:$0x3FA6] =	sst s2  }
0xb: {  	[smem:$0x3FA7] =	sst s3  }
0xc: {  	[smem:$0x3FA8] =	sst s4  }
0xd: {  	[smem:$0x3FA9] =	sst s5  }
0xe: {  	[smem:$0x3FAA] =	sst s6  }
0xf: {  	[smem:$0x3FAB] =	sst s7  }
0x10: {  	[smem:$0x3FAC] =	sst s8  }
0x11: {  	[smem:$0x3FAD] =	sst s9;
	s0 =	simm.s32 @!p0 $0x0  }
0x12: {  	s1 =	sld [smem:$0x3F93];
	s0 =	simm.s32 @p0 $0x1  }
0x13: {  	[smem:$0x3FAE] =	sst s0;
	s0 =	simm.s32 @!p1 $0x0  }
0x14: {  	s2 =	sld [smem:$0x3F92];
	s0 =	simm.s32 @p1 $0x1  }
0x15: {  	[smem:$0x3FAF] =	sst s0;
	s0 =	simm.s32 @!p2 $0x0  }
0x16: {  	s3 =	sld [smem:$0x3FDB];
	s0 =	simm.s32 @p2 $0x1  }
0x17: {  	s4 =	simm.s32 $0x1BF5;
	[smem:$0x3FB1] =	sst s0  }
0x18: {  	s0 =	sld [smem:$0x3F94];
	_ =	swait.ge [sflag:s4], $0x0  }
0x19: {  	s7 =	sld [smem:$0x3F95]  }
0x1a: {  	s8 =	sadd.s32 $0xFFFFE003, lr  }
0x1b: {  	s9 =	sadd.s32 $0xFFFFFEF7, lr;
	s5 =	simm.s32 $0xFFFFFFFF;
	p2 =	slt.u32 s8, $0xFFFFF086  }
0x1c: {  	p1 =	slt.u32 s9, $0xF7A;
	s5 =	simm.s32 @!p2 $0x0  }
0x1d: {  	s5 =	simm.s32 @p1 $0x1;
	p0 =	seq.s32 s7, s2  }
0x1e: {  	s7 =	smul.u32 @!p0 $0xF7A, s2;
	p2 =	seq.s32 @!p0 s5, $0x0  }
0x1f: {  	s9 =	smul.u32 $0xF7A, s1;
	s8 =	simm.s32 @!p0 $0x1BF5;
	p2 =	por !p2, p0  }
0x20: {  	[sflag:s8] =	ssyncset.s32 @!p0 $0xFFFFF086;
	s6 =	sadd.s32 @!p0 s3, s7;
	s7 =	simm.s32 @!p0 $0x108  }
0x21: {  	s3 =	sadd.s32 s3, s9;
	s6 =	sadd.s32 @!p0 $0x88, s6;
	s7 =	simm.s32 @p2 $0x1082  }
0x22: {  	[simem:s7], [sflag:s8] =	dma.local @!p0 [hbm:s6], $0xF7A  }
0x23: {  	s9 =	sor.u32 $0xD0000000, s2;
	s6 =	simm.s32 $0x108;
	_ =	swait.ge @!p0 [sflag:s8], $0x0  }
0x24: {  	s3 =	sadd.s32 $0x88, s3;
	s6 =	simm.s32 @!p1 $0x1082;
	[sflag:s4] =	ssyncset.s32 $0xFFFFF086  }
0x25: {  	[simem:s6], [sflag:s4] =	dma.local [hbm:s3], $0xF7A  }
0x26: {  	[smem:$0x3F95] =	sst s1;
	(tag) =	ssettag s2;
	_ =	strace s9  }
0x27: {  	s1 =	sld [smem:$0x3FA5]  }
0x28: {  	s2 =	sld [smem:$0x3FA6]  }
0x29: {  	s4 =	sld [smem:$0x3FA8]  }
0x2a: {  	p0 =	seq.s32 s5, $0x0;
	s5 =	sld [smem:$0x3FA9]  }
0x2b: {  	s6 =	sld [smem:$0x3FAA]  }
0x2c: {  	s7 =	sld [smem:$0x3FAB]  }
0x2d: {  	s3 =	simm.s32 $0x108;
	s8 =	sld [smem:$0x3FAC]  }
0x2e: {  	s3 =	simm.s32 @!p0 $0x1082;
	s9 =	sld [smem:$0x3FAD]  }
0x2f: {  	lr =	sadd.s32 s0, s3;
	s0 =	sld [smem:$0x3FA4]  }
0x30: {  	s3 =	sld [smem:$0x3FA7]  }
0x31: {  	[smem:$0x3FB0] =	sst s10  }
0x32: {  	s10 =	sld [smem:$0x3FAE];
	_ =	sdelay $0x3  }
0x33: {  	p0 =	seq.s32 s10, $0x1;
	s10 =	sld [smem:$0x3FB0];
	_ =	sdelay $0x3  }
0x34: {  	[smem:$0x3FB0] =	sst s10  }
0x35: {  	s10 =	sld [smem:$0x3FAF];
	_ =	sdelay $0x3  }
0x36: {  	p1 =	seq.s32 s10, $0x1;
	s10 =	sld [smem:$0x3FB0];
	_ =	sdelay $0x3  }
0x37: {  	[smem:$0x3FB0] =	sst s10  }
0x38: {  	s10 =	sld [smem:$0x3FB1]  }
0x39: {  	_ = 	snop;
	(pc) =	sbr.ind lr, $3  }
0x3a: {  	_ = 	snop  }
0x3b: {  	_ = 	snop  }
0x3c: {  	p2 =	seq.s32 s10, $0x1;
	s10 =	sld [smem:$0x3FB0]  }
0x3d: {  	_ =	shalt  }
0x3e: {  	_ =	shalt  }
0x3f: {  	_ =	shalt  }
0x40: {  	_ =	shalt  }
0x41: {  	_ =	shalt  }
0x42: {  	_ =	shalt  }
0x43: {  	_ =	shalt  }
0x44: {  	_ =	shalt  }
0x45: {  	_ =	shalt  }
0x46: {  	_ =	shalt  }
0x47: {  	_ =	shalt  }
0x48: {  	_ =	shalt  }
0x49: {  	_ =	shalt  }
0x4a: {  	_ =	shalt  }
0x4b: {  	_ =	shalt  }
0x4c: {  	_ =	shalt  }
0x4d: {  	_ =	shalt  }
0x4e: {  	_ =	shalt  }
0x4f: {  	_ =	shalt  }
0x50: {  	_ =	shalt  }
0x51: {  	_ =	shalt  }
0x52: {  	_ =	shalt  }
0x53: {  	_ =	shalt  }
0x54: {  	_ =	shalt  }
0x55: {  	_ =	shalt  }
0x56: {  	_ =	shalt  }
0x57: {  	_ =	shalt  }
0x58: {  	_ =	shalt  }
0x59: {  	_ =	shalt  }
0x5a: {  	_ =	shalt  }
0x5b: {  	_ =	shalt  }
0x5c: {  	_ =	shalt  }
0x5d: {  	_ =	shalt  }
0x5e: {  	_ =	shalt  }
0x5f: {  	_ =	shalt  }
0x60: {  	_ =	shalt  }
0x61: {  	_ =	shalt  }
0x62: {  	_ =	shalt  }
0x63: {  	_ =	shalt  }
0x64: {  	_ =	shalt  }
0x65: {  	_ =	shalt  }
0x66: {  	_ =	shalt  }
0x67: {  	_ =	shalt  }
0x68: {  	_ =	shalt  }
0x69: {  	_ =	shalt  }
0x6a: {  	_ =	shalt  }
0x6b: {  	_ =	shalt  }
0x6c: {  	_ =	shalt  }
0x6d: {  	_ =	shalt  }
0x6e: {  	_ =	shalt  }
0x6f: {  	_ =	shalt  }
0x70: {  	_ =	shalt  }
0x71: {  	_ =	shalt  }
0x72: {  	_ =	shalt  }
0x73: {  	_ =	shalt  }
0x74: {  	_ =	shalt  }
0x75: {  	_ =	shalt  }
0x76: {  	_ =	shalt  }
0x77: {  	_ =	shalt  }
0x78: {  	_ =	shalt  }
0x79: {  	_ =	shalt  }
0x7a: {  	_ =	shalt  }
0x7b: {  	_ =	shalt  }
0x7c: {  	_ =	shalt  }
0x7d: {  	_ =	shalt  }
0x7e: {  	_ =	shalt  }
0x7f: {  	_ =	shalt  }
0x80: {  	_ =	shalt  }
0x81: {  	_ =	shalt  }
0x82: {  	_ =	shalt  }
0x83: {  	_ =	shalt  }
0x84: {  	_ =	shalt  }
0x85: {  	_ =	shalt  }
0x86: {  	_ =	shalt  }
0x87: {  	_ =	shalt  }
.Lfunc_end0:
.L_simem_size_0:
called_computation.2_lowered:
.L_overlay_start_0:
0x88: {  	s2 =	sld [smem:$0x3FD9]  }
0x89: {  	s3 =	sld [smem:$0x3FFE];
	_ =	sdelay $0x1  }
0x8a: {  	s1 =	srdreg.scid  }
0x8b: {  	s0 =	sand.u32 $0x1, s1  }
0x8c: {  	s16 =	sshll.u32 s0, $0xA;
	s2 =	sadd.s32 s3, s2  }
0x8d: {  	s2 =	sadd.s32 s2, s16  }
0x8e: {  	[smem:$0x3FBC] =	sst s2  }
0x8f: {  	_ = 	snop  }
0x90: {  	(tm) =	ssettm $0x1  }
0x91: {  	s17 =	sld [smem:$0x3FFB];
	_ =	sdelay $0x3  }
0x92: {  	_ =	strace s17  }
0x93: {  	s2 =	sld [smem:$0x3FFC];
	_ =	sdelay $0x3  }
0x94: {  	_ =	strace s2  }
0x95: {  	s2 =	sld [smem:$0x3FFD];
	_ =	sdelay $0x3  }
0x96: {  	_ =	strace s2  }
0x97: {  	_ =	strace $0x8FFFFFFF  }
0x98: {  	s18 =	sld [smem:$0x3FDB];
	_ =	sdelay $0x1  }
0x99: {  	s19 =	simm.s32 $_scs_section_size  }
0x9a: {  	s4 =	simm.s32 $_size__tile_overlayer_lowered;
	s5 =	simm.s32 $_tile_overlayer_lowered  }
0x9b: {  	s22 =	simm.s32 $0x1BFF;
	s21 =	sshll.u32 s5, $0x1;
	s2 =	sadd.s32 s19, s18  }
0x9c: {  	s6 =	simm.s32 $0x0;
	s20 =	sshll.u32 s4, $0x1;
	s4 =	sadd.s32 s21, s2  }
0x9d: {  	[timem:s6], [sflag:s22] =	dma.local [hbm:s4], s20  }
0x9e: {  	_ =	swait.ge [sflag:s22], s20  }
0x9f: {  	s3 =	ssub.s32 $0x0, s20;
	[sflag:s22] =	ssyncset.done $0x0  }
0xa0: {  	[sflag:s22] =	ssyncadd.s32 s3;
	_ =	sdelay $0x1  }
0xa1: {  	s23 =	simm.s32 $0x1B8B  }
0xa2: {  	_ =	swait.ge [sflag:s23], $0x1  }
0xa3: {  	[sflag:s23] =	ssyncset.done $0x0  }
0xa4: {  	s25 =	simm.s32 $0x1B8E;
	s24 =	sld [smem:$0x3FFE];
	[sflag:s23] =	ssyncadd.s32 $0xFFFFFFFF  }
0xa5: {  	s26 =	simm.s32 $execute0_lowered;
	[smem:$0x3FD2] =	sst s25  }
0xa6: {  	s4 =	sshll.u32 s26, $0x1;
	_ =	strace $0x8000004C;
	[dreg:$0x1] =	wrdreg $0xFFFFFFFF  }
0xa7: {  	s28 =	simm.s32 $_size_execute0_lowered;
	s2 =	sadd.s32 s2, s4;
	[dreg:$0x0] =	wrdreg $0x0  }
0xa8: {  	s4 =	sshll.u32 s28, $0x1;
	[dreg:$0x2] =	wrdreg s2  }
0xa9: {  	[dreg:$0x3] =	wrdreg s4  }
0xaa: {  	[dreg:$0x4] =	wrdreg $0xC0  }
0xab: {  	_ =	task [dreg:s6], $0x5FFFF  }
0xac: {  	[dreg:$0x1] =	wrdreg $0xFFFFFFFF  }
0xad: {  	[dreg:$0x0] =	wrdreg $0x60  }
0xae: {  	[dreg:$0x2] =	wrdreg s24  }
0xaf: {  	[dreg:$0x3] =	wrdreg $0x90000  }
0xb0: {  	[dreg:$0x4] =	wrdreg $0x9  }
0xb1: {  	_ =	task.clear_ibuf [dreg:s6], $0x5FFFF;
	_ =	strace $0x9000004C  }
0xb2: {  	s29 =	simm.s32 $0x9;
	_ =	strace $0x8000004E  }
0xb3: {  	_ =	swait.ge [sflag:s29], $0x1  }
0xb4: {  	[sflag:s29] =	ssyncadd.s32 $0xFFFFFFFF  }
0xb5: {  	_ =	strace $0x9000004E  }
0xb6: {  	_ =	sfence  }
0xb7: {  	s30 =	sld [smem:$0x0];
	_ =	sdelay $0x2  }
0xb8: {  	s31 =	sshll.u32 s1, $0xD;
	s1 =	sshrl.u32 s1, $0x2  }
0xb9: {  	s3 =	sand.u32 $0x4000, s31;
	s1 =	sadd.s32 s1, s30  }
0xba: {  	s0 =	sor.u32 s3, s0;
	s1 =	sshll.u32 s1, $0x11  }
0xbb: {  	s0 =	sor.u32 s1, s0  }
0xbc: {  	s0 =	sadd.s32 $0x8F2B, s0  }
0xbd: {  	[sflag:s0] =	ssyncadd.remote.s32 $0x1  }
0xbe: {  	_ =	sfence.sel $0xFFFF  }
0xbf: {  	[dreg:$0x0] =	wrdreg $0xFFFFFFFF;
	(pc) =	sbr.abs _section_cstart, $3  }
0xc0: {  	[dreg:$0x1] =	wrdreg $0xFFFFFFFF  }
0xc1: {  	_ =	task.clear_ibuf [dreg:s6], $0x2FFFF;
	_ =	strace $0x9FFFFFFF  }
0xc2: {  	(tm) =	ssettm $0x7FFFFFFF  }
0xc3: {  	_ =	shalt  }
tec
execute0_lowered:
.L_overlay_start_1:
0x0: {  	(tag) =	ssettag $0x1  }
0x1: {  	s0 =	srdreg.scid;
	s6 =	rddreg [dreg:$0x0]  }
0x2: {  	s2 =	rddreg [dreg:$0x1];
	s3 =	simm.s32 $0x0;
	s14 =	simm.s32 $0x80  }
0x3: {  	s15 =	simm.s32 $0x5000;
	s5 =	sand.u32 $0x1, s0;
	s0 =	stileid.u32  }
0x4: {  	s16 =	simm.s32 $0x1;
	s17 =	simm.s32 $0x0;
	s8 =	smul.u32 $0x14000, s0  }
0x5: {  	[smem:$0x7FF] =	sst s3;
	s1 =	sshll.u32 s5, $0x4;
	s9 =	smul.u32 $0x140000, s5  }
0x6: {  	s5 =	ssub.s32 $0x2, s5;
	s29 =	smul.u32 $0x50000, s0;
	s31 =	sshll.u32 s0, $0x6  }
0x7: {  	s4 =	sor.u32 s0, s1;
	s1 =	rddreg [dreg:$0x2];
	_ =	strace $0x8000004D  }
0x8: {  	s11 =	sshrl.u32 s5, $0x1;
	s7 =	smul.u32 $0x500, s4;
	s4 =	sadd.s32 $0x38600, s6  }
0x9: {  	s28 =	sshrl.u32 s8, $0x3;
	s8 =	sadd.s32 s8, s9;
	s30 =	sshrl.u32 s29, $0x2  }
0xa: {  	s11 =	ssub.s32 s5, s11;
	s8 =	sshrl.u32 s8, $0x3;
	s13 =	sadd.s32 s30, s2  }
0xb: {  	s10 =	sadd.s32 s7, s6;
	s7 =	sadd.s32 s28, s6;
	s12 =	sadd.s32 s8, s6  }
0xc: {  	s6 =	sor.u32 $0x1C02, s31;
	s5 =	sadd.s32 $0x10600, s7;
	s7 =	sadd.s32 $0x88E00, s10  }
0xd: {  	s8 =	sadd.s32 $0x6600, s10;
	s9 =	sadd.s32 $0x92E00, s12;
	s10 =	smax.u32 s11, $0x1  }
0xe: {  	s11 =	sshrl.u32 s13, $0x3;
	s12 =	simm.s32 $0x2;
	s13 =	simm.s32 $0x2800  }
.LBB2_1:
0xf: {  	[spmem:s11], [sflag:s6] =	dma.local [hbm:s5], $0x2800  }
0x10: {  	_ =	swait.ge [sflag:s12], $0x2800  }
0x11: {  	[sflag:s12] =	ssyncset.done $0x0  }
0x12: {  	[sflag:s12] =	ssyncadd.s32 $0xFFFFD800  }
0x13: {  	[tilespmem:s3], [sflag:$0x2] =	stream.linear.gather [hbm4b:s7+s3], $0x2780, $0x38;
	[tilespmem:$0x1D000] =	vst v63  }
0x14: {  	_ =	swait.ge [sflag:s12], $0x2780  }
0x15: {  	[sflag:s12] =	ssyncset.done $0x0  }
0x16: {  	[sflag:s12] =	ssyncadd.s32 $0xFFFFD880  }
0x17: {  	[tilespmem:s13], [sflag:$0x2] =	stream.linear.gather [hbm4b:s8+s3], $0x2780, $0x38;
	[tilespmem:$0x1D000] =	vst v63  }
0x18: {  	_ =	swait.ge [sflag:s12], $0x2780  }
0x19: {  	[sflag:s12] =	ssyncset.done $0x0  }
0x1a: {  	[sflag:s12] =	ssyncadd.s32 $0xFFFFD880  }
0x1b: {  	s18 =	simm.s32 $0x0;
	[bflag:$0x0] =	sbarrier.arrive $0xFFFF  }
0x1c: {  	[tilespmem:s15], [sflag:$0x1] =	stream.indirect.gather [hbm4b:s4+s14], $0x80, s18, s14, $0xb8;
	[tilespmem:$0x1D000] =	vst v63  }
0x1d: {  	_ =	swait.ge [sflag:s16], $0x4000  }
0x1e: {  	[sflag:s16] =	ssyncset.done $0x0  }
0x1f: {  	s31 =	simm.s32 $0x2800;
	[sflag:s16] =	ssyncadd.s32 $0xFFFFC000  }
0x20: {  	[spmem:s2] =	stream.indirect.scatter.add.f32 [tilespmem:s15], [sflag:$0x2], $0x80, s31, s14, $0xb8;
	[tilespmem:$0x1D000] =	vst v63  }
0x21: {  	_ =	swait.ge [sflag:s12], $0x4000  }
0x22: {  	s19 =	simm.s32 $0x400;
	s18 =	simm.s32 $0x200;
	[sflag:s12] =	ssyncset.done $0x0  }
.LBB2_2:
0x23: {  	s20 =	sshra.s32 s18, $0x2  }
0x24: {  	[sflag:s12] =	ssyncadd.s32 $0xFFFFC000;
	s18 =	smov.u32 s19;
	s21 =	sadd.s32 $0x200, s19  }
0x25: {  	[tilespmem:s15], [sflag:$0x1] =	stream.indirect.gather [hbm4b:s4+s14], $0x80, s20, s14, $0xb8;
	[tilespmem:$0x1D000] =	vst v63  }
0x26: {  	p0 =	sne.s32 s19, $0x9C00;
	_ =	swait.ge [sflag:s16], $0x4000  }
.Ltmp0:
0x27: {  	[sflag:s16] =	ssyncset.done $0x0;
	(pc) =	sbr.rel @p0 .LBB2_2-.Ltmp0, $4  }
0x28: {  	s19 =	sadd.s32 $0x2800, s20;
	[sflag:s16] =	ssyncadd.s32 $0xFFFFC000  }
0x29: {  	[spmem:s2] =	stream.indirect.scatter.add.f32 [tilespmem:s15], [sflag:$0x2], $0x80, s19, s14, $0xb8;
	[tilespmem:$0x1D000] =	vst v63  }
0x2a: {  	_ =	swait.ge [sflag:s12], $0x4000  }
0x2b: {  	s19 =	smov.u32 s21;
	[sflag:s12] =	ssyncset.done $0x0  }
0x2c: {  	s18 =	sshra.s32 s18, $0x2;
	[sflag:s12] =	ssyncadd.s32 $0xFFFFC000  }
0x2d: {  	[tilespmem:s15], [sflag:$0x1] =	stream.indirect.gather [hbm4b:s4+s14], $0x80, s18, s14, $0xb8;
	[tilespmem:$0x1D000] =	vst v63  }
0x2e: {  	_ =	swait.ge [sflag:s16], $0x4000  }
0x2f: {  	[sflag:s16] =	ssyncset.done $0x0  }
0x30: {  	s18 =	sadd.s32 $0x2800, s18;
	[sflag:s16] =	ssyncadd.s32 $0xFFFFC000  }
0x31: {  	[spmem:s2] =	stream.indirect.scatter.add.f32 [tilespmem:s15], [sflag:$0x2], $0x80, s18, s14, $0xb8;
	[tilespmem:$0x1D000] =	vst v63  }
0x32: {  	_ =	swait.ge [sflag:s12], $0x4000  }
0x33: {  	s17 =	sadd.s32 $0x1, s17;
	[sflag:s12] =	ssyncset.done $0x0  }
0x34: {  	p0 =	sne.s32 s17, s10;
	[sflag:s12] =	ssyncadd.s32 $0xFFFFC000  }
.Ltmp1:
0x35: {  	[bflag:$0x0] =	sbarrier.arrive $0xFFFF;
	(pc) =	sbr.rel @p0 .LBB2_1-.Ltmp1, $4  }
0x36: {  	[hbm:s9], [sflag:s6] =	dma.local [spmem:s11], $0x2800  }
0x37: {  	_ =	swait.ge [sflag:s12], $0x2800  }
0x38: {  	[sflag:s12] =	ssyncset.done $0x0  }
0x39: {  	[sflag:s12] =	ssyncadd.s32 $0xFFFFD800  }
0x3a: {  	_ =	sfence.sel $0x180000  }
0x3b: {  	[bflag:$0x0] =	sbarrier.arrive $0xFFFF  }
0x3c: {  	p0 =	sne.s32 s0, $0x0;
	_ =	strace $0x9000004D  }
0x3d: {  	s0 =	sadd.s32 @!p0 $0x100000, s1;
	[bflag:$0x2] =	sbarrier.arrive $0xFFFF  }
0x3e: {  	[sflag:s0] =	ssyncadd.tile.s32 @!p0 $0x1;
	_ =	shalt  }
.Lfunc_end2:
_tile_overlayer_lowered:
.L_overlay_start_2:
0x3f: {  	(tag) =	ssettag $0x2  }
0x40: {  	s0 =	rddreg [dreg:$0x0];
	s2 =	stileid.u32  }
0x41: {  	s1 =	rddreg [dreg:$0x1];
	p0 =	sne.s32 s2, $0x0  }
0x42: {  	s3 =	rddreg [dreg:$0x2];
	[bflag:$0x3] =	sbarrier.arrive $0xFFFF;
	s2 =	simm.s32 @!p0 $0x1C02  }
0x43: {  	[timem:s3], [sflag:s2] =	dma.local @!p0 [hbm:s0], s1  }
0x44: {  	s0 =	simm.s32 @!p0 $0x2  }
0x45: {  	_ =	swait.ge @!p0 [sflag:s0], s1  }
0x46: {  	s1 =	ssub.s32 @!p0 $0x0, s1;
	[sflag:s0] =	ssyncset.done @!p0 $0x0  }
0x47: {  	[sflag:s0] =	ssyncadd.s32 @!p0 s1  }
0x48: {  	[bflag:$0x3] =	sbarrier.arrive $0xFFFF  }
0x49: {  	_ =	shalt  }

// kernel: kernel.22.cloned.1.call-start
scs
__scs_entry_jumppad:
0x0: {  	(pc) =	sbr.rel $0x88, $3  }
0x1: {  	(tag) =	ssettag $0x0;
	lr =	simm.s32 $0x1  }
0x2: {  	[smem:$0x3F95] =	sst lr;
	_ =	strace $0xD0000000  }
0x3: {  	_ = 	snop  }
0x4: {  	_ = 	snop  }
0x5: {  	_ = 	snop  }
0x6: {  	_ = 	snop  }
0x7: {  	_ = 	snop  }
__scs_overlays_trampoline_lowered:
0x8: {  	[smem:$0x3FA4] =	sst s0  }
0x9: {  	[smem:$0x3FA5] =	sst s1  }
0xa: {  	[smem:$0x3FA6] =	sst s2  }
0xb: {  	[smem:$0x3FA7] =	sst s3  }
0xc: {  	[smem:$0x3FA8] =	sst s4  }
0xd: {  	[smem:$0x3FA9] =	sst s5  }
0xe: {  	[smem:$0x3FAA] =	sst s6  }
0xf: {  	[smem:$0x3FAB] =	sst s7  }
0x10: {  	[smem:$0x3FAC] =	sst s8  }
0x11: {  	[smem:$0x3FAD] =	sst s9;
	s0 =	simm.s32 @!p0 $0x0  }
0x12: {  	s1 =	sld [smem:$0x3F93];
	s0 =	simm.s32 @p0 $0x1  }
0x13: {  	[smem:$0x3FAE] =	sst s0;
	s0 =	simm.s32 @!p1 $0x0  }
0x14: {  	s2 =	sld [smem:$0x3F92];
	s0 =	simm.s32 @p1 $0x1  }
0x15: {  	[smem:$0x3FAF] =	sst s0;
	s0 =	simm.s32 @!p2 $0x0  }
0x16: {  	s3 =	sld [smem:$0x3FDB];
	s0 =	simm.s32 @p2 $0x1  }
0x17: {  	s4 =	simm.s32 $0x1BF5;
	[smem:$0x3FB1] =	sst s0  }
0x18: {  	s0 =	sld [smem:$0x3F94];
	_ =	swait.ge [sflag:s4], $0x0  }
0x19: {  	s7 =	sld [smem:$0x3F95]  }
0x1a: {  	s8 =	sadd.s32 $0xFFFFE003, lr  }
0x1b: {  	s9 =	sadd.s32 $0xFFFFFEF7, lr;
	s5 =	simm.s32 $0xFFFFFFFF;
	p2 =	slt.u32 s8, $0xFFFFF086  }
0x1c: {  	p1 =	slt.u32 s9, $0xF7A;
	s5 =	simm.s32 @!p2 $0x0  }
0x1d: {  	s5 =	simm.s32 @p1 $0x1;
	p0 =	seq.s32 s7, s2  }
0x1e: {  	s7 =	smul.u32 @!p0 $0xF7A, s2;
	p2 =	seq.s32 @!p0 s5, $0x0  }
0x1f: {  	s9 =	smul.u32 $0xF7A, s1;
	s8 =	simm.s32 @!p0 $0x1BF5;
	p2 =	por !p2, p0  }
0x20: {  	[sflag:s8] =	ssyncset.s32 @!p0 $0xFFFFF086;
	s6 =	sadd.s32 @!p0 s3, s7;
	s7 =	simm.s32 @!p0 $0x108  }
0x21: {  	s3 =	sadd.s32 s3, s9;
	s6 =	sadd.s32 @!p0 $0x88, s6;
	s7 =	simm.s32 @p2 $0x1082  }
0x22: {  	[simem:s7], [sflag:s8] =	dma.local @!p0 [hbm:s6], $0xF7A  }
0x23: {  	s9 =	sor.u32 $0xD0000000, s2;
	s6 =	simm.s32 $0x108;
	_ =	swait.ge @!p0 [sflag:s8], $0x0  }
0x24: {  	s3 =	sadd.s32 $0x88, s3;
	s6 =	simm.s32 @!p1 $0x1082;
	[sflag:s4] =	ssyncset.s32 $0xFFFFF086  }
0x25: {  	[simem:s6], [sflag:s4] =	dma.local [hbm:s3], $0xF7A  }
0x26: {  	[smem:$0x3F95] =	sst s1;
	(tag) =	ssettag s2;
	_ =	strace s9  }
0x27: {  	s1 =	sld [smem:$0x3FA5]  }
0x28: {  	s2 =	sld [smem:$0x3FA6]  }
0x29: {  	s4 =	sld [smem:$0x3FA8]  }
0x2a: {  	p0 =	seq.s32 s5, $0x0;
	s5 =	sld [smem:$0x3FA9]  }
0x2b: {  	s6 =	sld [smem:$0x3FAA]  }
0x2c: {  	s7 =	sld [smem:$0x3FAB]  }
0x2d: {  	s3 =	simm.s32 $0x108;
	s8 =	sld [smem:$0x3FAC]  }
0x2e: {  	s3 =	simm.s32 @!p0 $0x1082;
	s9 =	sld [smem:$0x3FAD]  }
0x2f: {  	lr =	sadd.s32 s0, s3;
	s0 =	sld [smem:$0x3FA4]  }
0x30: {  	s3 =	sld [smem:$0x3FA7]  }
0x31: {  	[smem:$0x3FB0] =	sst s10  }
0x32: {  	s10 =	sld [smem:$0x3FAE];
	_ =	sdelay $0x3  }
0x33: {  	p0 =	seq.s32 s10, $0x1;
	s10 =	sld [smem:$0x3FB0];
	_ =	sdelay $0x3  }
0x34: {  	[smem:$0x3FB0] =	sst s10  }
0x35: {  	s10 =	sld [smem:$0x3FAF];
	_ =	sdelay $0x3  }
0x36: {  	p1 =	seq.s32 s10, $0x1;
	s10 =	sld [smem:$0x3FB0];
	_ =	sdelay $0x3  }
0x37: {  	[smem:$0x3FB0] =	sst s10  }
0x38: {  	s10 =	sld [smem:$0x3FB1]  }
0x39: {  	_ = 	snop;
	(pc) =	sbr.ind lr, $3  }
0x3a: {  	_ = 	snop  }
0x3b: {  	_ = 	snop  }
0x3c: {  	p2 =	seq.s32 s10, $0x1;
	s10 =	sld [smem:$0x3FB0]  }
0x3d: {  	_ =	shalt  }
0x3e: {  	_ =	shalt  }
0x3f: {  	_ =	shalt  }
0x40: {  	_ =	shalt  }
0x41: {  	_ =	shalt  }
0x42: {  	_ =	shalt  }
0x43: {  	_ =	shalt  }
0x44: {  	_ =	shalt  }
0x45: {  	_ =	shalt  }
0x46: {  	_ =	shalt  }
0x47: {  	_ =	shalt  }
0x48: {  	_ =	shalt  }
0x49: {  	_ =	shalt  }
0x4a: {  	_ =	shalt  }
0x4b: {  	_ =	shalt  }
0x4c: {  	_ =	shalt  }
0x4d: {  	_ =	shalt  }
0x4e: {  	_ =	shalt  }
0x4f: {  	_ =	shalt  }
0x50: {  	_ =	shalt  }
0x51: {  	_ =	shalt  }
0x52: {  	_ =	shalt  }
0x53: {  	_ =	shalt  }
0x54: {  	_ =	shalt  }
0x55: {  	_ =	shalt  }
0x56: {  	_ =	shalt  }
0x57: {  	_ =	shalt  }
0x58: {  	_ =	shalt  }
0x59: {  	_ =	shalt  }
0x5a: {  	_ =	shalt  }
0x5b: {  	_ =	shalt  }
0x5c: {  	_ =	shalt  }
0x5d: {  	_ =	shalt  }
0x5e: {  	_ =	shalt  }
0x5f: {  	_ =	shalt  }
0x60: {  	_ =	shalt  }
0x61: {  	_ =	shalt  }
0x62: {  	_ =	shalt  }
0x63: {  	_ =	shalt  }
0x64: {  	_ =	shalt  }
0x65: {  	_ =	shalt  }
0x66: {  	_ =	shalt  }
0x67: {  	_ =	shalt  }
0x68: {  	_ =	shalt  }
0x69: {  	_ =	shalt  }
0x6a: {  	_ =	shalt  }
0x6b: {  	_ =	shalt  }
0x6c: {  	_ =	shalt  }
0x6d: {  	_ =	shalt  }
0x6e: {  	_ =	shalt  }
0x6f: {  	_ =	shalt  }
0x70: {  	_ =	shalt  }
0x71: {  	_ =	shalt  }
0x72: {  	_ =	shalt  }
0x73: {  	_ =	shalt  }
0x74: {  	_ =	shalt  }
0x75: {  	_ =	shalt  }
0x76: {  	_ =	shalt  }
0x77: {  	_ =	shalt  }
0x78: {  	_ =	shalt  }
0x79: {  	_ =	shalt  }
0x7a: {  	_ =	shalt  }
0x7b: {  	_ =	shalt  }
0x7c: {  	_ =	shalt  }
0x7d: {  	_ =	shalt  }
0x7e: {  	_ =	shalt  }
0x7f: {  	_ =	shalt  }
0x80: {  	_ =	shalt  }
0x81: {  	_ =	shalt  }
0x82: {  	_ =	shalt  }
0x83: {  	_ =	shalt  }
0x84: {  	_ =	shalt  }
0x85: {  	_ =	shalt  }
0x86: {  	_ =	shalt  }
0x87: {  	_ =	shalt  }
.Lfunc_end0:
.L_simem_size_0:
called_computation.3_lowered:
.L_overlay_start_0:
0x88: {  	s2 =	sld [smem:$0x3FD9]  }
0x89: {  	s3 =	sld [smem:$0x3FFE];
	_ =	sdelay $0x1  }
0x8a: {  	s1 =	srdreg.scid  }
0x8b: {  	s0 =	sand.u32 $0x1, s1  }
0x8c: {  	s16 =	sshll.u32 s0, $0xA;
	s2 =	sadd.s32 s3, s2  }
0x8d: {  	s2 =	sadd.s32 s2, s16  }
0x8e: {  	[smem:$0x3FBC] =	sst s2  }
0x8f: {  	_ = 	snop  }
0x90: {  	(tm) =	ssettm $0x1  }
0x91: {  	s17 =	sld [smem:$0x3FFB];
	_ =	sdelay $0x3  }
0x92: {  	_ =	strace s17  }
0x93: {  	s2 =	sld [smem:$0x3FFC];
	_ =	sdelay $0x3  }
0x94: {  	_ =	strace s2  }
0x95: {  	s2 =	sld [smem:$0x3FFD];
	_ =	sdelay $0x3  }
0x96: {  	_ =	strace s2  }
0x97: {  	_ =	strace $0x8FFFFFFF  }
0x98: {  	s18 =	sld [smem:$0x3FDB];
	_ =	sdelay $0x1  }
0x99: {  	s19 =	simm.s32 $_scs_section_size  }
0x9a: {  	s4 =	simm.s32 $_size__tile_overlayer_lowered;
	s5 =	simm.s32 $_tile_overlayer_lowered  }
0x9b: {  	s22 =	simm.s32 $0x1BFF;
	s21 =	sshll.u32 s5, $0x1;
	s2 =	sadd.s32 s19, s18  }
0x9c: {  	s6 =	simm.s32 $0x0;
	s20 =	sshll.u32 s4, $0x1;
	s4 =	sadd.s32 s21, s2  }
0x9d: {  	[timem:s6], [sflag:s22] =	dma.local [hbm:s4], s20  }
0x9e: {  	_ =	swait.ge [sflag:s22], s20  }
0x9f: {  	s3 =	ssub.s32 $0x0, s20;
	[sflag:s22] =	ssyncset.done $0x0  }
0xa0: {  	[sflag:s22] =	ssyncadd.s32 s3;
	_ =	sdelay $0x1  }
0xa1: {  	s23 =	simm.s32 $0x1B8B  }
0xa2: {  	_ =	swait.ge [sflag:s23], $0x1  }
0xa3: {  	[sflag:s23] =	ssyncset.done $0x0  }
0xa4: {  	s25 =	simm.s32 $0x1B8E;
	s24 =	sld [smem:$0x3FFE];
	[sflag:s23] =	ssyncadd.s32 $0xFFFFFFFF  }
0xa5: {  	s26 =	simm.s32 $execute0_lowered;
	[smem:$0x3FD2] =	sst s25  }
0xa6: {  	s4 =	sshll.u32 s26, $0x1;
	_ =	strace $0x8000004F;
	[dreg:$0x1] =	wrdreg $0xFFFFFFFF  }
0xa7: {  	s28 =	simm.s32 $_size_execute0_lowered;
	s2 =	sadd.s32 s2, s4;
	[dreg:$0x0] =	wrdreg $0x0  }
0xa8: {  	s4 =	sshll.u32 s28, $0x1;
	[dreg:$0x2] =	wrdreg s2  }
0xa9: {  	[dreg:$0x3] =	wrdreg s4  }
0xaa: {  	[dreg:$0x4] =	wrdreg $0xC0  }
0xab: {  	_ =	task [dreg:s6], $0x5FFFF  }
0xac: {  	[dreg:$0x1] =	wrdreg $0xFFFFFFFF  }
0xad: {  	[dreg:$0x0] =	wrdreg $0x60  }
0xae: {  	[dreg:$0x2] =	wrdreg s24  }
0xaf: {  	[dreg:$0x3] =	wrdreg $0x90000  }
0xb0: {  	[dreg:$0x4] =	wrdreg $0x9  }
0xb1: {  	_ =	task.clear_ibuf [dreg:s6], $0x5FFFF;
	_ =	strace $0x9000004F  }
0xb2: {  	s29 =	simm.s32 $0x9;
	_ =	strace $0x80000051  }
0xb3: {  	_ =	swait.ge [sflag:s29], $0x1  }
0xb4: {  	[sflag:s29] =	ssyncadd.s32 $0xFFFFFFFF  }
0xb5: {  	_ =	strace $0x90000051  }
0xb6: {  	_ =	sfence  }
0xb7: {  	s30 =	sld [smem:$0x0];
	_ =	sdelay $0x2  }
0xb8: {  	s31 =	sshll.u32 s1, $0xD;
	s1 =	sshrl.u32 s1, $0x2  }
0xb9: {  	s3 =	sand.u32 $0x4000, s31;
	s1 =	sadd.s32 s1, s30  }
0xba: {  	s0 =	sor.u32 s3, s0;
	s1 =	sshll.u32 s1, $0x11  }
0xbb: {  	s0 =	sor.u32 s1, s0  }
0xbc: {  	s0 =	sadd.s32 $0x8F2B, s0  }
0xbd: {  	[sflag:s0] =	ssyncadd.remote.s32 $0x1  }
0xbe: {  	_ =	sfence.sel $0xFFFF  }
0xbf: {  	[dreg:$0x0] =	wrdreg $0xFFFFFFFF;
	(pc) =	sbr.abs _section_cstart, $3  }
0xc0: {  	[dreg:$0x1] =	wrdreg $0xFFFFFFFF  }
0xc1: {  	_ =	task.clear_ibuf [dreg:s6], $0x2FFFF;
	_ =	strace $0x9FFFFFFF  }
0xc2: {  	(tm) =	ssettm $0x7FFFFFFF  }
0xc3: {  	_ =	shalt  }
tec
execute0_lowered:
.L_overlay_start_1:
0x0: {  	(tag) =	ssettag $0x1  }
0x1: {  	s0 =	srdreg.scid;
	s6 =	rddreg [dreg:$0x0]  }
0x2: {  	s2 =	rddreg [dreg:$0x1];
	s3 =	simm.s32 $0x0;
	s14 =	simm.s32 $0x80  }
0x3: {  	s15 =	simm.s32 $0x5000;
	s5 =	sand.u32 $0x1, s0;
	s0 =	stileid.u32  }
0x4: {  	s16 =	simm.s32 $0x1;
	s17 =	simm.s32 $0x0;
	s8 =	smul.u32 $0x14000, s0  }
0x5: {  	[smem:$0x7FF] =	sst s3;
	s1 =	sshll.u32 s5, $0x4;
	s9 =	smul.u32 $0x140000, s5  }
0x6: {  	s5 =	ssub.s32 $0x2, s5;
	s29 =	smul.u32 $0x50000, s0;
	s31 =	sshll.u32 s0, $0x6  }
0x7: {  	s4 =	sor.u32 s0, s1;
	s1 =	rddreg [dreg:$0x2];
	_ =	strace $0x80000050  }
0x8: {  	s11 =	sshrl.u32 s5, $0x1;
	s7 =	smul.u32 $0x500, s4;
	s4 =	sadd.s32 $0x38600, s6  }
0x9: {  	s28 =	sshrl.u32 s8, $0x3;
	s8 =	sadd.s32 s8, s9;
	s30 =	sshrl.u32 s29, $0x2  }
0xa: {  	s11 =	ssub.s32 s5, s11;
	s8 =	sshrl.u32 s8, $0x3;
	s13 =	sadd.s32 s30, s2  }
0xb: {  	s10 =	sadd.s32 s7, s6;
	s7 =	sadd.s32 s28, s6;
	s12 =	sadd.s32 s8, s6  }
0xc: {  	s6 =	sor.u32 $0x1C02, s31;
	s5 =	sadd.s32 $0x10600, s7;
	s7 =	sadd.s32 $0x88E00, s10  }
0xd: {  	s8 =	sadd.s32 $0x6600, s10;
	s9 =	sadd.s32 $0x92E00, s12;
	s10 =	smax.u32 s11, $0x1  }
0xe: {  	s11 =	sshrl.u32 s13, $0x3;
	s12 =	simm.s32 $0x2;
	s13 =	simm.s32 $0x2800  }
.LBB2_1:
0xf: {  	[spmem:s11], [sflag:s6] =	dma.local [hbm:s5], $0x2800  }
0x10: {  	_ =	swait.ge [sflag:s12], $0x2800  }
0x11: {  	[sflag:s12] =	ssyncset.done $0x0  }
0x12: {  	[sflag:s12] =	ssyncadd.s32 $0xFFFFD800  }
0x13: {  	[tilespmem:s3], [sflag:$0x2] =	stream.linear.gather [hbm4b:s7+s3], $0x2780, $0x38;
	[tilespmem:$0x1D000] =	vst v63  }
0x14: {  	_ =	swait.ge [sflag:s12], $0x2780  }
0x15: {  	[sflag:s12] =	ssyncset.done $0x0  }
0x16: {  	[sflag:s12] =	ssyncadd.s32 $0xFFFFD880  }
0x17: {  	[tilespmem:s13], [sflag:$0x2] =	stream.linear.gather [hbm4b:s8+s3], $0x2780, $0x38;
	[tilespmem:$0x1D000] =	vst v63  }
0x18: {  	_ =	swait.ge [sflag:s12], $0x2780  }
0x19: {  	[sflag:s12] =	ssyncset.done $0x0  }
0x1a: {  	[sflag:s12] =	ssyncadd.s32 $0xFFFFD880  }
0x1b: {  	s18 =	simm.s32 $0x0;
	[bflag:$0x0] =	sbarrier.arrive $0xFFFF  }
0x1c: {  	[tilespmem:s15], [sflag:$0x1] =	stream.indirect.gather [hbm4b:s4+s14], $0x80, s18, s14, $0xb8;
	[tilespmem:$0x1D000] =	vst v63  }
0x1d: {  	_ =	swait.ge [sflag:s16], $0x4000  }
0x1e: {  	[sflag:s16] =	ssyncset.done $0x0  }
0x1f: {  	s31 =	simm.s32 $0x2800;
	[sflag:s16] =	ssyncadd.s32 $0xFFFFC000  }
0x20: {  	[spmem:s2] =	stream.indirect.scatter.add.f32 [tilespmem:s15], [sflag:$0x2], $0x80, s31, s14, $0xb8;
	[tilespmem:$0x1D000] =	vst v63  }
0x21: {  	_ =	swait.ge [sflag:s12], $0x4000  }
0x22: {  	s19 =	simm.s32 $0x400;
	s18 =	simm.s32 $0x200;
	[sflag:s12] =	ssyncset.done $0x0  }
.LBB2_2:
0x23: {  	s20 =	sshra.s32 s18, $0x2  }
0x24: {  	[sflag:s12] =	ssyncadd.s32 $0xFFFFC000;
	s18 =	smov.u32 s19;
	s21 =	sadd.s32 $0x200, s19  }
0x25: {  	[tilespmem:s15], [sflag:$0x1] =	stream.indirect.gather [hbm4b:s4+s14], $0x80, s20, s14, $0xb8;
	[tilespmem:$0x1D000] =	vst v63  }
0x26: {  	p0 =	sne.s32 s19, $0x9C00;
	_ =	swait.ge [sflag:s16], $0x4000  }
.Ltmp0:
0x27: {  	[sflag:s16] =	ssyncset.done $0x0;
	(pc) =	sbr.rel @p0 .LBB2_2-.Ltmp0, $4  }
0x28: {  	s19 =	sadd.s32 $0x2800, s20;
	[sflag:s16] =	ssyncadd.s32 $0xFFFFC000  }
0x29: {  	[spmem:s2] =	stream.indirect.scatter.add.f32 [tilespmem:s15], [sflag:$0x2], $0x80, s19, s14, $0xb8;
	[tilespmem:$0x1D000] =	vst v63  }
0x2a: {  	_ =	swait.ge [sflag:s12], $0x4000  }
0x2b: {  	s19 =	smov.u32 s21;
	[sflag:s12] =	ssyncset.done $0x0  }
0x2c: {  	s18 =	sshra.s32 s18, $0x2;
	[sflag:s12] =	ssyncadd.s32 $0xFFFFC000  }
0x2d: {  	[tilespmem:s15], [sflag:$0x1] =	stream.indirect.gather [hbm4b:s4+s14], $0x80, s18, s14, $0xb8;
	[tilespmem:$0x1D000] =	vst v63  }
0x2e: {  	_ =	swait.ge [sflag:s16], $0x4000  }
0x2f: {  	[sflag:s16] =	ssyncset.done $0x0  }
0x30: {  	s18 =	sadd.s32 $0x2800, s18;
	[sflag:s16] =	ssyncadd.s32 $0xFFFFC000  }
0x31: {  	[spmem:s2] =	stream.indirect.scatter.add.f32 [tilespmem:s15], [sflag:$0x2], $0x80, s18, s14, $0xb8;
	[tilespmem:$0x1D000] =	vst v63  }
0x32: {  	_ =	swait.ge [sflag:s12], $0x4000  }
0x33: {  	s17 =	sadd.s32 $0x1, s17;
	[sflag:s12] =	ssyncset.done $0x0  }
0x34: {  	p0 =	sne.s32 s17, s10;
	[sflag:s12] =	ssyncadd.s32 $0xFFFFC000  }
.Ltmp1:
0x35: {  	[bflag:$0x0] =	sbarrier.arrive $0xFFFF;
	(pc) =	sbr.rel @p0 .LBB2_1-.Ltmp1, $4  }
0x36: {  	[hbm:s9], [sflag:s6] =	dma.local [spmem:s11], $0x2800  }
0x37: {  	_ =	swait.ge [sflag:s12], $0x2800  }
0x38: {  	[sflag:s12] =	ssyncset.done $0x0  }
0x39: {  	[sflag:s12] =	ssyncadd.s32 $0xFFFFD800  }
0x3a: {  	_ =	sfence.sel $0x180000  }
0x3b: {  	[bflag:$0x0] =	sbarrier.arrive $0xFFFF  }
0x3c: {  	p0 =	sne.s32 s0, $0x0;
	_ =	strace $0x90000050  }
0x3d: {  	s0 =	sadd.s32 @!p0 $0x100000, s1;
	[bflag:$0x2] =	sbarrier.arrive $0xFFFF  }
0x3e: {  	[sflag:s0] =	ssyncadd.tile.s32 @!p0 $0x1;
	_ =	shalt  }
.Lfunc_end2:
_tile_overlayer_lowered:
.L_overlay_start_2:
0x3f: {  	(tag) =	ssettag $0x2  }
0x40: {  	s0 =	rddreg [dreg:$0x0];
	s2 =	stileid.u32  }
0x41: {  	s1 =	rddreg [dreg:$0x1];
	p0 =	sne.s32 s2, $0x0  }
0x42: {  	s3 =	rddreg [dreg:$0x2];
	[bflag:$0x3] =	sbarrier.arrive $0xFFFF;
	s2 =	simm.s32 @!p0 $0x1C02  }
0x43: {  	[timem:s3], [sflag:s2] =	dma.local @!p0 [hbm:s0], s1  }
0x44: {  	s0 =	simm.s32 @!p0 $0x2  }
0x45: {  	_ =	swait.ge @!p0 [sflag:s0], s1  }
0x46: {  	s1 =	ssub.s32 @!p0 $0x0, s1;
	[sflag:s0] =	ssyncset.done @!p0 $0x0  }
0x47: {  	[sflag:s0] =	ssyncadd.s32 @!p0 s1  }
0x48: {  	[bflag:$0x3] =	sbarrier.arrive $0xFFFF  }
0x49: {  	_ =	shalt  }

// kernel: kernel.25.cloned.1.call-start
scs
__scs_entry_jumppad:
0x0: {  	(pc) =	sbr.rel $0x88, $3  }
0x1: {  	(tag) =	ssettag $0x0;
	lr =	simm.s32 $0x1  }
0x2: {  	[smem:$0x3F95] =	sst lr;
	_ =	strace $0xD0000000  }
0x3: {  	_ = 	snop  }
0x4: {  	_ = 	snop  }
0x5: {  	_ = 	snop  }
0x6: {  	_ = 	snop  }
0x7: {  	_ = 	snop  }
__scs_overlays_trampoline_lowered:
0x8: {  	[smem:$0x3FA4] =	sst s0  }
0x9: {  	[smem:$0x3FA5] =	sst s1  }
0xa: {  	[smem:$0x3FA6] =	sst s2  }
0xb: {  	[smem:$0x3FA7] =	sst s3  }
0xc: {  	[smem:$0x3FA8] =	sst s4  }
0xd: {  	[smem:$0x3FA9] =	sst s5  }
0xe: {  	[smem:$0x3FAA] =	sst s6  }
0xf: {  	[smem:$0x3FAB] =	sst s7  }
0x10: {  	[smem:$0x3FAC] =	sst s8  }
0x11: {  	[smem:$0x3FAD] =	sst s9;
	s0 =	simm.s32 @!p0 $0x0  }
0x12: {  	s1 =	sld [smem:$0x3F93];
	s0 =	simm.s32 @p0 $0x1  }
0x13: {  	[smem:$0x3FAE] =	sst s0;
	s0 =	simm.s32 @!p1 $0x0  }
0x14: {  	s2 =	sld [smem:$0x3F92];
	s0 =	simm.s32 @p1 $0x1  }
0x15: {  	[smem:$0x3FAF] =	sst s0;
	s0 =	simm.s32 @!p2 $0x0  }
0x16: {  	s3 =	sld [smem:$0x3FDB];
	s0 =	simm.s32 @p2 $0x1  }
0x17: {  	s4 =	simm.s32 $0x1BF5;
	[smem:$0x3FB1] =	sst s0  }
0x18: {  	s0 =	sld [smem:$0x3F94];
	_ =	swait.ge [sflag:s4], $0x0  }
0x19: {  	s7 =	sld [smem:$0x3F95]  }
0x1a: {  	s8 =	sadd.s32 $0xFFFFE003, lr  }
0x1b: {  	s9 =	sadd.s32 $0xFFFFFEF7, lr;
	s5 =	simm.s32 $0xFFFFFFFF;
	p2 =	slt.u32 s8, $0xFFFFF086  }
0x1c: {  	p1 =	slt.u32 s9, $0xF7A;
	s5 =	simm.s32 @!p2 $0x0  }
0x1d: {  	s5 =	simm.s32 @p1 $0x1;
	p0 =	seq.s32 s7, s2  }
0x1e: {  	s7 =	smul.u32 @!p0 $0xF7A, s2;
	p2 =	seq.s32 @!p0 s5, $0x0  }
0x1f: {  	s9 =	smul.u32 $0xF7A, s1;
	s8 =	simm.s32 @!p0 $0x1BF5;
	p2 =	por !p2, p0  }
0x20: {  	[sflag:s8] =	ssyncset.s32 @!p0 $0xFFFFF086;
	s6 =	sadd.s32 @!p0 s3, s7;
	s7 =	simm.s32 @!p0 $0x108  }
0x21: {  	s3 =	sadd.s32 s3, s9;
	s6 =	sadd.s32 @!p0 $0x88, s6;
	s7 =	simm.s32 @p2 $0x1082  }
0x22: {  	[simem:s7], [sflag:s8] =	dma.local @!p0 [hbm:s6], $0xF7A  }
0x23: {  	s9 =	sor.u32 $0xD0000000, s2;
	s6 =	simm.s32 $0x108;
	_ =	swait.ge @!p0 [sflag:s8], $0x0  }
0x24: {  	s3 =	sadd.s32 $0x88, s3;
	s6 =	simm.s32 @!p1 $0x1082;
	[sflag:s4] =	ssyncset.s32 $0xFFFFF086  }
0x25: {  	[simem:s6], [sflag:s4] =	dma.local [hbm:s3], $0xF7A  }
0x26: {  	[smem:$0x3F95] =	sst s1;
	(tag) =	ssettag s2;
	_ =	strace s9  }
0x27: {  	s1 =	sld [smem:$0x3FA5]  }
0x28: {  	s2 =	sld [smem:$0x3FA6]  }
0x29: {  	s4 =	sld [smem:$0x3FA8]  }
0x2a: {  	p0 =	seq.s32 s5, $0x0;
	s5 =	sld [smem:$0x3FA9]  }
0x2b: {  	s6 =	sld [smem:$0x3FAA]  }
0x2c: {  	s7 =	sld [smem:$0x3FAB]  }
0x2d: {  	s3 =	simm.s32 $0x108;
	s8 =	sld [smem:$0x3FAC]  }
0x2e: {  	s3 =	simm.s32 @!p0 $0x1082;
	s9 =	sld [smem:$0x3FAD]  }
0x2f: {  	lr =	sadd.s32 s0, s3;
	s0 =	sld [smem:$0x3FA4]  }
0x30: {  	s3 =	sld [smem:$0x3FA7]  }
0x31: {  	[smem:$0x3FB0] =	sst s10  }
0x32: {  	s10 =	sld [smem:$0x3FAE];
	_ =	sdelay $0x3  }
0x33: {  	p0 =	seq.s32 s10, $0x1;
	s10 =	sld [smem:$0x3FB0];
	_ =	sdelay $0x3  }
0x34: {  	[smem:$0x3FB0] =	sst s10  }
0x35: {  	s10 =	sld [smem:$0x3FAF];
	_ =	sdelay $0x3  }
0x36: {  	p1 =	seq.s32 s10, $0x1;
	s10 =	sld [smem:$0x3FB0];
	_ =	sdelay $0x3  }
0x37: {  	[smem:$0x3FB0] =	sst s10  }
0x38: {  	s10 =	sld [smem:$0x3FB1]  }
0x39: {  	_ = 	snop;
	(pc) =	sbr.ind lr, $3  }
0x3a: {  	_ = 	snop  }
0x3b: {  	_ = 	snop  }
0x3c: {  	p2 =	seq.s32 s10, $0x1;
	s10 =	sld [smem:$0x3FB0]  }
0x3d: {  	_ =	shalt  }
0x3e: {  	_ =	shalt  }
0x3f: {  	_ =	shalt  }
0x40: {  	_ =	shalt  }
0x41: {  	_ =	shalt  }
0x42: {  	_ =	shalt  }
0x43: {  	_ =	shalt  }
0x44: {  	_ =	shalt  }
0x45: {  	_ =	shalt  }
0x46: {  	_ =	shalt  }
0x47: {  	_ =	shalt  }
0x48: {  	_ =	shalt  }
0x49: {  	_ =	shalt  }
0x4a: {  	_ =	shalt  }
0x4b: {  	_ =	shalt  }
0x4c: {  	_ =	shalt  }
0x4d: {  	_ =	shalt  }
0x4e: {  	_ =	shalt  }
0x4f: {  	_ =	shalt  }
0x50: {  	_ =	shalt  }
0x51: {  	_ =	shalt  }
0x52: {  	_ =	shalt  }
0x53: {  	_ =	shalt  }
0x54: {  	_ =	shalt  }
0x55: {  	_ =	shalt  }
0x56: {  	_ =	shalt  }
0x57: {  	_ =	shalt  }
0x58: {  	_ =	shalt  }
0x59: {  	_ =	shalt  }
0x5a: {  	_ =	shalt  }
0x5b: {  	_ =	shalt  }
0x5c: {  	_ =	shalt  }
0x5d: {  	_ =	shalt  }
0x5e: {  	_ =	shalt  }
0x5f: {  	_ =	shalt  }
0x60: {  	_ =	shalt  }
0x61: {  	_ =	shalt  }
0x62: {  	_ =	shalt  }
0x63: {  	_ =	shalt  }
0x64: {  	_ =	shalt  }
0x65: {  	_ =	shalt  }
0x66: {  	_ =	shalt  }
0x67: {  	_ =	shalt  }
0x68: {  	_ =	shalt  }
0x69: {  	_ =	shalt  }
0x6a: {  	_ =	shalt  }
0x6b: {  	_ =	shalt  }
0x6c: {  	_ =	shalt  }
0x6d: {  	_ =	shalt  }
0x6e: {  	_ =	shalt  }
0x6f: {  	_ =	shalt  }
0x70: {  	_ =	shalt  }
0x71: {  	_ =	shalt  }
0x72: {  	_ =	shalt  }
0x73: {  	_ =	shalt  }
0x74: {  	_ =	shalt  }
0x75: {  	_ =	shalt  }
0x76: {  	_ =	shalt  }
0x77: {  	_ =	shalt  }
0x78: {  	_ =	shalt  }
0x79: {  	_ =	shalt  }
0x7a: {  	_ =	shalt  }
0x7b: {  	_ =	shalt  }
0x7c: {  	_ =	shalt  }
0x7d: {  	_ =	shalt  }
0x7e: {  	_ =	shalt  }
0x7f: {  	_ =	shalt  }
0x80: {  	_ =	shalt  }
0x81: {  	_ =	shalt  }
0x82: {  	_ =	shalt  }
0x83: {  	_ =	shalt  }
0x84: {  	_ =	shalt  }
0x85: {  	_ =	shalt  }
0x86: {  	_ =	shalt  }
0x87: {  	_ =	shalt  }
.Lfunc_end0:
.L_simem_size_0:
called_computation.4_lowered:
.L_overlay_start_0:
0x88: {  	s2 =	sld [smem:$0x3FD9]  }
0x89: {  	s3 =	sld [smem:$0x3FFE];
	_ =	sdelay $0x1  }
0x8a: {  	s1 =	srdreg.scid  }
0x8b: {  	s0 =	sand.u32 $0x1, s1  }
0x8c: {  	s16 =	sshll.u32 s0, $0xA;
	s2 =	sadd.s32 s3, s2  }
0x8d: {  	s2 =	sadd.s32 s2, s16  }
0x8e: {  	[smem:$0x3FBC] =	sst s2  }
0x8f: {  	_ = 	snop  }
0x90: {  	(tm) =	ssettm $0x1  }
0x91: {  	s17 =	sld [smem:$0x3FFB];
	_ =	sdelay $0x3  }
0x92: {  	_ =	strace s17  }
0x93: {  	s2 =	sld [smem:$0x3FFC];
	_ =	sdelay $0x3  }
0x94: {  	_ =	strace s2  }
0x95: {  	s2 =	sld [smem:$0x3FFD];
	_ =	sdelay $0x3  }
0x96: {  	_ =	strace s2  }
0x97: {  	_ =	strace $0x8FFFFFFF  }
0x98: {  	s18 =	sld [smem:$0x3FDB];
	_ =	sdelay $0x1  }
0x99: {  	s19 =	simm.s32 $_scs_section_size  }
0x9a: {  	s4 =	simm.s32 $_size__tile_overlayer_lowered;
	s5 =	simm.s32 $_tile_overlayer_lowered  }
0x9b: {  	s22 =	simm.s32 $0x1BFF;
	s21 =	sshll.u32 s5, $0x1;
	s2 =	sadd.s32 s19, s18  }
0x9c: {  	s6 =	simm.s32 $0x0;
	s20 =	sshll.u32 s4, $0x1;
	s4 =	sadd.s32 s21, s2  }
0x9d: {  	[timem:s6], [sflag:s22] =	dma.local [hbm:s4], s20  }
0x9e: {  	_ =	swait.ge [sflag:s22], s20  }
0x9f: {  	s3 =	ssub.s32 $0x0, s20;
	[sflag:s22] =	ssyncset.done $0x0  }
0xa0: {  	[sflag:s22] =	ssyncadd.s32 s3;
	_ =	sdelay $0x1  }
0xa1: {  	s23 =	simm.s32 $0x1B8B  }
0xa2: {  	_ =	swait.ge [sflag:s23], $0x1  }
0xa3: {  	[sflag:s23] =	ssyncset.done $0x0  }
0xa4: {  	s25 =	simm.s32 $0x1B8E;
	s24 =	sld [smem:$0x3FFE];
	[sflag:s23] =	ssyncadd.s32 $0xFFFFFFFF  }
0xa5: {  	s26 =	simm.s32 $execute0_lowered;
	[smem:$0x3FD2] =	sst s25  }
0xa6: {  	s4 =	sshll.u32 s26, $0x1;
	_ =	strace $0x80000052;
	[dreg:$0x1] =	wrdreg $0xFFFFFFFF  }
0xa7: {  	s28 =	simm.s32 $_size_execute0_lowered;
	s2 =	sadd.s32 s2, s4;
	[dreg:$0x0] =	wrdreg $0x0  }
0xa8: {  	s4 =	sshll.u32 s28, $0x1;
	[dreg:$0x2] =	wrdreg s2  }
0xa9: {  	[dreg:$0x3] =	wrdreg s4  }
0xaa: {  	[dreg:$0x4] =	wrdreg $0xC0  }
0xab: {  	_ =	task [dreg:s6], $0x5FFFF  }
0xac: {  	[dreg:$0x1] =	wrdreg $0xFFFFFFFF  }
0xad: {  	[dreg:$0x0] =	wrdreg $0x60  }
0xae: {  	[dreg:$0x2] =	wrdreg s24  }
0xaf: {  	[dreg:$0x3] =	wrdreg $0x90000  }
0xb0: {  	[dreg:$0x4] =	wrdreg $0x9  }
0xb1: {  	_ =	task.clear_ibuf [dreg:s6], $0x5FFFF;
	_ =	strace $0x90000052  }
0xb2: {  	s29 =	simm.s32 $0x9;
	_ =	strace $0x80000054  }
0xb3: {  	_ =	swait.ge [sflag:s29], $0x1  }
0xb4: {  	[sflag:s29] =	ssyncadd.s32 $0xFFFFFFFF  }
0xb5: {  	_ =	strace $0x90000054  }
0xb6: {  	_ =	sfence  }
0xb7: {  	s30 =	sld [smem:$0x0];
	_ =	sdelay $0x2  }
0xb8: {  	s31 =	sshll.u32 s1, $0xD;
	s1 =	sshrl.u32 s1, $0x2  }
0xb9: {  	s3 =	sand.u32 $0x4000, s31;
	s1 =	sadd.s32 s1, s30  }
0xba: {  	s0 =	sor.u32 s3, s0;
	s1 =	sshll.u32 s1, $0x11  }
0xbb: {  	s0 =	sor.u32 s1, s0  }
0xbc: {  	s0 =	sadd.s32 $0x8F2B, s0  }
0xbd: {  	[sflag:s0] =	ssyncadd.remote.s32 $0x1  }
0xbe: {  	_ =	sfence.sel $0xFFFF  }
0xbf: {  	[dreg:$0x0] =	wrdreg $0xFFFFFFFF;
	(pc) =	sbr.abs _section_cstart, $3  }
0xc0: {  	[dreg:$0x1] =	wrdreg $0xFFFFFFFF  }
0xc1: {  	_ =	task.clear_ibuf [dreg:s6], $0x2FFFF;
	_ =	strace $0x9FFFFFFF  }
0xc2: {  	(tm) =	ssettm $0x7FFFFFFF  }
0xc3: {  	_ =	shalt  }
tec
execute0_lowered:
.L_overlay_start_1:
0x0: {  	(tag) =	ssettag $0x1  }
0x1: {  	s0 =	srdreg.scid;
	s6 =	rddreg [dreg:$0x0]  }
0x2: {  	s2 =	rddreg [dreg:$0x1];
	s3 =	simm.s32 $0x0;
	s14 =	simm.s32 $0x80  }
0x3: {  	s15 =	simm.s32 $0x5000;
	s5 =	sand.u32 $0x1, s0;
	s0 =	stileid.u32  }
0x4: {  	s16 =	simm.s32 $0x1;
	s17 =	simm.s32 $0x0;
	s8 =	smul.u32 $0x14000, s0  }
0x5: {  	[smem:$0x7FF] =	sst s3;
	s1 =	sshll.u32 s5, $0x4;
	s9 =	smul.u32 $0x140000, s5  }
0x6: {  	s5 =	ssub.s32 $0x2, s5;
	s29 =	smul.u32 $0x50000, s0;
	s31 =	sshll.u32 s0, $0x6  }
0x7: {  	s4 =	sor.u32 s0, s1;
	s1 =	rddreg [dreg:$0x2];
	_ =	strace $0x80000053  }
0x8: {  	s11 =	sshrl.u32 s5, $0x1;
	s7 =	smul.u32 $0x500, s4;
	s4 =	sadd.s32 $0x38600, s6  }
0x9: {  	s28 =	sshrl.u32 s8, $0x3;
	s8 =	sadd.s32 s8, s9;
	s30 =	sshrl.u32 s29, $0x2  }
0xa: {  	s11 =	ssub.s32 s5, s11;
	s8 =	sshrl.u32 s8, $0x3;
	s13 =	sadd.s32 s30, s2  }
0xb: {  	s10 =	sadd.s32 s7, s6;
	s7 =	sadd.s32 s28, s6;
	s12 =	sadd.s32 s8, s6  }
0xc: {  	s6 =	sor.u32 $0x1C02, s31;
	s5 =	sadd.s32 $0x10600, s7;
	s7 =	sadd.s32 $0x88E00, s10  }
0xd: {  	s8 =	sadd.s32 $0x6600, s10;
	s9 =	sadd.s32 $0x92E00, s12;
	s10 =	smax.u32 s11, $0x1  }
0xe: {  	s11 =	sshrl.u32 s13, $0x3;
	s12 =	simm.s32 $0x2;
	s13 =	simm.s32 $0x2800  }
.LBB2_1:
0xf: {  	[spmem:s11], [sflag:s6] =	dma.local [hbm:s5], $0x2800  }
0x10: {  	_ =	swait.ge [sflag:s12], $0x2800  }
0x11: {  	[sflag:s12] =	ssyncset.done $0x0  }
0x12: {  	[sflag:s12] =	ssyncadd.s32 $0xFFFFD800  }
0x13: {  	[tilespmem:s3], [sflag:$0x2] =	stream.linear.gather [hbm4b:s7+s3], $0x2780, $0x38;
	[tilespmem:$0x1D000] =	vst v63  }
0x14: {  	_ =	swait.ge [sflag:s12], $0x2780  }
0x15: {  	[sflag:s12] =	ssyncset.done $0x0  }
0x16: {  	[sflag:s12] =	ssyncadd.s32 $0xFFFFD880  }
0x17: {  	[tilespmem:s13], [sflag:$0x2] =	stream.linear.gather [hbm4b:s8+s3], $0x2780, $0x38;
	[tilespmem:$0x1D000] =	vst v63  }
0x18: {  	_ =	swait.ge [sflag:s12], $0x2780  }
0x19: {  	[sflag:s12] =	ssyncset.done $0x0  }
0x1a: {  	[sflag:s12] =	ssyncadd.s32 $0xFFFFD880  }
0x1b: {  	s18 =	simm.s32 $0x0;
	[bflag:$0x0] =	sbarrier.arrive $0xFFFF  }
0x1c: {  	[tilespmem:s15], [sflag:$0x1] =	stream.indirect.gather [hbm4b:s4+s14], $0x80, s18, s14, $0xb8;
	[tilespmem:$0x1D000] =	vst v63  }
0x1d: {  	_ =	swait.ge [sflag:s16], $0x4000  }
0x1e: {  	[sflag:s16] =	ssyncset.done $0x0  }
0x1f: {  	s31 =	simm.s32 $0x2800;
	[sflag:s16] =	ssyncadd.s32 $0xFFFFC000  }
0x20: {  	[spmem:s2] =	stream.indirect.scatter.add.f32 [tilespmem:s15], [sflag:$0x2], $0x80, s31, s14, $0xb8;
	[tilespmem:$0x1D000] =	vst v63  }
0x21: {  	_ =	swait.ge [sflag:s12], $0x4000  }
0x22: {  	s19 =	simm.s32 $0x400;
	s18 =	simm.s32 $0x200;
	[sflag:s12] =	ssyncset.done $0x0  }
.LBB2_2:
0x23: {  	s20 =	sshra.s32 s18, $0x2  }
0x24: {  	[sflag:s12] =	ssyncadd.s32 $0xFFFFC000;
	s18 =	smov.u32 s19;
	s21 =	sadd.s32 $0x200, s19  }
0x25: {  	[tilespmem:s15], [sflag:$0x1] =	stream.indirect.gather [hbm4b:s4+s14], $0x80, s20, s14, $0xb8;
	[tilespmem:$0x1D000] =	vst v63  }
0x26: {  	p0 =	sne.s32 s19, $0x9C00;
	_ =	swait.ge [sflag:s16], $0x4000  }
.Ltmp0:
0x27: {  	[sflag:s16] =	ssyncset.done $0x0;
	(pc) =	sbr.rel @p0 .LBB2_2-.Ltmp0, $4  }
0x28: {  	s19 =	sadd.s32 $0x2800, s20;
	[sflag:s16] =	ssyncadd.s32 $0xFFFFC000  }
0x29: {  	[spmem:s2] =	stream.indirect.scatter.add.f32 [tilespmem:s15], [sflag:$0x2], $0x80, s19, s14, $0xb8;
	[tilespmem:$0x1D000] =	vst v63  }
0x2a: {  	_ =	swait.ge [sflag:s12], $0x4000  }
0x2b: {  	s19 =	smov.u32 s21;
	[sflag:s12] =	ssyncset.done $0x0  }
0x2c: {  	s18 =	sshra.s32 s18, $0x2;
	[sflag:s12] =	ssyncadd.s32 $0xFFFFC000  }
0x2d: {  	[tilespmem:s15], [sflag:$0x1] =	stream.indirect.gather [hbm4b:s4+s14], $0x80, s18, s14, $0xb8;
	[tilespmem:$0x1D000] =	vst v63  }
0x2e: {  	_ =	swait.ge [sflag:s16], $0x4000  }
0x2f: {  	[sflag:s16] =	ssyncset.done $0x0  }
0x30: {  	s18 =	sadd.s32 $0x2800, s18;
	[sflag:s16] =	ssyncadd.s32 $0xFFFFC000  }
0x31: {  	[spmem:s2] =	stream.indirect.scatter.add.f32 [tilespmem:s15], [sflag:$0x2], $0x80, s18, s14, $0xb8;
	[tilespmem:$0x1D000] =	vst v63  }
0x32: {  	_ =	swait.ge [sflag:s12], $0x4000  }
0x33: {  	s17 =	sadd.s32 $0x1, s17;
	[sflag:s12] =	ssyncset.done $0x0  }
0x34: {  	p0 =	sne.s32 s17, s10;
	[sflag:s12] =	ssyncadd.s32 $0xFFFFC000  }
.Ltmp1:
0x35: {  	[bflag:$0x0] =	sbarrier.arrive $0xFFFF;
	(pc) =	sbr.rel @p0 .LBB2_1-.Ltmp1, $4  }
0x36: {  	[hbm:s9], [sflag:s6] =	dma.local [spmem:s11], $0x2800  }
0x37: {  	_ =	swait.ge [sflag:s12], $0x2800  }
0x38: {  	[sflag:s12] =	ssyncset.done $0x0  }
0x39: {  	[sflag:s12] =	ssyncadd.s32 $0xFFFFD800  }
0x3a: {  	_ =	sfence.sel $0x180000  }
0x3b: {  	[bflag:$0x0] =	sbarrier.arrive $0xFFFF  }
0x3c: {  	p0 =	sne.s32 s0, $0x0;
	_ =	strace $0x90000053  }
0x3d: {  	s0 =	sadd.s32 @!p0 $0x100000, s1;
	[bflag:$0x2] =	sbarrier.arrive $0xFFFF  }
0x3e: {  	[sflag:s0] =	ssyncadd.tile.s32 @!p0 $0x1;
	_ =	shalt  }
.Lfunc_end2:
_tile_overlayer_lowered:
.L_overlay_start_2:
0x3f: {  	(tag) =	ssettag $0x2  }
0x40: {  	s0 =	rddreg [dreg:$0x0];
	s2 =	stileid.u32  }
0x41: {  	s1 =	rddreg [dreg:$0x1];
	p0 =	sne.s32 s2, $0x0  }
0x42: {  	s3 =	rddreg [dreg:$0x2];
	[bflag:$0x3] =	sbarrier.arrive $0xFFFF;
	s2 =	simm.s32 @!p0 $0x1C02  }
0x43: {  	[timem:s3], [sflag:s2] =	dma.local @!p0 [hbm:s0], s1  }
0x44: {  	s0 =	simm.s32 @!p0 $0x2  }
0x45: {  	_ =	swait.ge @!p0 [sflag:s0], s1  }
0x46: {  	s1 =	ssub.s32 @!p0 $0x0, s1;
	[sflag:s0] =	ssyncset.done @!p0 $0x0  }
0x47: {  	[sflag:s0] =	ssyncadd.s32 @!p0 s1  }
0x48: {  	[bflag:$0x3] =	sbarrier.arrive $0xFFFF  }
0x49: {  	_ =	shalt  }

</sc_bundles>
